<compile_context>
chip_gen: v7x
topology: tpu7x:2x2x1
jax: 0.10.2.dev20260603
libtpu: 0.0.44.dev20260713+nightly
codegen_flags: <defaults>
</compile_context>

<pallas_src>
import functools

import jax
import jax.numpy as jnp
from jax import lax
from jax.experimental import pallas as pl
from jax.experimental.pallas import tpu as pltpu
from jax.experimental.pallas import tpu_sc as plsc

M = 256
IT = 256
DT = 256



def _router_body(x_ref, gw_ref, sgw_ref, gv_ref, ti_ref, tw_ref, sg_ref):
    x = x_ref[...]
    gv = lax.dot_general(x, gw_ref[...], (((1,), (1,)), ((), ())),
                         preferred_element_type=jnp.float32)
    E = gv.shape[1]
    m = jnp.max(gv, axis=1, keepdims=True)
    p = jnp.exp(gv - m)
    s = p / jnp.sum(p, axis=1, keepdims=True)
    lane = lax.broadcasted_iota(jnp.int32, gv.shape, 1)
    eq1 = gv == m
    i1 = jnp.min(jnp.where(eq1, lane, E), axis=1, keepdims=True)
    sel1 = lane == i1
    gv2 = jnp.where(sel1, jnp.float32(-jnp.inf), gv)
    mx2 = jnp.max(gv2, axis=1, keepdims=True)
    eq2 = jnp.logical_and(jnp.logical_not(sel1), gv2 == mx2)
    i2 = jnp.min(jnp.where(eq2, lane, E), axis=1, keepdims=True)
    sel2 = lane == i2
    w1 = jnp.sum(jnp.where(sel1, s, 0.0), axis=1, keepdims=True)
    w2 = jnp.sum(jnp.where(sel2, s, 0.0), axis=1, keepdims=True)
    Tb = x.shape[0]
    zi = jnp.zeros((Tb, 6), jnp.int32)
    zf = jnp.zeros((Tb, 6), jnp.float32)
    gv_ref[...] = gv
    ti_ref[...] = jnp.concatenate([i1, i2, zi], axis=1)
    tw_ref[...] = jnp.concatenate([w1, w2, zf], axis=1)
    sg_ref[...] = jax.nn.sigmoid(
        lax.dot_general(x, sgw_ref[...], (((1,), (1,)), ((), ())),
                        preferred_element_type=jnp.float32))


def _router(x, gate_w, shared_gate_w):
    T, D = x.shape
    E = gate_w.shape[0]
    Tb = 256
    return pl.pallas_call(
        _router_body,
        grid=(T // Tb,),
        in_specs=[
            pl.BlockSpec((Tb, D), lambda i: (i, 0)),
            pl.BlockSpec((E, D), lambda i: (0, 0)),
            pl.BlockSpec((1, D), lambda i: (0, 0)),
        ],
        out_specs=[
            pl.BlockSpec((Tb, E), lambda i: (i, 0)),
            pl.BlockSpec((Tb, 8), lambda i: (i, 0)),
            pl.BlockSpec((Tb, 8), lambda i: (i, 0)),
            pl.BlockSpec((Tb, 1), lambda i: (i, 0)),
        ],
        out_shape=[
            jax.ShapeDtypeStruct((T, E), jnp.float32),
            jax.ShapeDtypeStruct((T, 8), jnp.int32),
            jax.ShapeDtypeStruct((T, 8), jnp.float32),
            jax.ShapeDtypeStruct((T, 1), jnp.float32),
        ],
    )(x, gate_w, shared_gate_w)



def _make_gather(P, D):
    NW = 32
    rows_per_w = P // NW
    CH = 16
    mesh = plsc.VectorSubcoreMesh(core_axis_name="c", subcore_axis_name="s")

    @functools.partial(
        pl.kernel,
        out_type=jax.ShapeDtypeStruct((P, D), jnp.float32),
        mesh=mesh,
        scratch_types=[
            pltpu.VMEM((CH,), jnp.int32),
            pltpu.VMEM((CH, D), jnp.float32),
            pltpu.SemaphoreType.DMA,
        ],
    )
    def gather(x_hbm, tok_hbm, xs_hbm, idx_v, rows_v, sem):
        wid = lax.axis_index("s") * 2 + lax.axis_index("c")
        base = wid * rows_per_w

        def body(t, _):
            off = pl.multiple_of(base + t * CH, CH)
            pltpu.sync_copy(tok_hbm.at[pl.ds(off, CH)], idx_v)
            pltpu.async_copy(x_hbm.at[idx_v], rows_v, sem).wait()
            pltpu.sync_copy(rows_v, xs_hbm.at[pl.ds(off, CH)])
            return 0

        lax.fori_loop(0, rows_per_w // CH, body, 0)

    return gather



def _gmm_body(eof_ref, xs_ref, wg_ref, wu_ref, wd_ref, wof_ref, out_ref,
              h_ref, *, nI, nD):
    j = pl.program_id(1)

    @pl.when(j < nI)
    def _():
        x = xs_ref[...]
        g = lax.dot_general(x, wg_ref[0], (((1,), (1,)), ((), ())),
                            preferred_element_type=jnp.float32)
        u = lax.dot_general(x, wu_ref[0], (((1,), (1,)), ((), ())),
                            preferred_element_type=jnp.float32)
        h = (g * jax.nn.sigmoid(g)) * u
        h_ref[pl.ds(j, 1)] = h[None]

    @pl.when(j >= nI)
    def _():
        wd = wd_ref[0]
        acc = jnp.zeros((xs_ref.shape[0], wd.shape[0]), jnp.float32)
        for r in range(nI):
            acc = acc + lax.dot_general(
                h_ref[r], wd[:, r * IT:(r + 1) * IT],
                (((1,), (1,)), ((), ())),
                preferred_element_type=jnp.float32)
        out_ref[...] = acc * wof_ref[...]


def _gmm(xs, Wg, Wu, Wd, wof, eof, NB):
    P, D = xs.shape
    E, I, _ = Wg.shape
    nI = I // IT
    nD = D // DT
    body = functools.partial(_gmm_body, nI=nI, nD=nD)
    grid = (NB, nI + nD)
    return pl.pallas_call(
        body,
        grid_spec=pltpu.PrefetchScalarGridSpec(
            num_scalar_prefetch=1,
            grid=grid,
            in_specs=[
                pl.BlockSpec((M, D), lambda b, j, eof: (b, 0)),
                pl.BlockSpec((1, IT, D),
                             lambda b, j, eof: (eof[b],
                                                jnp.minimum(j, nI - 1), 0)),
                pl.BlockSpec((1, IT, D),
                             lambda b, j, eof: (eof[b],
                                                jnp.minimum(j, nI - 1), 0)),
                pl.BlockSpec((1, DT, I),
                             lambda b, j, eof: (eof[b],
                                                jnp.maximum(j - nI, 0), 0)),
                pl.BlockSpec((M, 1), lambda b, j, eof: (b, 0)),
            ],
            out_specs=pl.BlockSpec(
                (M, DT), lambda b, j, eof: (b, jnp.maximum(j - nI, 0))),
            scratch_shapes=[pltpu.VMEM((nI, M, IT), jnp.float32)],
        ),
        out_shape=jax.ShapeDtypeStruct((P, D), jnp.float32),
        compiler_params=pltpu.CompilerParams(
            dimension_semantics=("arbitrary", "arbitrary"),
        ),
    )(eof, xs, Wg, Wu, Wd, wof)



def _shared_body(x_ref, wg_ref, wu_ref, wd_ref, sg_ref, g1_ref, g2_ref,
                 out_ref, h_ref, *, nI, nD):
    j = pl.program_id(1)

    @pl.when(j < nI)
    def _():
        x = x_ref[...]
        g = lax.dot_general(x, wg_ref[...], (((1,), (1,)), ((), ())),
                            preferred_element_type=jnp.float32)
        u = lax.dot_general(x, wu_ref[...], (((1,), (1,)), ((), ())),
                            preferred_element_type=jnp.float32)
        h = (g * jax.nn.sigmoid(g)) * u
        h_ref[pl.ds(j, 1)] = h[None]

    @pl.when(j >= nI)
    def _():
        wd = wd_ref[...]
        acc = jnp.zeros((x_ref.shape[0], wd.shape[0]), jnp.float32)
        for r in range(nI):
            acc = acc + lax.dot_general(
                h_ref[r], wd[:, r * IT:(r + 1) * IT],
                (((1,), (1,)), ((), ())),
                preferred_element_type=jnp.float32)
        out_ref[...] = acc * sg_ref[...] + g1_ref[...] + g2_ref[...]


def _shared(x, sWg, sWu, sWd, sg, g1, g2):
    T, D = x.shape
    I = sWg.shape[0]
    nI = I // IT
    nD = D // DT
    body = functools.partial(_shared_body, nI=nI, nD=nD)
    return pl.pallas_call(
        body,
        grid=(T // M, nI + nD),
        in_specs=[
            pl.BlockSpec((M, D), lambda b, j: (b, 0)),
            pl.BlockSpec((IT, D), lambda b, j: (jnp.minimum(j, nI - 1), 0)),
            pl.BlockSpec((IT, D), lambda b, j: (jnp.minimum(j, nI - 1), 0)),
            pl.BlockSpec((DT, I), lambda b, j: (jnp.maximum(j - nI, 0), 0)),
            pl.BlockSpec((M, 1), lambda b, j: (b, 0)),
            pl.BlockSpec((M, DT), lambda b, j: (b, jnp.maximum(j - nI, 0))),
            pl.BlockSpec((M, DT), lambda b, j: (b, jnp.maximum(j - nI, 0))),
        ],
        out_specs=pl.BlockSpec(
            (M, DT), lambda b, j: (b, jnp.maximum(j - nI, 0))),
        scratch_shapes=[pltpu.VMEM((nI, M, IT), jnp.float32)],
        out_shape=jax.ShapeDtypeStruct((T, D), jnp.float32),
        compiler_params=pltpu.CompilerParams(
            dimension_semantics=("arbitrary", "arbitrary"),
        ),
    )(x, sWg, sWu, sWd, sg, g1, g2)




def kernel(hidden_states, gate_w, Wg, Wu, Wd, sWg, sWu, sWd, shared_gate_w):
    B, S, D = hidden_states.shape
    x = hidden_states.reshape(-1, D)
    T = x.shape[0]
    E, I, _ = Wg.shape
    K = 2
    NB = K * T // M + E
    P = NB * M

    gate_vals, topidx, topw, sg = _router(x, gate_w, shared_gate_w)

    e_items = topidx[:, :K].reshape(-1)
    w_items = topw[:, :K].reshape(-1)
    order = jnp.argsort(e_items, stable=True)
    counts = jnp.bincount(e_items, length=E)
    padded = (counts + M - 1) // M * M
    gbase = jnp.concatenate([jnp.zeros(1, padded.dtype),
                             jnp.cumsum(padded)[:-1]])
    sstart = jnp.concatenate([jnp.zeros(1, counts.dtype),
                              jnp.cumsum(counts)[:-1]])
    se = e_items[order]
    dest = (gbase[se] + jnp.arange(K * T) - sstart[se]).astype(jnp.int32)
    tok_of = jnp.zeros((P,), jnp.int32).at[dest].set(
        (order // K).astype(jnp.int32))
    w_of = jnp.zeros((P,), jnp.float32).at[dest].set(w_items[order])
    pos_items = jnp.zeros((K * T,), jnp.int32).at[order].set(dest)
    pos = pos_items.reshape(T, K).T.reshape(-1)
    totblk = jnp.sum(padded) // M
    bc = jnp.minimum(jnp.arange(NB), totblk - 1)
    eof = (jnp.sum(bc[:, None] >= (gbase // M)[None, :].astype(bc.dtype),
                   axis=1) - 1).astype(jnp.int32)

    xs = _make_gather(P, D)(x, tok_of)

    out_s = _gmm(xs, Wg, Wu, Wd, w_of.reshape(P, 1), eof, NB)

    g1 = _make_gather(T, D)(out_s, pos[:T])
    g2 = _make_gather(T, D)(out_s, pos[T:])
    final = _shared(x, sWg, sWu, sWd, sg, g1, g2)
    return (final.reshape(B, S, D), gate_vals)

# --- scband reference (transcript-rebuilt; emitter-appended) ---
"""Pipeline reference for scband-experts-layer-34119220199660 (READ-ONLY COPY).

The authoritative reference and input builder live on the scoring server;
editing this copy changes nothing except your own understanding.
"""

import jax, jax.numpy as jnp
import numpy as np

B, S, D = 1, 2048, 2048
E, K = 8, 2
I = 5632 // K  # per-expert inter dim = 2816


def setup_inputs(seed: int = 0) -> dict:
    key = jax.random.key(seed)
    ks = jax.random.split(key, 10)
    def lin(k, shape, fan_in):
        return (jax.random.normal(k, shape, dtype=jnp.float32) / np.sqrt(fan_in)).astype(jnp.float32)
    return {
        "hidden_states": jax.random.normal(ks[0], (B, S, D), dtype=jnp.float32),
        "gate_w": lin(ks[1], (E, D), D),            # router gate: Linear(d_model -> E)
        "Wg": lin(ks[2], (E, I, D), D),             # per-expert gate_proj weights
        "Wu": lin(ks[3], (E, I, D), D),             # per-expert up_proj weights
        "Wd": lin(ks[4], (E, D, I), I),             # per-expert down_proj weights
        "sWg": lin(ks[5], (I, D), D),               # shared expert gate_proj
        "sWu": lin(ks[6], (I, D), D),               # shared expert up_proj
        "sWd": lin(ks[7], (D, I), I),               # shared expert down_proj
        "shared_gate_w": lin(ks[8], (1, D), D),     # shared_expert_gate
    }


def reference(hidden_states, gate_w, Wg, Wu, Wd, sWg, sWu, sWd, shared_gate_w):
    Bn, Sn, Dn = hidden_states.shape
    x = hidden_states.reshape(-1, Dn)
    T = x.shape[0]
    gate_vals = x @ gate_w.T                               # [T, E]
    gw = jax.nn.softmax(gate_vals.astype(jnp.float32), axis=1)
    topw, topidx = jax.lax.top_k(gw, K)                    # [T, K]
    topw = topw.astype(x.dtype)
    # combine weights per (token, expert); zero for unselected experts ->
    # mathematically identical to torch's gather/index_add dispatch
    w = jnp.zeros((T, E), dtype=x.dtype).at[jnp.arange(T)[:, None], topidx].add(topw)
    g = jnp.einsum('td,eid->eti', x, Wg)
    u = jnp.einsum('td,eid->eti', x, Wu)
    h = jax.nn.silu(g) * u
    eo = jnp.einsum('eti,edi->etd', h, Wd)                 # per-expert outputs
    final = jnp.einsum('te,etd->td', w, eo)
    sh = (jax.nn.silu(x @ sWg.T) * (x @ sWu.T)) @ sWd.T
    final = final + jax.nn.sigmoid(x @ shared_gate_w.T) * sh
    return (final.reshape(Bn, Sn, Dn), gate_vals)

if __name__ == "__main__":
    import jax
    _d = setup_inputs()
    print(jax.jit(kernel)(*tuple(_d.values())))

</pallas_src>

<mosaic_0001>
#map = affine_map<(d0, d1) -> (0, 0)>
#map1 = affine_map<(d0, d1) -> (0)>
module attributes {stable_mosaic.version = 14 : i64} {
  func.func @gather(%arg0: i32, %arg1: i32, %arg2: memref<2048x2048xf32, #tpu.memory_space<hbm>>, %arg3: memref<6144xi32, #tpu.memory_space<hbm>>, %arg4: memref<6144x2048xf32, #tpu.memory_space<hbm>>, %arg5: memref<16xi32, #tpu.memory_space<vmem>>, %arg6: memref<16x2048xf32, #tpu.memory_space<vmem>>, %arg7: memref<!tpu.dma_semaphore, #tpu.memory_space<semaphore_mem>>) attributes {dimension_semantics = [#tpu.dimension_semantics<core_parallel>, #tpu.dimension_semantics<subcore_parallel>], iteration_bounds = array<i64: 2, 16>, scalar_prefetch = 0 : i64, scratch_operands = 3 : i64, tpu.core_type = #tpu.core_type<sc_vector_subcore>, window_params = [{transform_indices = #map}, {transform_indices = #map1}, {transform_indices = #map}]} {
    %mul3A = arith.constant 2 : i32
    %mul3A_0 = arith.muli %arg1, %mul3A : i32
    %add3A = arith.addi %mul3A_0, %arg0 : i32
    %mul3A_1 = arith.constant 192 : i32
    %mul3A_2 = arith.muli %add3A, %mul3A_1 : i32
    %scan3A = arith.constant 0 : i32
    %scan3A_3 = arith.constant 0 : i32
    %scan3A_4 = arith.constant 12 : i32
    %scan3A_5 = arith.addi %scan3A_3, %scan3A_4 : i32
    %scan3A_6 = arith.constant 1 : i32
    %scan3A_7 = scf.for %scan3A_9 = %scan3A_3 to %scan3A_5 step %scan3A_6 iter_args(%scan3A_10 = %scan3A) -> (i32)  : i32 {
      %mul3A_11 = arith.constant 16 : i32
      %mul3A_12 = arith.muli %scan3A_9, %mul3A_11 : i32
      %add3A_13 = arith.addi %mul3A_2, %mul3A_12 : i32
      %multiple_of3A = tpu.assume_multiple %add3A_13, 16 : i32
      "tpu.region"() ({
        %run_scoped3A = tpu.sem_alloc : memref<!tpu.dma_semaphore, #tpu.memory_space<semaphore_mem>>
        %dma_start3A_19 = tpu.memref_slice %arg3[%multiple_of3A] : memref<6144xi32, #tpu.memory_space<hbm>> -> memref<16xi32, #tpu.memory_space<hbm>>
        %dma_start3A_20 = tpu.memref_slice %arg3[%multiple_of3A] : memref<6144xi32, #tpu.memory_space<hbm>> -> memref<16xi32, #tpu.memory_space<hbm>>
        tpu.enqueue_dma source(%dma_start3A_20 : memref<16xi32, #tpu.memory_space<hbm>>) target(%arg5 : memref<16xi32, #tpu.memory_space<vmem>>) target_semaphore(%run_scoped3A : memref<!tpu.dma_semaphore, #tpu.memory_space<semaphore_mem>>)
        %dma_wait3A_21 = tpu.memref_slice %arg3[%multiple_of3A] : memref<6144xi32, #tpu.memory_space<hbm>> -> memref<16xi32, #tpu.memory_space<hbm>>
        %dma_wait3A_22 = tpu.memref_slice %arg3[%multiple_of3A] : memref<6144xi32, #tpu.memory_space<hbm>> -> memref<16xi32, #tpu.memory_space<hbm>>
        tpu.wait_dma2 semaphore(%run_scoped3A : memref<!tpu.dma_semaphore, #tpu.memory_space<semaphore_mem>>) src(%dma_wait3A_22 : memref<16xi32, #tpu.memory_space<hbm>>) dst(%arg5 : memref<16xi32, #tpu.memory_space<vmem>>)
        tpu.yield
      }) : () -> ()
      %dma_start3A = arith.constant 0 : i32
      %dma_start3A_14 = arith.constant 0 : i32
      %dma_start3A_15 = tpu.memref_slice %arg2[%dma_start3A, %dma_start3A_14] : memref<2048x2048xf32, #tpu.memory_space<hbm>> -> memref<2048x2048xf32, #tpu.memory_space<hbm>>
      tpu.enqueue_indirect_dma source(%dma_start3A_15 : memref<2048x2048xf32, #tpu.memory_space<hbm>>) target(%arg6 : memref<16x2048xf32, #tpu.memory_space<vmem>>) offsets(%arg5 : memref<16xi32, #tpu.memory_space<vmem>>) semaphore(%arg7 : memref<!tpu.dma_semaphore, #tpu.memory_space<semaphore_mem>>)
      %dma_wait3A = arith.constant 0 : i32
      %dma_wait3A_16 = arith.constant 0 : i32
      %dma_wait3A_17 = tpu.memref_slice %arg2[%dma_wait3A, %dma_wait3A_16] : memref<2048x2048xf32, #tpu.memory_space<hbm>> -> memref<2048x2048xf32, #tpu.memory_space<hbm>>
      tpu.wait_indirect_dma semaphore(%arg7 : memref<!tpu.dma_semaphore, #tpu.memory_space<semaphore_mem>>) src(%dma_wait3A_17 : memref<2048x2048xf32, #tpu.memory_space<hbm>>) dst(%arg6 : memref<16x2048xf32, #tpu.memory_space<vmem>>)
      "tpu.region"() ({
        %run_scoped3A = tpu.sem_alloc : memref<!tpu.dma_semaphore, #tpu.memory_space<semaphore_mem>>
        %dma_start3A_19 = arith.constant 0 : i32
        %dma_start3A_20 = tpu.memref_slice %arg4[%multiple_of3A, %dma_start3A_19] : memref<6144x2048xf32, #tpu.memory_space<hbm>> -> memref<16x2048xf32, #tpu.memory_space<hbm>>
        %dma_start3A_21 = arith.constant 0 : i32
        %dma_start3A_22 = tpu.memref_slice %arg4[%multiple_of3A, %dma_start3A_21] : memref<6144x2048xf32, #tpu.memory_space<hbm>> -> memref<16x2048xf32, #tpu.memory_space<hbm>>
        tpu.enqueue_dma source(%arg6 : memref<16x2048xf32, #tpu.memory_space<vmem>>) target(%dma_start3A_22 : memref<16x2048xf32, #tpu.memory_space<hbm>>) target_semaphore(%run_scoped3A : memref<!tpu.dma_semaphore, #tpu.memory_space<semaphore_mem>>)
        %dma_wait3A_23 = arith.constant 0 : i32
        %dma_wait3A_24 = tpu.memref_slice %arg4[%multiple_of3A, %dma_wait3A_23] : memref<6144x2048xf32, #tpu.memory_space<hbm>> -> memref<16x2048xf32, #tpu.memory_space<hbm>>
        %dma_wait3A_25 = arith.constant 0 : i32
        %dma_wait3A_26 = tpu.memref_slice %arg4[%multiple_of3A, %dma_wait3A_25] : memref<6144x2048xf32, #tpu.memory_space<hbm>> -> memref<16x2048xf32, #tpu.memory_space<hbm>>
        tpu.wait_dma2 semaphore(%run_scoped3A : memref<!tpu.dma_semaphore, #tpu.memory_space<semaphore_mem>>) src(%arg6 : memref<16x2048xf32, #tpu.memory_space<vmem>>) dst(%dma_wait3A_26 : memref<16x2048xf32, #tpu.memory_space<hbm>>)
        tpu.yield
      }) : () -> ()
      %scan3A_18 = arith.constant 0 : i32
      scf.yield %scan3A_18 : i32
    }
    %scan3A_8 = arith.constant 12 : i32
    return
  }
}

#map = affine_map<(d0, d1) -> (0, 0)>
#map1 = affine_map<(d0, d1) -> (0)>
module attributes {stable_mosaic.version = 14 : i64} {
  func.func @gather(%arg0: i32, %arg1: i32, %arg2: memref<6144x2048xf32, #tpu.memory_space<hbm>>, %arg3: memref<2048xi32, #tpu.memory_space<hbm>>, %arg4: memref<2048x2048xf32, #tpu.memory_space<hbm>>, %arg5: memref<16xi32, #tpu.memory_space<vmem>>, %arg6: memref<16x2048xf32, #tpu.memory_space<vmem>>, %arg7: memref<!tpu.dma_semaphore, #tpu.memory_space<semaphore_mem>>) attributes {dimension_semantics = [#tpu.dimension_semantics<core_parallel>, #tpu.dimension_semantics<subcore_parallel>], iteration_bounds = array<i64: 2, 16>, scalar_prefetch = 0 : i64, scratch_operands = 3 : i64, tpu.core_type = #tpu.core_type<sc_vector_subcore>, window_params = [{transform_indices = #map}, {transform_indices = #map1}, {transform_indices = #map}]} {
    %mul3A = arith.constant 2 : i32
    %mul3A_0 = arith.muli %arg1, %mul3A : i32
    %add3A = arith.addi %mul3A_0, %arg0 : i32
    %mul3A_1 = arith.constant 64 : i32
    %mul3A_2 = arith.muli %add3A, %mul3A_1 : i32
    %scan3A = arith.constant 0 : i32
    %scan3A_3 = arith.constant 0 : i32
    %scan3A_4 = arith.constant 4 : i32
    %scan3A_5 = arith.addi %scan3A_3, %scan3A_4 : i32
    %scan3A_6 = arith.constant 1 : i32
    %scan3A_7 = scf.for %scan3A_9 = %scan3A_3 to %scan3A_5 step %scan3A_6 iter_args(%scan3A_10 = %scan3A) -> (i32)  : i32 {
      %mul3A_11 = arith.constant 16 : i32
      %mul3A_12 = arith.muli %scan3A_9, %mul3A_11 : i32
      %add3A_13 = arith.addi %mul3A_2, %mul3A_12 : i32
      %multiple_of3A = tpu.assume_multiple %add3A_13, 16 : i32
      "tpu.region"() ({
        %run_scoped3A = tpu.sem_alloc : memref<!tpu.dma_semaphore, #tpu.memory_space<semaphore_mem>>
        %dma_start3A_19 = tpu.memref_slice %arg3[%multiple_of3A] : memref<2048xi32, #tpu.memory_space<hbm>> -> memref<16xi32, #tpu.memory_space<hbm>>
        %dma_start3A_20 = tpu.memref_slice %arg3[%multiple_of3A] : memref<2048xi32, #tpu.memory_space<hbm>> -> memref<16xi32, #tpu.memory_space<hbm>>
        tpu.enqueue_dma source(%dma_start3A_20 : memref<16xi32, #tpu.memory_space<hbm>>) target(%arg5 : memref<16xi32, #tpu.memory_space<vmem>>) target_semaphore(%run_scoped3A : memref<!tpu.dma_semaphore, #tpu.memory_space<semaphore_mem>>)
        %dma_wait3A_21 = tpu.memref_slice %arg3[%multiple_of3A] : memref<2048xi32, #tpu.memory_space<hbm>> -> memref<16xi32, #tpu.memory_space<hbm>>
        %dma_wait3A_22 = tpu.memref_slice %arg3[%multiple_of3A] : memref<2048xi32, #tpu.memory_space<hbm>> -> memref<16xi32, #tpu.memory_space<hbm>>
        tpu.wait_dma2 semaphore(%run_scoped3A : memref<!tpu.dma_semaphore, #tpu.memory_space<semaphore_mem>>) src(%dma_wait3A_22 : memref<16xi32, #tpu.memory_space<hbm>>) dst(%arg5 : memref<16xi32, #tpu.memory_space<vmem>>)
        tpu.yield
      }) : () -> ()
      %dma_start3A = arith.constant 0 : i32
      %dma_start3A_14 = arith.constant 0 : i32
      %dma_start3A_15 = tpu.memref_slice %arg2[%dma_start3A, %dma_start3A_14] : memref<6144x2048xf32, #tpu.memory_space<hbm>> -> memref<6144x2048xf32, #tpu.memory_space<hbm>>
      tpu.enqueue_indirect_dma source(%dma_start3A_15 : memref<6144x2048xf32, #tpu.memory_space<hbm>>) target(%arg6 : memref<16x2048xf32, #tpu.memory_space<vmem>>) offsets(%arg5 : memref<16xi32, #tpu.memory_space<vmem>>) semaphore(%arg7 : memref<!tpu.dma_semaphore, #tpu.memory_space<semaphore_mem>>)
      %dma_wait3A = arith.constant 0 : i32
      %dma_wait3A_16 = arith.constant 0 : i32
      %dma_wait3A_17 = tpu.memref_slice %arg2[%dma_wait3A, %dma_wait3A_16] : memref<6144x2048xf32, #tpu.memory_space<hbm>> -> memref<6144x2048xf32, #tpu.memory_space<hbm>>
      tpu.wait_indirect_dma semaphore(%arg7 : memref<!tpu.dma_semaphore, #tpu.memory_space<semaphore_mem>>) src(%dma_wait3A_17 : memref<6144x2048xf32, #tpu.memory_space<hbm>>) dst(%arg6 : memref<16x2048xf32, #tpu.memory_space<vmem>>)
      "tpu.region"() ({
        %run_scoped3A = tpu.sem_alloc : memref<!tpu.dma_semaphore, #tpu.memory_space<semaphore_mem>>
        %dma_start3A_19 = arith.constant 0 : i32
        %dma_start3A_20 = tpu.memref_slice %arg4[%multiple_of3A, %dma_start3A_19] : memref<2048x2048xf32, #tpu.memory_space<hbm>> -> memref<16x2048xf32, #tpu.memory_space<hbm>>
        %dma_start3A_21 = arith.constant 0 : i32
        %dma_start3A_22 = tpu.memref_slice %arg4[%multiple_of3A, %dma_start3A_21] : memref<2048x2048xf32, #tpu.memory_space<hbm>> -> memref<16x2048xf32, #tpu.memory_space<hbm>>
        tpu.enqueue_dma source(%arg6 : memref<16x2048xf32, #tpu.memory_space<vmem>>) target(%dma_start3A_22 : memref<16x2048xf32, #tpu.memory_space<hbm>>) target_semaphore(%run_scoped3A : memref<!tpu.dma_semaphore, #tpu.memory_space<semaphore_mem>>)
        %dma_wait3A_23 = arith.constant 0 : i32
        %dma_wait3A_24 = tpu.memref_slice %arg4[%multiple_of3A, %dma_wait3A_23] : memref<2048x2048xf32, #tpu.memory_space<hbm>> -> memref<16x2048xf32, #tpu.memory_space<hbm>>
        %dma_wait3A_25 = arith.constant 0 : i32
        %dma_wait3A_26 = tpu.memref_slice %arg4[%multiple_of3A, %dma_wait3A_25] : memref<2048x2048xf32, #tpu.memory_space<hbm>> -> memref<16x2048xf32, #tpu.memory_space<hbm>>
        tpu.wait_dma2 semaphore(%run_scoped3A : memref<!tpu.dma_semaphore, #tpu.memory_space<semaphore_mem>>) src(%arg6 : memref<16x2048xf32, #tpu.memory_space<vmem>>) dst(%dma_wait3A_26 : memref<16x2048xf32, #tpu.memory_space<hbm>>)
        tpu.yield
      }) : () -> ()
      %scan3A_18 = arith.constant 0 : i32
      scf.yield %scan3A_18 : i32
    }
    %scan3A_8 = arith.constant 4 : i32
    return
  }
}

#map = affine_map<(d0, d1) -> (0, 0)>
#map1 = affine_map<(d0, d1) -> (0)>
module attributes {stable_mosaic.version = 14 : i64} {
  func.func @gather(%arg0: i32, %arg1: i32, %arg2: memref<6144x2048xf32, #tpu.memory_space<hbm>>, %arg3: memref<2048xi32, #tpu.memory_space<hbm>>, %arg4: memref<2048x2048xf32, #tpu.memory_space<hbm>>, %arg5: memref<16xi32, #tpu.memory_space<vmem>>, %arg6: memref<16x2048xf32, #tpu.memory_space<vmem>>, %arg7: memref<!tpu.dma_semaphore, #tpu.memory_space<semaphore_mem>>) attributes {dimension_semantics = [#tpu.dimension_semantics<core_parallel>, #tpu.dimension_semantics<subcore_parallel>], iteration_bounds = array<i64: 2, 16>, scalar_prefetch = 0 : i64, scratch_operands = 3 : i64, tpu.core_type = #tpu.core_type<sc_vector_subcore>, window_params = [{transform_indices = #map}, {transform_indices = #map1}, {transform_indices = #map}]} {
    %mul3A = arith.constant 2 : i32
    %mul3A_0 = arith.muli %arg1, %mul3A : i32
    %add3A = arith.addi %mul3A_0, %arg0 : i32
    %mul3A_1 = arith.constant 64 : i32
    %mul3A_2 = arith.muli %add3A, %mul3A_1 : i32
    %scan3A = arith.constant 0 : i32
    %scan3A_3 = arith.constant 0 : i32
    %scan3A_4 = arith.constant 4 : i32
    %scan3A_5 = arith.addi %scan3A_3, %scan3A_4 : i32
    %scan3A_6 = arith.constant 1 : i32
    %scan3A_7 = scf.for %scan3A_9 = %scan3A_3 to %scan3A_5 step %scan3A_6 iter_args(%scan3A_10 = %scan3A) -> (i32)  : i32 {
      %mul3A_11 = arith.constant 16 : i32
      %mul3A_12 = arith.muli %scan3A_9, %mul3A_11 : i32
      %add3A_13 = arith.addi %mul3A_2, %mul3A_12 : i32
      %multiple_of3A = tpu.assume_multiple %add3A_13, 16 : i32
      "tpu.region"() ({
        %run_scoped3A = tpu.sem_alloc : memref<!tpu.dma_semaphore, #tpu.memory_space<semaphore_mem>>
        %dma_start3A_19 = tpu.memref_slice %arg3[%multiple_of3A] : memref<2048xi32, #tpu.memory_space<hbm>> -> memref<16xi32, #tpu.memory_space<hbm>>
        %dma_start3A_20 = tpu.memref_slice %arg3[%multiple_of3A] : memref<2048xi32, #tpu.memory_space<hbm>> -> memref<16xi32, #tpu.memory_space<hbm>>
        tpu.enqueue_dma source(%dma_start3A_20 : memref<16xi32, #tpu.memory_space<hbm>>) target(%arg5 : memref<16xi32, #tpu.memory_space<vmem>>) target_semaphore(%run_scoped3A : memref<!tpu.dma_semaphore, #tpu.memory_space<semaphore_mem>>)
        %dma_wait3A_21 = tpu.memref_slice %arg3[%multiple_of3A] : memref<2048xi32, #tpu.memory_space<hbm>> -> memref<16xi32, #tpu.memory_space<hbm>>
        %dma_wait3A_22 = tpu.memref_slice %arg3[%multiple_of3A] : memref<2048xi32, #tpu.memory_space<hbm>> -> memref<16xi32, #tpu.memory_space<hbm>>
        tpu.wait_dma2 semaphore(%run_scoped3A : memref<!tpu.dma_semaphore, #tpu.memory_space<semaphore_mem>>) src(%dma_wait3A_22 : memref<16xi32, #tpu.memory_space<hbm>>) dst(%arg5 : memref<16xi32, #tpu.memory_space<vmem>>)
        tpu.yield
      }) : () -> ()
      %dma_start3A = arith.constant 0 : i32
      %dma_start3A_14 = arith.constant 0 : i32
      %dma_start3A_15 = tpu.memref_slice %arg2[%dma_start3A, %dma_start3A_14] : memref<6144x2048xf32, #tpu.memory_space<hbm>> -> memref<6144x2048xf32, #tpu.memory_space<hbm>>
      tpu.enqueue_indirect_dma source(%dma_start3A_15 : memref<6144x2048xf32, #tpu.memory_space<hbm>>) target(%arg6 : memref<16x2048xf32, #tpu.memory_space<vmem>>) offsets(%arg5 : memref<16xi32, #tpu.memory_space<vmem>>) semaphore(%arg7 : memref<!tpu.dma_semaphore, #tpu.memory_space<semaphore_mem>>)
      %dma_wait3A = arith.constant 0 : i32
      %dma_wait3A_16 = arith.constant 0 : i32
      %dma_wait3A_17 = tpu.memref_slice %arg2[%dma_wait3A, %dma_wait3A_16] : memref<6144x2048xf32, #tpu.memory_space<hbm>> -> memref<6144x2048xf32, #tpu.memory_space<hbm>>
      tpu.wait_indirect_dma semaphore(%arg7 : memref<!tpu.dma_semaphore, #tpu.memory_space<semaphore_mem>>) src(%dma_wait3A_17 : memref<6144x2048xf32, #tpu.memory_space<hbm>>) dst(%arg6 : memref<16x2048xf32, #tpu.memory_space<vmem>>)
      "tpu.region"() ({
        %run_scoped3A = tpu.sem_alloc : memref<!tpu.dma_semaphore, #tpu.memory_space<semaphore_mem>>
        %dma_start3A_19 = arith.constant 0 : i32
        %dma_start3A_20 = tpu.memref_slice %arg4[%multiple_of3A, %dma_start3A_19] : memref<2048x2048xf32, #tpu.memory_space<hbm>> -> memref<16x2048xf32, #tpu.memory_space<hbm>>
        %dma_start3A_21 = arith.constant 0 : i32
        %dma_start3A_22 = tpu.memref_slice %arg4[%multiple_of3A, %dma_start3A_21] : memref<2048x2048xf32, #tpu.memory_space<hbm>> -> memref<16x2048xf32, #tpu.memory_space<hbm>>
        tpu.enqueue_dma source(%arg6 : memref<16x2048xf32, #tpu.memory_space<vmem>>) target(%dma_start3A_22 : memref<16x2048xf32, #tpu.memory_space<hbm>>) target_semaphore(%run_scoped3A : memref<!tpu.dma_semaphore, #tpu.memory_space<semaphore_mem>>)
        %dma_wait3A_23 = arith.constant 0 : i32
        %dma_wait3A_24 = tpu.memref_slice %arg4[%multiple_of3A, %dma_wait3A_23] : memref<2048x2048xf32, #tpu.memory_space<hbm>> -> memref<16x2048xf32, #tpu.memory_space<hbm>>
        %dma_wait3A_25 = arith.constant 0 : i32
        %dma_wait3A_26 = tpu.memref_slice %arg4[%multiple_of3A, %dma_wait3A_25] : memref<2048x2048xf32, #tpu.memory_space<hbm>> -> memref<16x2048xf32, #tpu.memory_space<hbm>>
        tpu.wait_dma2 semaphore(%run_scoped3A : memref<!tpu.dma_semaphore, #tpu.memory_space<semaphore_mem>>) src(%arg6 : memref<16x2048xf32, #tpu.memory_space<vmem>>) dst(%dma_wait3A_26 : memref<16x2048xf32, #tpu.memory_space<hbm>>)
        tpu.yield
      }) : () -> ()
      %scan3A_18 = arith.constant 0 : i32
      scf.yield %scan3A_18 : i32
    }
    %scan3A_8 = arith.constant 4 : i32
    return
  }
}

module attributes {stable_mosaic.version = 14 : i64} {
  func.func @_router_body(%arg0: i32, %arg1: memref<256x2048xf32, #tpu.memory_space<vmem>>, %arg2: memref<8x2048xf32, #tpu.memory_space<vmem>>, %arg3: memref<1x2048xf32, #tpu.memory_space<vmem>>, %arg4: memref<256x8xf32, #tpu.memory_space<vmem>>, %arg5: memref<256x8xi32, #tpu.memory_space<vmem>>, %arg6: memref<256x8xf32, #tpu.memory_space<vmem>>, %arg7: memref<256x1xf32, #tpu.memory_space<vmem>>) attributes {dimension_semantics = [#tpu.dimension_semantics<arbitrary>], iteration_bounds = array<i64: 8>, scalar_prefetch = 0 : i64, scratch_operands = 0 : i64, tpu.core_type = #tpu.core_type<tc>, window_params = [{transform_indices = @transform_0, window_bounds = array<i64: 256, 2048>}, {pipeline_mode = #tpu.pipeline_mode<synchronous>, transform_indices = @transform_1, window_bounds = array<i64: 8, 2048>}, {pipeline_mode = #tpu.pipeline_mode<synchronous>, transform_indices = @transform_2, window_bounds = array<i64: 1, 2048>}, {transform_indices = @transform_3, window_bounds = array<i64: 256, 8>}, {transform_indices = @transform_4, window_bounds = array<i64: 256, 8>}, {transform_indices = @transform_5, window_bounds = array<i64: 256, 8>}, {transform_indices = @transform_6, window_bounds = array<i64: 256, 1>}]} {
    %get3A = arith.constant 0 : index
    %get3A_0 = arith.constant 0 : index
    %get3A_1 = vector.load %arg1[%get3A, %get3A_0] : memref<256x2048xf32, #tpu.memory_space<vmem>>, vector<256x2048xf32>
    %get3A_2 = arith.constant 0 : index
    %get3A_3 = arith.constant 0 : index
    %get3A_4 = vector.load %arg2[%get3A_2, %get3A_3] : memref<8x2048xf32, #tpu.memory_space<vmem>>, vector<8x2048xf32>
    %dot_general3A = arith.constant dense<0.000000e+00> : vector<256x8xf32>
    %dot_general3A_5 = tpu.matmul %get3A_1, %get3A_4, %dot_general3A {dimension_numbers = #tpu.dot_dimension_numbers<[1], [1], [0], [0], [0, 0, 1, 0], [], []>, transpose_lhs_hint = false} : vector<256x2048xf32>, vector<8x2048xf32>, vector<256x8xf32> -> vector<256x8xf32>
    %reduce_max3A = arith.constant dense<0xFF800000> : vector<256xf32>
    %reduce_max3A_6 = vector.multi_reduction <maximumf>, %dot_general3A_5, %reduce_max3A [1] : vector<256x8xf32> to vector<256xf32>
    %broadcast_in_dim3A = vector.shape_cast %reduce_max3A_6 : vector<256xf32> to vector<256x1xf32>
    %sub3A = vector.broadcast %broadcast_in_dim3A : vector<256x1xf32> to vector<256x8xf32>
    %sub3A_7 = arith.subf %dot_general3A_5, %sub3A : vector<256x8xf32>
    %exp3A = math.exp %sub3A_7 : vector<256x8xf32>
    %reduce_sum3A = arith.constant dense<0.000000e+00> : vector<256xf32>
    %reduce_sum3A_8 = vector.multi_reduction <add>, %exp3A, %reduce_sum3A [1] : vector<256x8xf32> to vector<256xf32>
    %broadcast_in_dim3A_9 = vector.shape_cast %reduce_sum3A_8 : vector<256xf32> to vector<256x1xf32>
    %div3A = vector.broadcast %broadcast_in_dim3A_9 : vector<256x1xf32> to vector<256x8xf32>
    %div3A_10 = arith.divf %exp3A, %div3A : vector<256x8xf32>
    %iota3A = tpu.iota {dimensions = array<i32: 1>} : vector<256x8xi32>
    %eq3A = vector.broadcast %broadcast_in_dim3A : vector<256x1xf32> to vector<256x8xf32>
    %eq3A_11 = arith.cmpf oeq, %dot_general3A_5, %eq3A : vector<256x8xf32>
    %jit3A = arith.constant 8 : i32
    %broadcast_in_dim3A_12 = vector.broadcast %jit3A : i32 to vector<256x8xi32>
    %select_n3A = arith.select %eq3A_11, %iota3A, %broadcast_in_dim3A_12 : vector<256x8xi1>, vector<256x8xi32>
    %reduce_min3A = arith.constant dense<2147483647> : vector<256xi32>
    %reduce_min3A_13 = vector.multi_reduction <minsi>, %select_n3A, %reduce_min3A [1] : vector<256x8xi32> to vector<256xi32>
    %broadcast_in_dim3A_14 = vector.shape_cast %reduce_min3A_13 : vector<256xi32> to vector<256x1xi32>
    %eq3A_15 = vector.broadcast %broadcast_in_dim3A_14 : vector<256x1xi32> to vector<256x8xi32>
    %eq3A_16 = arith.cmpi eq, %iota3A, %eq3A_15 : vector<256x8xi32>
    %jit3A_17 = arith.constant 0xFF800000 : f32
    %broadcast_in_dim3A_18 = vector.broadcast %jit3A_17 : f32 to vector<256x8xf32>
    %select_n3A_19 = arith.select %eq3A_16, %broadcast_in_dim3A_18, %dot_general3A_5 : vector<256x8xi1>, vector<256x8xf32>
    %reduce_max3A_20 = arith.constant dense<0xFF800000> : vector<256xf32>
    %reduce_max3A_21 = vector.multi_reduction <maximumf>, %select_n3A_19, %reduce_max3A_20 [1] : vector<256x8xf32> to vector<256xf32>
    %broadcast_in_dim3A_22 = vector.shape_cast %reduce_max3A_21 : vector<256xf32> to vector<256x1xf32>
    %not3A = arith.constant dense<true> : vector<256x8xi1>
    %not3A_23 = arith.xori %eq3A_16, %not3A : vector<256x8xi1>
    %eq3A_24 = vector.broadcast %broadcast_in_dim3A_22 : vector<256x1xf32> to vector<256x8xf32>
    %eq3A_25 = arith.cmpf oeq, %select_n3A_19, %eq3A_24 : vector<256x8xf32>
    %and3A = arith.andi %not3A_23, %eq3A_25 : vector<256x8xi1>
    %jit3A_26 = arith.constant 8 : i32
    %broadcast_in_dim3A_27 = vector.broadcast %jit3A_26 : i32 to vector<256x8xi32>
    %select_n3A_28 = arith.select %and3A, %iota3A, %broadcast_in_dim3A_27 : vector<256x8xi1>, vector<256x8xi32>
    %reduce_min3A_29 = arith.constant dense<2147483647> : vector<256xi32>
    %reduce_min3A_30 = vector.multi_reduction <minsi>, %select_n3A_28, %reduce_min3A_29 [1] : vector<256x8xi32> to vector<256xi32>
    %broadcast_in_dim3A_31 = vector.shape_cast %reduce_min3A_30 : vector<256xi32> to vector<256x1xi32>
    %eq3A_32 = vector.broadcast %broadcast_in_dim3A_31 : vector<256x1xi32> to vector<256x8xi32>
    %eq3A_33 = arith.cmpi eq, %iota3A, %eq3A_32 : vector<256x8xi32>
    %jit3A_34 = arith.constant 0.000000e+00 : f32
    %broadcast_in_dim3A_35 = vector.broadcast %jit3A_34 : f32 to vector<256x8xf32>
    %select_n3A_36 = arith.select %eq3A_16, %div3A_10, %broadcast_in_dim3A_35 : vector<256x8xi1>, vector<256x8xf32>
    %reduce_sum3A_37 = arith.constant dense<0.000000e+00> : vector<256xf32>
    %reduce_sum3A_38 = vector.multi_reduction <add>, %select_n3A_36, %reduce_sum3A_37 [1] : vector<256x8xf32> to vector<256xf32>
    %broadcast_in_dim3A_39 = vector.shape_cast %reduce_sum3A_38 : vector<256xf32> to vector<256x1xf32>
    %jit3A_40 = arith.constant 0.000000e+00 : f32
    %broadcast_in_dim3A_41 = vector.broadcast %jit3A_40 : f32 to vector<256x8xf32>
    %select_n3A_42 = arith.select %eq3A_33, %div3A_10, %broadcast_in_dim3A_41 : vector<256x8xi1>, vector<256x8xf32>
    %reduce_sum3A_43 = arith.constant dense<0.000000e+00> : vector<256xf32>
    %reduce_sum3A_44 = vector.multi_reduction <add>, %select_n3A_42, %reduce_sum3A_43 [1] : vector<256x8xf32> to vector<256xf32>
    %broadcast_in_dim3A_45 = vector.shape_cast %reduce_sum3A_44 : vector<256xf32> to vector<256x1xf32>
    %broadcast_in_dim3A_46 = arith.constant 0 : i32
    %broadcast_in_dim3A_47 = vector.broadcast %broadcast_in_dim3A_46 : i32 to vector<256x6xi32>
    %broadcast_in_dim3A_48 = arith.constant 0.000000e+00 : f32
    %broadcast_in_dim3A_49 = vector.broadcast %broadcast_in_dim3A_48 : f32 to vector<256x6xf32>
    %swap3A = arith.constant 0 : index
    %swap3A_50 = arith.constant 0 : index
    %swap3A_51 = vector.load %arg4[%swap3A, %swap3A_50] : memref<256x8xf32, #tpu.memory_space<vmem>>, vector<256x8xf32>
    tpu.vector_store %arg4[%swap3A, %swap3A_50], %dot_general3A_5 {strides = array<i32>} : memref<256x8xf32, #tpu.memory_space<vmem>>, vector<256x8xf32>,
    %concatenate3A = tpu.concatenate %broadcast_in_dim3A_14, %broadcast_in_dim3A_31, %broadcast_in_dim3A_47 in 1 : vector<256x1xi32>, vector<256x1xi32>, vector<256x6xi32> -> vector<256x8xi32>
    %swap3A_52 = arith.constant 0 : index
    %swap3A_53 = arith.constant 0 : index
    %swap3A_54 = vector.load %arg5[%swap3A_52, %swap3A_53] : memref<256x8xi32, #tpu.memory_space<vmem>>, vector<256x8xi32>
    tpu.vector_store %arg5[%swap3A_52, %swap3A_53], %concatenate3A {strides = array<i32>} : memref<256x8xi32, #tpu.memory_space<vmem>>, vector<256x8xi32>,
    %concatenate3A_55 = tpu.concatenate %broadcast_in_dim3A_39, %broadcast_in_dim3A_45, %broadcast_in_dim3A_49 in 1 : vector<256x1xf32>, vector<256x1xf32>, vector<256x6xf32> -> vector<256x8xf32>
    %swap3A_56 = arith.constant 0 : index
    %swap3A_57 = arith.constant 0 : index
    %swap3A_58 = vector.load %arg6[%swap3A_56, %swap3A_57] : memref<256x8xf32, #tpu.memory_space<vmem>>, vector<256x8xf32>
    tpu.vector_store %arg6[%swap3A_56, %swap3A_57], %concatenate3A_55 {strides = array<i32>} : memref<256x8xf32, #tpu.memory_space<vmem>>, vector<256x8xf32>,
    %get3A_59 = arith.constant 0 : index
    %get3A_60 = arith.constant 0 : index
    %get3A_61 = vector.load %arg3[%get3A_59, %get3A_60] : memref<1x2048xf32, #tpu.memory_space<vmem>>, vector<1x2048xf32>
    %dot_general3A_62 = arith.constant dense<0.000000e+00> : vector<256x1xf32>
    %dot_general3A_63 = tpu.matmul %get3A_1, %get3A_61, %dot_general3A_62 {dimension_numbers = #tpu.dot_dimension_numbers<[1], [1], [0], [0], [0, 0, 1, 0], [], []>, transpose_lhs_hint = false} : vector<256x2048xf32>, vector<1x2048xf32>, vector<256x1xf32> -> vector<256x1xf32>
    %logistic3A = arith.negf %dot_general3A_63 : vector<256x1xf32>
    %logistic3A_64 = math.exp %logistic3A : vector<256x1xf32>
    %logistic3A_65 = arith.constant 1.000000e+00 : f32
    %logistic3A_66 = vector.broadcast %logistic3A_65 : f32 to vector<256x1xf32>
    %logistic3A_67 = arith.addf %logistic3A_66, %logistic3A_64 : vector<256x1xf32>
    %logistic3A_68 = arith.divf %logistic3A_66, %logistic3A_67 : vector<256x1xf32>
    %swap3A_69 = arith.constant 0 : index
    %swap3A_70 = arith.constant 0 : index
    %swap3A_71 = vector.load %arg7[%swap3A_69, %swap3A_70] : memref<256x1xf32, #tpu.memory_space<vmem>>, vector<256x1xf32>
    tpu.vector_store %arg7[%swap3A_69, %swap3A_70], %logistic3A_68 {strides = array<i32>} : memref<256x1xf32, #tpu.memory_space<vmem>>, vector<256x1xf32>,
    return
  }
  func.func @transform_0(%arg0: i32) -> (i32, i32) {
    %c0_i32 = arith.constant 0 : i32
    %c0_i32_0 = arith.constant 0 : i32
    return %arg0, %c0_i32 : i32, i32
  }
  func.func @transform_1(%arg0: i32) -> (i32, i32) {
    %c0_i32 = arith.constant 0 : i32
    %c0_i32_0 = arith.constant 0 : i32
    %c0_i32_1 = arith.constant 0 : i32
    return %c0_i32, %c0_i32_0 : i32, i32
  }
  func.func @transform_2(%arg0: i32) -> (i32, i32) {
    %c0_i32 = arith.constant 0 : i32
    %c0_i32_0 = arith.constant 0 : i32
    %c0_i32_1 = arith.constant 0 : i32
    return %c0_i32, %c0_i32_0 : i32, i32
  }
  func.func @transform_3(%arg0: i32) -> (i32, i32) {
    %c0_i32 = arith.constant 0 : i32
    %c0_i32_0 = arith.constant 0 : i32
    return %arg0, %c0_i32 : i32, i32
  }
  func.func @transform_4(%arg0: i32) -> (i32, i32) {
    %c0_i32 = arith.constant 0 : i32
    %c0_i32_0 = arith.constant 0 : i32
    return %arg0, %c0_i32 : i32, i32
  }
  func.func @transform_5(%arg0: i32) -> (i32, i32) {
    %c0_i32 = arith.constant 0 : i32
    %c0_i32_0 = arith.constant 0 : i32
    return %arg0, %c0_i32 : i32, i32
  }
  func.func @transform_6(%arg0: i32) -> (i32, i32) {
    %c0_i32 = arith.constant 0 : i32
    %c0_i32_0 = arith.constant 0 : i32
    return %arg0, %c0_i32 : i32, i32
  }
}

module attributes {stable_mosaic.version = 14 : i64} {
  func.func @_gmm_body(%arg0: i32, %arg1: i32, %arg2: memref<24xi32, #tpu.memory_space<smem>>, %arg3: memref<256x2048xf32, #tpu.memory_space<vmem>>, %arg4: memref<1x256x2048xf32, #tpu.memory_space<vmem>>, %arg5: memref<1x256x2048xf32, #tpu.memory_space<vmem>>, %arg6: memref<1x256x2816xf32, #tpu.memory_space<vmem>>, %arg7: memref<256x1xf32, #tpu.memory_space<vmem>>, %arg8: memref<256x256xf32, #tpu.memory_space<vmem>>, %arg9: memref<11x256x256xf32, #tpu.memory_space<vmem>>) attributes {dimension_semantics = [#tpu.dimension_semantics<arbitrary>, #tpu.dimension_semantics<arbitrary>], iteration_bounds = array<i64: 24, 19>, scalar_prefetch = 1 : i64, scratch_operands = 1 : i64, tpu.core_type = #tpu.core_type<tc>, window_params = [{transform_indices = @transform_0, window_bounds = array<i64: 256, 2048>}, {transform_indices = @transform_1, window_bounds = array<i64: 1, 256, 2048>}, {transform_indices = @transform_2, window_bounds = array<i64: 1, 256, 2048>}, {transform_indices = @transform_3, window_bounds = array<i64: 1, 256, 2816>}, {transform_indices = @transform_4, window_bounds = array<i64: 256, 1>}, {transform_indices = @transform_5, window_bounds = array<i64: 256, 256>}]} {
    %lt3A = arith.constant 11 : i32
    %lt3A_0 = arith.cmpi slt, %arg1, %lt3A : i32
    %convert_element_type3A = arith.extui %lt3A_0 : i1 to i32
    %cond3A = arith.constant 0 : i32
    %cond3A_1 = arith.cmpi ne, %convert_element_type3A, %cond3A : i32
    scf.if %cond3A_1 {
      %get3A = arith.constant 0 : index
      %get3A_6 = arith.constant 0 : index
      %get3A_7 = vector.load %arg3[%get3A, %get3A_6] : memref<256x2048xf32, #tpu.memory_space<vmem>>, vector<256x2048xf32>
      %get3A_8 = arith.constant 0 : index
      %get3A_9 = arith.constant 0 : index
      %get3A_10 = arith.constant 0 : index
      %get3A_11 = vector.load %arg4[%get3A_8, %get3A_9, %get3A_10] : memref<1x256x2048xf32, #tpu.memory_space<vmem>>, vector<1x256x2048xf32>
      %get3A_12 = vector.shape_cast %get3A_11 : vector<1x256x2048xf32> to vector<256x2048xf32>
      %dot_general3A = arith.constant dense<0.000000e+00> : vector<256x256xf32>
      %dot_general3A_13 = tpu.matmul %get3A_7, %get3A_12, %dot_general3A {dimension_numbers = #tpu.dot_dimension_numbers<[1], [1], [0], [0], [0, 0, 1, 0], [], []>, transpose_lhs_hint = false} : vector<256x2048xf32>, vector<256x2048xf32>, vector<256x256xf32> -> vector<256x256xf32>
      %get3A_14 = arith.constant 0 : index
      %get3A_15 = arith.constant 0 : index
      %get3A_16 = arith.constant 0 : index
      %get3A_17 = vector.load %arg5[%get3A_14, %get3A_15, %get3A_16] : memref<1x256x2048xf32, #tpu.memory_space<vmem>>, vector<1x256x2048xf32>
      %get3A_18 = vector.shape_cast %get3A_17 : vector<1x256x2048xf32> to vector<256x2048xf32>
      %dot_general3A_19 = arith.constant dense<0.000000e+00> : vector<256x256xf32>
      %dot_general3A_20 = tpu.matmul %get3A_7, %get3A_18, %dot_general3A_19 {dimension_numbers = #tpu.dot_dimension_numbers<[1], [1], [0], [0], [0, 0, 1, 0], [], []>, transpose_lhs_hint = false} : vector<256x2048xf32>, vector<256x2048xf32>, vector<256x256xf32> -> vector<256x256xf32>
      %logistic3A = arith.negf %dot_general3A_13 : vector<256x256xf32>
      %logistic3A_21 = math.exp %logistic3A : vector<256x256xf32>
      %logistic3A_22 = arith.constant 1.000000e+00 : f32
      %logistic3A_23 = vector.broadcast %logistic3A_22 : f32 to vector<256x256xf32>
      %logistic3A_24 = arith.addf %logistic3A_23, %logistic3A_21 : vector<256x256xf32>
      %logistic3A_25 = arith.divf %logistic3A_23, %logistic3A_24 : vector<256x256xf32>
      %mul3A = arith.mulf %dot_general3A_13, %logistic3A_25 : vector<256x256xf32>
      %mul3A_26 = arith.mulf %mul3A, %dot_general3A_20 : vector<256x256xf32>
      %broadcast_in_dim3A = vector.shape_cast %mul3A_26 : vector<256x256xf32> to vector<1x256x256xf32>
      %swap3A = arith.index_cast %arg1 : i32 to index
      %swap3A_27 = arith.constant 0 : index
      %swap3A_28 = arith.constant 0 : index
      %swap3A_29 = vector.load %arg9[%swap3A, %swap3A_27, %swap3A_28] : memref<11x256x256xf32, #tpu.memory_space<vmem>>, vector<1x256x256xf32>
      tpu.vector_store %arg9[%swap3A, %swap3A_27, %swap3A_28], %broadcast_in_dim3A {strides = array<i32>} : memref<11x256x256xf32, #tpu.memory_space<vmem>>, vector<1x256x256xf32>,
    } else {
    }
    %ge3A = arith.constant 11 : i32
    %ge3A_2 = arith.cmpi sge, %arg1, %ge3A : i32
    %convert_element_type3A_3 = arith.extui %ge3A_2 : i1 to i32
    %cond3A_4 = arith.constant 0 : i32
    %cond3A_5 = arith.cmpi ne, %convert_element_type3A_3, %cond3A_4 : i32
    scf.if %cond3A_5 {
      %get3A = arith.constant 0 : index
      %get3A_6 = arith.constant 0 : index
      %get3A_7 = arith.constant 0 : index
      %get3A_8 = vector.load %arg6[%get3A, %get3A_6, %get3A_7] : memref<1x256x2816xf32, #tpu.memory_space<vmem>>, vector<1x256x2816xf32>
      %get3A_9 = vector.shape_cast %get3A_8 : vector<1x256x2816xf32> to vector<256x2816xf32>
      %broadcast_in_dim3A = arith.constant 0.000000e+00 : f32
      %broadcast_in_dim3A_10 = vector.broadcast %broadcast_in_dim3A : f32 to vector<256x256xf32>
      %get3A_11 = arith.constant 0 : index
      %get3A_12 = arith.constant 0 : index
      %get3A_13 = arith.constant 0 : index
      %get3A_14 = vector.load %arg9[%get3A_11, %get3A_12, %get3A_13] : memref<11x256x256xf32, #tpu.memory_space<vmem>>, vector<1x256x256xf32>
      %get3A_15 = vector.shape_cast %get3A_14 : vector<1x256x256xf32> to vector<256x256xf32>
      %slice3A = vector.extract_strided_slice %get3A_9 {offsets = [0, 0], sizes = [256, 256], strides = [1, 1]} : vector<256x2816xf32> to vector<256x256xf32>
      %dot_general3A = arith.constant dense<0.000000e+00> : vector<256x256xf32>
      %dot_general3A_16 = tpu.matmul %get3A_15, %slice3A, %dot_general3A {dimension_numbers = #tpu.dot_dimension_numbers<[1], [1], [0], [0], [0, 0, 1, 0], [], []>, transpose_lhs_hint = false} : vector<256x256xf32>, vector<256x256xf32>, vector<256x256xf32> -> vector<256x256xf32>
      %add3A = arith.addf %broadcast_in_dim3A_10, %dot_general3A_16 : vector<256x256xf32>
      %get3A_17 = arith.constant 1 : index
      %get3A_18 = arith.constant 0 : index
      %get3A_19 = arith.constant 0 : index
      %get3A_20 = vector.load %arg9[%get3A_17, %get3A_18, %get3A_19] : memref<11x256x256xf32, #tpu.memory_space<vmem>>, vector<1x256x256xf32>
      %get3A_21 = vector.shape_cast %get3A_20 : vector<1x256x256xf32> to vector<256x256xf32>
      %slice3A_22 = vector.extract_strided_slice %get3A_9 {offsets = [0, 256], sizes = [256, 256], strides = [1, 1]} : vector<256x2816xf32> to vector<256x256xf32>
      %dot_general3A_23 = arith.constant dense<0.000000e+00> : vector<256x256xf32>
      %dot_general3A_24 = tpu.matmul %get3A_21, %slice3A_22, %dot_general3A_23 {dimension_numbers = #tpu.dot_dimension_numbers<[1], [1], [0], [0], [0, 0, 1, 0], [], []>, transpose_lhs_hint = false} : vector<256x256xf32>, vector<256x256xf32>, vector<256x256xf32> -> vector<256x256xf32>
      %add3A_25 = arith.addf %add3A, %dot_general3A_24 : vector<256x256xf32>
      %get3A_26 = arith.constant 2 : index
      %get3A_27 = arith.constant 0 : index
      %get3A_28 = arith.constant 0 : index
      %get3A_29 = vector.load %arg9[%get3A_26, %get3A_27, %get3A_28] : memref<11x256x256xf32, #tpu.memory_space<vmem>>, vector<1x256x256xf32>
      %get3A_30 = vector.shape_cast %get3A_29 : vector<1x256x256xf32> to vector<256x256xf32>
      %slice3A_31 = vector.extract_strided_slice %get3A_9 {offsets = [0, 512], sizes = [256, 256], strides = [1, 1]} : vector<256x2816xf32> to vector<256x256xf32>
      %dot_general3A_32 = arith.constant dense<0.000000e+00> : vector<256x256xf32>
      %dot_general3A_33 = tpu.matmul %get3A_30, %slice3A_31, %dot_general3A_32 {dimension_numbers = #tpu.dot_dimension_numbers<[1], [1], [0], [0], [0, 0, 1, 0], [], []>, transpose_lhs_hint = false} : vector<256x256xf32>, vector<256x256xf32>, vector<256x256xf32> -> vector<256x256xf32>
      %add3A_34 = arith.addf %add3A_25, %dot_general3A_33 : vector<256x256xf32>
      %get3A_35 = arith.constant 3 : index
      %get3A_36 = arith.constant 0 : index
      %get3A_37 = arith.constant 0 : index
      %get3A_38 = vector.load %arg9[%get3A_35, %get3A_36, %get3A_37] : memref<11x256x256xf32, #tpu.memory_space<vmem>>, vector<1x256x256xf32>
      %get3A_39 = vector.shape_cast %get3A_38 : vector<1x256x256xf32> to vector<256x256xf32>
      %slice3A_40 = vector.extract_strided_slice %get3A_9 {offsets = [0, 768], sizes = [256, 256], strides = [1, 1]} : vector<256x2816xf32> to vector<256x256xf32>
      %dot_general3A_41 = arith.constant dense<0.000000e+00> : vector<256x256xf32>
      %dot_general3A_42 = tpu.matmul %get3A_39, %slice3A_40, %dot_general3A_41 {dimension_numbers = #tpu.dot_dimension_numbers<[1], [1], [0], [0], [0, 0, 1, 0], [], []>, transpose_lhs_hint = false} : vector<256x256xf32>, vector<256x256xf32>, vector<256x256xf32> -> vector<256x256xf32>
      %add3A_43 = arith.addf %add3A_34, %dot_general3A_42 : vector<256x256xf32>
      %get3A_44 = arith.constant 4 : index
      %get3A_45 = arith.constant 0 : index
      %get3A_46 = arith.constant 0 : index
      %get3A_47 = vector.load %arg9[%get3A_44, %get3A_45, %get3A_46] : memref<11x256x256xf32, #tpu.memory_space<vmem>>, vector<1x256x256xf32>
      %get3A_48 = vector.shape_cast %get3A_47 : vector<1x256x256xf32> to vector<256x256xf32>
      %slice3A_49 = vector.extract_strided_slice %get3A_9 {offsets = [0, 1024], sizes = [256, 256], strides = [1, 1]} : vector<256x2816xf32> to vector<256x256xf32>
      %dot_general3A_50 = arith.constant dense<0.000000e+00> : vector<256x256xf32>
      %dot_general3A_51 = tpu.matmul %get3A_48, %slice3A_49, %dot_general3A_50 {dimension_numbers = #tpu.dot_dimension_numbers<[1], [1], [0], [0], [0, 0, 1, 0], [], []>, transpose_lhs_hint = false} : vector<256x256xf32>, vector<256x256xf32>, vector<256x256xf32> -> vector<256x256xf32>
      %add3A_52 = arith.addf %add3A_43, %dot_general3A_51 : vector<256x256xf32>
      %get3A_53 = arith.constant 5 : index
      %get3A_54 = arith.constant 0 : index
      %get3A_55 = arith.constant 0 : index
      %get3A_56 = vector.load %arg9[%get3A_53, %get3A_54, %get3A_55] : memref<11x256x256xf32, #tpu.memory_space<vmem>>, vector<1x256x256xf32>
      %get3A_57 = vector.shape_cast %get3A_56 : vector<1x256x256xf32> to vector<256x256xf32>
      %slice3A_58 = vector.extract_strided_slice %get3A_9 {offsets = [0, 1280], sizes = [256, 256], strides = [1, 1]} : vector<256x2816xf32> to vector<256x256xf32>
      %dot_general3A_59 = arith.constant dense<0.000000e+00> : vector<256x256xf32>
      %dot_general3A_60 = tpu.matmul %get3A_57, %slice3A_58, %dot_general3A_59 {dimension_numbers = #tpu.dot_dimension_numbers<[1], [1], [0], [0], [0, 0, 1, 0], [], []>, transpose_lhs_hint = false} : vector<256x256xf32>, vector<256x256xf32>, vector<256x256xf32> -> vector<256x256xf32>
      %add3A_61 = arith.addf %add3A_52, %dot_general3A_60 : vector<256x256xf32>
      %get3A_62 = arith.constant 6 : index
      %get3A_63 = arith.constant 0 : index
      %get3A_64 = arith.constant 0 : index
      %get3A_65 = vector.load %arg9[%get3A_62, %get3A_63, %get3A_64] : memref<11x256x256xf32, #tpu.memory_space<vmem>>, vector<1x256x256xf32>
      %get3A_66 = vector.shape_cast %get3A_65 : vector<1x256x256xf32> to vector<256x256xf32>
      %slice3A_67 = vector.extract_strided_slice %get3A_9 {offsets = [0, 1536], sizes = [256, 256], strides = [1, 1]} : vector<256x2816xf32> to vector<256x256xf32>
      %dot_general3A_68 = arith.constant dense<0.000000e+00> : vector<256x256xf32>
      %dot_general3A_69 = tpu.matmul %get3A_66, %slice3A_67, %dot_general3A_68 {dimension_numbers = #tpu.dot_dimension_numbers<[1], [1], [0], [0], [0, 0, 1, 0], [], []>, transpose_lhs_hint = false} : vector<256x256xf32>, vector<256x256xf32>, vector<256x256xf32> -> vector<256x256xf32>
      %add3A_70 = arith.addf %add3A_61, %dot_general3A_69 : vector<256x256xf32>
      %get3A_71 = arith.constant 7 : index
      %get3A_72 = arith.constant 0 : index
      %get3A_73 = arith.constant 0 : index
      %get3A_74 = vector.load %arg9[%get3A_71, %get3A_72, %get3A_73] : memref<11x256x256xf32, #tpu.memory_space<vmem>>, vector<1x256x256xf32>
      %get3A_75 = vector.shape_cast %get3A_74 : vector<1x256x256xf32> to vector<256x256xf32>
      %slice3A_76 = vector.extract_strided_slice %get3A_9 {offsets = [0, 1792], sizes = [256, 256], strides = [1, 1]} : vector<256x2816xf32> to vector<256x256xf32>
      %dot_general3A_77 = arith.constant dense<0.000000e+00> : vector<256x256xf32>
      %dot_general3A_78 = tpu.matmul %get3A_75, %slice3A_76, %dot_general3A_77 {dimension_numbers = #tpu.dot_dimension_numbers<[1], [1], [0], [0], [0, 0, 1, 0], [], []>, transpose_lhs_hint = false} : vector<256x256xf32>, vector<256x256xf32>, vector<256x256xf32> -> vector<256x256xf32>
      %add3A_79 = arith.addf %add3A_70, %dot_general3A_78 : vector<256x256xf32>
      %get3A_80 = arith.constant 8 : index
      %get3A_81 = arith.constant 0 : index
      %get3A_82 = arith.constant 0 : index
      %get3A_83 = vector.load %arg9[%get3A_80, %get3A_81, %get3A_82] : memref<11x256x256xf32, #tpu.memory_space<vmem>>, vector<1x256x256xf32>
      %get3A_84 = vector.shape_cast %get3A_83 : vector<1x256x256xf32> to vector<256x256xf32>
      %slice3A_85 = vector.extract_strided_slice %get3A_9 {offsets = [0, 2048], sizes = [256, 256], strides = [1, 1]} : vector<256x2816xf32> to vector<256x256xf32>
      %dot_general3A_86 = arith.constant dense<0.000000e+00> : vector<256x256xf32>
      %dot_general3A_87 = tpu.matmul %get3A_84, %slice3A_85, %dot_general3A_86 {dimension_numbers = #tpu.dot_dimension_numbers<[1], [1], [0], [0], [0, 0, 1, 0], [], []>, transpose_lhs_hint = false} : vector<256x256xf32>, vector<256x256xf32>, vector<256x256xf32> -> vector<256x256xf32>
      %add3A_88 = arith.addf %add3A_79, %dot_general3A_87 : vector<256x256xf32>
      %get3A_89 = arith.constant 9 : index
      %get3A_90 = arith.constant 0 : index
      %get3A_91 = arith.constant 0 : index
      %get3A_92 = vector.load %arg9[%get3A_89, %get3A_90, %get3A_91] : memref<11x256x256xf32, #tpu.memory_space<vmem>>, vector<1x256x256xf32>
      %get3A_93 = vector.shape_cast %get3A_92 : vector<1x256x256xf32> to vector<256x256xf32>
      %slice3A_94 = vector.extract_strided_slice %get3A_9 {offsets = [0, 2304], sizes = [256, 256], strides = [1, 1]} : vector<256x2816xf32> to vector<256x256xf32>
      %dot_general3A_95 = arith.constant dense<0.000000e+00> : vector<256x256xf32>
      %dot_general3A_96 = tpu.matmul %get3A_93, %slice3A_94, %dot_general3A_95 {dimension_numbers = #tpu.dot_dimension_numbers<[1], [1], [0], [0], [0, 0, 1, 0], [], []>, transpose_lhs_hint = false} : vector<256x256xf32>, vector<256x256xf32>, vector<256x256xf32> -> vector<256x256xf32>
      %add3A_97 = arith.addf %add3A_88, %dot_general3A_96 : vector<256x256xf32>
      %get3A_98 = arith.constant 10 : index
      %get3A_99 = arith.constant 0 : index
      %get3A_100 = arith.constant 0 : index
      %get3A_101 = vector.load %arg9[%get3A_98, %get3A_99, %get3A_100] : memref<11x256x256xf32, #tpu.memory_space<vmem>>, vector<1x256x256xf32>
      %get3A_102 = vector.shape_cast %get3A_101 : vector<1x256x256xf32> to vector<256x256xf32>
      %slice3A_103 = vector.extract_strided_slice %get3A_9 {offsets = [0, 2560], sizes = [256, 256], strides = [1, 1]} : vector<256x2816xf32> to vector<256x256xf32>
      %dot_general3A_104 = arith.constant dense<0.000000e+00> : vector<256x256xf32>
      %dot_general3A_105 = tpu.matmul %get3A_102, %slice3A_103, %dot_general3A_104 {dimension_numbers = #tpu.dot_dimension_numbers<[1], [1], [0], [0], [0, 0, 1, 0], [], []>, transpose_lhs_hint = false} : vector<256x256xf32>, vector<256x256xf32>, vector<256x256xf32> -> vector<256x256xf32>
      %add3A_106 = arith.addf %add3A_97, %dot_general3A_105 : vector<256x256xf32>
      %get3A_107 = arith.constant 0 : index
      %get3A_108 = arith.constant 0 : index
      %get3A_109 = vector.load %arg7[%get3A_107, %get3A_108] : memref<256x1xf32, #tpu.memory_space<vmem>>, vector<256x1xf32>
      %mul3A = vector.broadcast %get3A_109 : vector<256x1xf32> to vector<256x256xf32>
      %mul3A_110 = arith.mulf %add3A_106, %mul3A : vector<256x256xf32>
      %swap3A = arith.constant 0 : index
      %swap3A_111 = arith.constant 0 : index
      %swap3A_112 = vector.load %arg8[%swap3A, %swap3A_111] : memref<256x256xf32, #tpu.memory_space<vmem>>, vector<256x256xf32>
      tpu.vector_store %arg8[%swap3A, %swap3A_111], %mul3A_110 {strides = array<i32>} : memref<256x256xf32, #tpu.memory_space<vmem>>, vector<256x256xf32>,
    } else {
    }
    return
  }
  func.func @transform_0(%arg0: i32, %arg1: i32, %arg2: memref<24xi32, #tpu.memory_space<smem>>) -> (i32, i32) {
    %c0_i32 = arith.constant 0 : i32
    %c0_i32_0 = arith.constant 0 : i32
    return %arg0, %c0_i32 : i32, i32
  }
  func.func @transform_1(%arg0: i32, %arg1: i32, %arg2: memref<24xi32, #tpu.memory_space<smem>>) -> (i32, i32, i32) {
    %get3A = arith.index_cast %arg0 : i32 to index
    %get3A_0 = memref.load %arg2[%get3A] : memref<24xi32, #tpu.memory_space<smem>>
    %min3A = arith.constant 10 : i32
    %min3A_1 = arith.minsi %arg1, %min3A : i32
    %c0_i32 = arith.constant 0 : i32
    %c0_i32_2 = arith.constant 0 : i32
    return %get3A_0, %min3A_1, %c0_i32 : i32, i32, i32
  }
  func.func @transform_2(%arg0: i32, %arg1: i32, %arg2: memref<24xi32, #tpu.memory_space<smem>>) -> (i32, i32, i32) {
    %get3A = arith.index_cast %arg0 : i32 to index
    %get3A_0 = memref.load %arg2[%get3A] : memref<24xi32, #tpu.memory_space<smem>>
    %min3A = arith.constant 10 : i32
    %min3A_1 = arith.minsi %arg1, %min3A : i32
    %c0_i32 = arith.constant 0 : i32
    %c0_i32_2 = arith.constant 0 : i32
    return %get3A_0, %min3A_1, %c0_i32 : i32, i32, i32
  }
  func.func @transform_3(%arg0: i32, %arg1: i32, %arg2: memref<24xi32, #tpu.memory_space<smem>>) -> (i32, i32, i32) {
    %get3A = arith.index_cast %arg0 : i32 to index
    %get3A_0 = memref.load %arg2[%get3A] : memref<24xi32, #tpu.memory_space<smem>>
    %sub3A = arith.constant 11 : i32
    %sub3A_1 = arith.subi %arg1, %sub3A : i32
    %max3A = arith.constant 0 : i32
    %max3A_2 = arith.maxsi %sub3A_1, %max3A : i32
    %c0_i32 = arith.constant 0 : i32
    %c0_i32_3 = arith.constant 0 : i32
    return %get3A_0, %max3A_2, %c0_i32 : i32, i32, i32
  }
  func.func @transform_4(%arg0: i32, %arg1: i32, %arg2: memref<24xi32, #tpu.memory_space<smem>>) -> (i32, i32) {
    %c0_i32 = arith.constant 0 : i32
    %c0_i32_0 = arith.constant 0 : i32
    return %arg0, %c0_i32 : i32, i32
  }
  func.func @transform_5(%arg0: i32, %arg1: i32, %arg2: memref<24xi32, #tpu.memory_space<smem>>) -> (i32, i32) {
    %sub3A = arith.constant 11 : i32
    %sub3A_0 = arith.subi %arg1, %sub3A : i32
    %max3A = arith.constant 0 : i32
    %max3A_1 = arith.maxsi %sub3A_0, %max3A : i32
    %c0_i32 = arith.constant 0 : i32
    return %arg0, %max3A_1 : i32, i32
  }
}

module attributes {stable_mosaic.version = 14 : i64} {
  func.func @_shared_body(%arg0: i32, %arg1: i32, %arg2: memref<256x2048xf32, #tpu.memory_space<vmem>>, %arg3: memref<256x2048xf32, #tpu.memory_space<vmem>>, %arg4: memref<256x2048xf32, #tpu.memory_space<vmem>>, %arg5: memref<256x2816xf32, #tpu.memory_space<vmem>>, %arg6: memref<256x1xf32, #tpu.memory_space<vmem>>, %arg7: memref<256x256xf32, #tpu.memory_space<vmem>>, %arg8: memref<256x256xf32, #tpu.memory_space<vmem>>, %arg9: memref<256x256xf32, #tpu.memory_space<vmem>>, %arg10: memref<11x256x256xf32, #tpu.memory_space<vmem>>) attributes {dimension_semantics = [#tpu.dimension_semantics<arbitrary>, #tpu.dimension_semantics<arbitrary>], iteration_bounds = array<i64: 8, 19>, scalar_prefetch = 0 : i64, scratch_operands = 1 : i64, tpu.core_type = #tpu.core_type<tc>, window_params = [{transform_indices = @transform_0, window_bounds = array<i64: 256, 2048>}, {transform_indices = @transform_1, window_bounds = array<i64: 256, 2048>}, {transform_indices = @transform_2, window_bounds = array<i64: 256, 2048>}, {transform_indices = @transform_3, window_bounds = array<i64: 256, 2816>}, {transform_indices = @transform_4, window_bounds = array<i64: 256, 1>}, {transform_indices = @transform_5, window_bounds = array<i64: 256, 256>}, {transform_indices = @transform_6, window_bounds = array<i64: 256, 256>}, {transform_indices = @transform_7, window_bounds = array<i64: 256, 256>}]} {
    %lt3A = arith.constant 11 : i32
    %lt3A_0 = arith.cmpi slt, %arg1, %lt3A : i32
    %convert_element_type3A = arith.extui %lt3A_0 : i1 to i32
    %cond3A = arith.constant 0 : i32
    %cond3A_1 = arith.cmpi ne, %convert_element_type3A, %cond3A : i32
    scf.if %cond3A_1 {
      %get3A = arith.constant 0 : index
      %get3A_6 = arith.constant 0 : index
      %get3A_7 = vector.load %arg2[%get3A, %get3A_6] : memref<256x2048xf32, #tpu.memory_space<vmem>>, vector<256x2048xf32>
      %get3A_8 = arith.constant 0 : index
      %get3A_9 = arith.constant 0 : index
      %get3A_10 = vector.load %arg3[%get3A_8, %get3A_9] : memref<256x2048xf32, #tpu.memory_space<vmem>>, vector<256x2048xf32>
      %dot_general3A = arith.constant dense<0.000000e+00> : vector<256x256xf32>
      %dot_general3A_11 = tpu.matmul %get3A_7, %get3A_10, %dot_general3A {dimension_numbers = #tpu.dot_dimension_numbers<[1], [1], [0], [0], [0, 0, 1, 0], [], []>, transpose_lhs_hint = false} : vector<256x2048xf32>, vector<256x2048xf32>, vector<256x256xf32> -> vector<256x256xf32>
      %get3A_12 = arith.constant 0 : index
      %get3A_13 = arith.constant 0 : index
      %get3A_14 = vector.load %arg4[%get3A_12, %get3A_13] : memref<256x2048xf32, #tpu.memory_space<vmem>>, vector<256x2048xf32>
      %dot_general3A_15 = arith.constant dense<0.000000e+00> : vector<256x256xf32>
      %dot_general3A_16 = tpu.matmul %get3A_7, %get3A_14, %dot_general3A_15 {dimension_numbers = #tpu.dot_dimension_numbers<[1], [1], [0], [0], [0, 0, 1, 0], [], []>, transpose_lhs_hint = false} : vector<256x2048xf32>, vector<256x2048xf32>, vector<256x256xf32> -> vector<256x256xf32>
      %logistic3A = arith.negf %dot_general3A_11 : vector<256x256xf32>
      %logistic3A_17 = math.exp %logistic3A : vector<256x256xf32>
      %logistic3A_18 = arith.constant 1.000000e+00 : f32
      %logistic3A_19 = vector.broadcast %logistic3A_18 : f32 to vector<256x256xf32>
      %logistic3A_20 = arith.addf %logistic3A_19, %logistic3A_17 : vector<256x256xf32>
      %logistic3A_21 = arith.divf %logistic3A_19, %logistic3A_20 : vector<256x256xf32>
      %mul3A = arith.mulf %dot_general3A_11, %logistic3A_21 : vector<256x256xf32>
      %mul3A_22 = arith.mulf %mul3A, %dot_general3A_16 : vector<256x256xf32>
      %broadcast_in_dim3A = vector.shape_cast %mul3A_22 : vector<256x256xf32> to vector<1x256x256xf32>
      %swap3A = arith.index_cast %arg1 : i32 to index
      %swap3A_23 = arith.constant 0 : index
      %swap3A_24 = arith.constant 0 : index
      %swap3A_25 = vector.load %arg10[%swap3A, %swap3A_23, %swap3A_24] : memref<11x256x256xf32, #tpu.memory_space<vmem>>, vector<1x256x256xf32>
      tpu.vector_store %arg10[%swap3A, %swap3A_23, %swap3A_24], %broadcast_in_dim3A {strides = array<i32>} : memref<11x256x256xf32, #tpu.memory_space<vmem>>, vector<1x256x256xf32>,
    } else {
    }
    %ge3A = arith.constant 11 : i32
    %ge3A_2 = arith.cmpi sge, %arg1, %ge3A : i32
    %convert_element_type3A_3 = arith.extui %ge3A_2 : i1 to i32
    %cond3A_4 = arith.constant 0 : i32
    %cond3A_5 = arith.cmpi ne, %convert_element_type3A_3, %cond3A_4 : i32
    scf.if %cond3A_5 {
      %get3A = arith.constant 0 : index
      %get3A_6 = arith.constant 0 : index
      %get3A_7 = vector.load %arg5[%get3A, %get3A_6] : memref<256x2816xf32, #tpu.memory_space<vmem>>, vector<256x2816xf32>
      %broadcast_in_dim3A = arith.constant 0.000000e+00 : f32
      %broadcast_in_dim3A_8 = vector.broadcast %broadcast_in_dim3A : f32 to vector<256x256xf32>
      %get3A_9 = arith.constant 0 : index
      %get3A_10 = arith.constant 0 : index
      %get3A_11 = arith.constant 0 : index
      %get3A_12 = vector.load %arg10[%get3A_9, %get3A_10, %get3A_11] : memref<11x256x256xf32, #tpu.memory_space<vmem>>, vector<1x256x256xf32>
      %get3A_13 = vector.shape_cast %get3A_12 : vector<1x256x256xf32> to vector<256x256xf32>
      %slice3A = vector.extract_strided_slice %get3A_7 {offsets = [0, 0], sizes = [256, 256], strides = [1, 1]} : vector<256x2816xf32> to vector<256x256xf32>
      %dot_general3A = arith.constant dense<0.000000e+00> : vector<256x256xf32>
      %dot_general3A_14 = tpu.matmul %get3A_13, %slice3A, %dot_general3A {dimension_numbers = #tpu.dot_dimension_numbers<[1], [1], [0], [0], [0, 0, 1, 0], [], []>, transpose_lhs_hint = false} : vector<256x256xf32>, vector<256x256xf32>, vector<256x256xf32> -> vector<256x256xf32>
      %add3A = arith.addf %broadcast_in_dim3A_8, %dot_general3A_14 : vector<256x256xf32>
      %get3A_15 = arith.constant 1 : index
      %get3A_16 = arith.constant 0 : index
      %get3A_17 = arith.constant 0 : index
      %get3A_18 = vector.load %arg10[%get3A_15, %get3A_16, %get3A_17] : memref<11x256x256xf32, #tpu.memory_space<vmem>>, vector<1x256x256xf32>
      %get3A_19 = vector.shape_cast %get3A_18 : vector<1x256x256xf32> to vector<256x256xf32>
      %slice3A_20 = vector.extract_strided_slice %get3A_7 {offsets = [0, 256], sizes = [256, 256], strides = [1, 1]} : vector<256x2816xf32> to vector<256x256xf32>
      %dot_general3A_21 = arith.constant dense<0.000000e+00> : vector<256x256xf32>
      %dot_general3A_22 = tpu.matmul %get3A_19, %slice3A_20, %dot_general3A_21 {dimension_numbers = #tpu.dot_dimension_numbers<[1], [1], [0], [0], [0, 0, 1, 0], [], []>, transpose_lhs_hint = false} : vector<256x256xf32>, vector<256x256xf32>, vector<256x256xf32> -> vector<256x256xf32>
      %add3A_23 = arith.addf %add3A, %dot_general3A_22 : vector<256x256xf32>
      %get3A_24 = arith.constant 2 : index
      %get3A_25 = arith.constant 0 : index
      %get3A_26 = arith.constant 0 : index
      %get3A_27 = vector.load %arg10[%get3A_24, %get3A_25, %get3A_26] : memref<11x256x256xf32, #tpu.memory_space<vmem>>, vector<1x256x256xf32>
      %get3A_28 = vector.shape_cast %get3A_27 : vector<1x256x256xf32> to vector<256x256xf32>
      %slice3A_29 = vector.extract_strided_slice %get3A_7 {offsets = [0, 512], sizes = [256, 256], strides = [1, 1]} : vector<256x2816xf32> to vector<256x256xf32>
      %dot_general3A_30 = arith.constant dense<0.000000e+00> : vector<256x256xf32>
      %dot_general3A_31 = tpu.matmul %get3A_28, %slice3A_29, %dot_general3A_30 {dimension_numbers = #tpu.dot_dimension_numbers<[1], [1], [0], [0], [0, 0, 1, 0], [], []>, transpose_lhs_hint = false} : vector<256x256xf32>, vector<256x256xf32>, vector<256x256xf32> -> vector<256x256xf32>
      %add3A_32 = arith.addf %add3A_23, %dot_general3A_31 : vector<256x256xf32>
      %get3A_33 = arith.constant 3 : index
      %get3A_34 = arith.constant 0 : index
      %get3A_35 = arith.constant 0 : index
      %get3A_36 = vector.load %arg10[%get3A_33, %get3A_34, %get3A_35] : memref<11x256x256xf32, #tpu.memory_space<vmem>>, vector<1x256x256xf32>
      %get3A_37 = vector.shape_cast %get3A_36 : vector<1x256x256xf32> to vector<256x256xf32>
      %slice3A_38 = vector.extract_strided_slice %get3A_7 {offsets = [0, 768], sizes = [256, 256], strides = [1, 1]} : vector<256x2816xf32> to vector<256x256xf32>
      %dot_general3A_39 = arith.constant dense<0.000000e+00> : vector<256x256xf32>
      %dot_general3A_40 = tpu.matmul %get3A_37, %slice3A_38, %dot_general3A_39 {dimension_numbers = #tpu.dot_dimension_numbers<[1], [1], [0], [0], [0, 0, 1, 0], [], []>, transpose_lhs_hint = false} : vector<256x256xf32>, vector<256x256xf32>, vector<256x256xf32> -> vector<256x256xf32>
      %add3A_41 = arith.addf %add3A_32, %dot_general3A_40 : vector<256x256xf32>
      %get3A_42 = arith.constant 4 : index
      %get3A_43 = arith.constant 0 : index
      %get3A_44 = arith.constant 0 : index
      %get3A_45 = vector.load %arg10[%get3A_42, %get3A_43, %get3A_44] : memref<11x256x256xf32, #tpu.memory_space<vmem>>, vector<1x256x256xf32>
      %get3A_46 = vector.shape_cast %get3A_45 : vector<1x256x256xf32> to vector<256x256xf32>
      %slice3A_47 = vector.extract_strided_slice %get3A_7 {offsets = [0, 1024], sizes = [256, 256], strides = [1, 1]} : vector<256x2816xf32> to vector<256x256xf32>
      %dot_general3A_48 = arith.constant dense<0.000000e+00> : vector<256x256xf32>
      %dot_general3A_49 = tpu.matmul %get3A_46, %slice3A_47, %dot_general3A_48 {dimension_numbers = #tpu.dot_dimension_numbers<[1], [1], [0], [0], [0, 0, 1, 0], [], []>, transpose_lhs_hint = false} : vector<256x256xf32>, vector<256x256xf32>, vector<256x256xf32> -> vector<256x256xf32>
      %add3A_50 = arith.addf %add3A_41, %dot_general3A_49 : vector<256x256xf32>
      %get3A_51 = arith.constant 5 : index
      %get3A_52 = arith.constant 0 : index
      %get3A_53 = arith.constant 0 : index
      %get3A_54 = vector.load %arg10[%get3A_51, %get3A_52, %get3A_53] : memref<11x256x256xf32, #tpu.memory_space<vmem>>, vector<1x256x256xf32>
      %get3A_55 = vector.shape_cast %get3A_54 : vector<1x256x256xf32> to vector<256x256xf32>
      %slice3A_56 = vector.extract_strided_slice %get3A_7 {offsets = [0, 1280], sizes = [256, 256], strides = [1, 1]} : vector<256x2816xf32> to vector<256x256xf32>
      %dot_general3A_57 = arith.constant dense<0.000000e+00> : vector<256x256xf32>
      %dot_general3A_58 = tpu.matmul %get3A_55, %slice3A_56, %dot_general3A_57 {dimension_numbers = #tpu.dot_dimension_numbers<[1], [1], [0], [0], [0, 0, 1, 0], [], []>, transpose_lhs_hint = false} : vector<256x256xf32>, vector<256x256xf32>, vector<256x256xf32> -> vector<256x256xf32>
      %add3A_59 = arith.addf %add3A_50, %dot_general3A_58 : vector<256x256xf32>
      %get3A_60 = arith.constant 6 : index
      %get3A_61 = arith.constant 0 : index
      %get3A_62 = arith.constant 0 : index
      %get3A_63 = vector.load %arg10[%get3A_60, %get3A_61, %get3A_62] : memref<11x256x256xf32, #tpu.memory_space<vmem>>, vector<1x256x256xf32>
      %get3A_64 = vector.shape_cast %get3A_63 : vector<1x256x256xf32> to vector<256x256xf32>
      %slice3A_65 = vector.extract_strided_slice %get3A_7 {offsets = [0, 1536], sizes = [256, 256], strides = [1, 1]} : vector<256x2816xf32> to vector<256x256xf32>
      %dot_general3A_66 = arith.constant dense<0.000000e+00> : vector<256x256xf32>
      %dot_general3A_67 = tpu.matmul %get3A_64, %slice3A_65, %dot_general3A_66 {dimension_numbers = #tpu.dot_dimension_numbers<[1], [1], [0], [0], [0, 0, 1, 0], [], []>, transpose_lhs_hint = false} : vector<256x256xf32>, vector<256x256xf32>, vector<256x256xf32> -> vector<256x256xf32>
      %add3A_68 = arith.addf %add3A_59, %dot_general3A_67 : vector<256x256xf32>
      %get3A_69 = arith.constant 7 : index
      %get3A_70 = arith.constant 0 : index
      %get3A_71 = arith.constant 0 : index
      %get3A_72 = vector.load %arg10[%get3A_69, %get3A_70, %get3A_71] : memref<11x256x256xf32, #tpu.memory_space<vmem>>, vector<1x256x256xf32>
      %get3A_73 = vector.shape_cast %get3A_72 : vector<1x256x256xf32> to vector<256x256xf32>
      %slice3A_74 = vector.extract_strided_slice %get3A_7 {offsets = [0, 1792], sizes = [256, 256], strides = [1, 1]} : vector<256x2816xf32> to vector<256x256xf32>
      %dot_general3A_75 = arith.constant dense<0.000000e+00> : vector<256x256xf32>
      %dot_general3A_76 = tpu.matmul %get3A_73, %slice3A_74, %dot_general3A_75 {dimension_numbers = #tpu.dot_dimension_numbers<[1], [1], [0], [0], [0, 0, 1, 0], [], []>, transpose_lhs_hint = false} : vector<256x256xf32>, vector<256x256xf32>, vector<256x256xf32> -> vector<256x256xf32>
      %add3A_77 = arith.addf %add3A_68, %dot_general3A_76 : vector<256x256xf32>
      %get3A_78 = arith.constant 8 : index
      %get3A_79 = arith.constant 0 : index
      %get3A_80 = arith.constant 0 : index
      %get3A_81 = vector.load %arg10[%get3A_78, %get3A_79, %get3A_80] : memref<11x256x256xf32, #tpu.memory_space<vmem>>, vector<1x256x256xf32>
      %get3A_82 = vector.shape_cast %get3A_81 : vector<1x256x256xf32> to vector<256x256xf32>
      %slice3A_83 = vector.extract_strided_slice %get3A_7 {offsets = [0, 2048], sizes = [256, 256], strides = [1, 1]} : vector<256x2816xf32> to vector<256x256xf32>
      %dot_general3A_84 = arith.constant dense<0.000000e+00> : vector<256x256xf32>
      %dot_general3A_85 = tpu.matmul %get3A_82, %slice3A_83, %dot_general3A_84 {dimension_numbers = #tpu.dot_dimension_numbers<[1], [1], [0], [0], [0, 0, 1, 0], [], []>, transpose_lhs_hint = false} : vector<256x256xf32>, vector<256x256xf32>, vector<256x256xf32> -> vector<256x256xf32>
      %add3A_86 = arith.addf %add3A_77, %dot_general3A_85 : vector<256x256xf32>
      %get3A_87 = arith.constant 9 : index
      %get3A_88 = arith.constant 0 : index
      %get3A_89 = arith.constant 0 : index
      %get3A_90 = vector.load %arg10[%get3A_87, %get3A_88, %get3A_89] : memref<11x256x256xf32, #tpu.memory_space<vmem>>, vector<1x256x256xf32>
      %get3A_91 = vector.shape_cast %get3A_90 : vector<1x256x256xf32> to vector<256x256xf32>
      %slice3A_92 = vector.extract_strided_slice %get3A_7 {offsets = [0, 2304], sizes = [256, 256], strides = [1, 1]} : vector<256x2816xf32> to vector<256x256xf32>
      %dot_general3A_93 = arith.constant dense<0.000000e+00> : vector<256x256xf32>
      %dot_general3A_94 = tpu.matmul %get3A_91, %slice3A_92, %dot_general3A_93 {dimension_numbers = #tpu.dot_dimension_numbers<[1], [1], [0], [0], [0, 0, 1, 0], [], []>, transpose_lhs_hint = false} : vector<256x256xf32>, vector<256x256xf32>, vector<256x256xf32> -> vector<256x256xf32>
      %add3A_95 = arith.addf %add3A_86, %dot_general3A_94 : vector<256x256xf32>
      %get3A_96 = arith.constant 10 : index
      %get3A_97 = arith.constant 0 : index
      %get3A_98 = arith.constant 0 : index
      %get3A_99 = vector.load %arg10[%get3A_96, %get3A_97, %get3A_98] : memref<11x256x256xf32, #tpu.memory_space<vmem>>, vector<1x256x256xf32>
      %get3A_100 = vector.shape_cast %get3A_99 : vector<1x256x256xf32> to vector<256x256xf32>
      %slice3A_101 = vector.extract_strided_slice %get3A_7 {offsets = [0, 2560], sizes = [256, 256], strides = [1, 1]} : vector<256x2816xf32> to vector<256x256xf32>
      %dot_general3A_102 = arith.constant dense<0.000000e+00> : vector<256x256xf32>
      %dot_general3A_103 = tpu.matmul %get3A_100, %slice3A_101, %dot_general3A_102 {dimension_numbers = #tpu.dot_dimension_numbers<[1], [1], [0], [0], [0, 0, 1, 0], [], []>, transpose_lhs_hint = false} : vector<256x256xf32>, vector<256x256xf32>, vector<256x256xf32> -> vector<256x256xf32>
      %add3A_104 = arith.addf %add3A_95, %dot_general3A_103 : vector<256x256xf32>
      %get3A_105 = arith.constant 0 : index
      %get3A_106 = arith.constant 0 : index
      %get3A_107 = vector.load %arg6[%get3A_105, %get3A_106] : memref<256x1xf32, #tpu.memory_space<vmem>>, vector<256x1xf32>
      %mul3A = vector.broadcast %get3A_107 : vector<256x1xf32> to vector<256x256xf32>
      %mul3A_108 = arith.mulf %add3A_104, %mul3A : vector<256x256xf32>
      %get3A_109 = arith.constant 0 : index
      %get3A_110 = arith.constant 0 : index
      %get3A_111 = vector.load %arg7[%get3A_109, %get3A_110] : memref<256x256xf32, #tpu.memory_space<vmem>>, vector<256x256xf32>
      %add3A_112 = arith.addf %mul3A_108, %get3A_111 : vector<256x256xf32>
      %get3A_113 = arith.constant 0 : index
      %get3A_114 = arith.constant 0 : index
      %get3A_115 = vector.load %arg8[%get3A_113, %get3A_114] : memref<256x256xf32, #tpu.memory_space<vmem>>, vector<256x256xf32>
      %add3A_116 = arith.addf %add3A_112, %get3A_115 : vector<256x256xf32>
      %swap3A = arith.constant 0 : index
      %swap3A_117 = arith.constant 0 : index
      %swap3A_118 = vector.load %arg9[%swap3A, %swap3A_117] : memref<256x256xf32, #tpu.memory_space<vmem>>, vector<256x256xf32>
      tpu.vector_store %arg9[%swap3A, %swap3A_117], %add3A_116 {strides = array<i32>} : memref<256x256xf32, #tpu.memory_space<vmem>>, vector<256x256xf32>,
    } else {
    }
    return
  }
  func.func @transform_0(%arg0: i32, %arg1: i32) -> (i32, i32) {
    %c0_i32 = arith.constant 0 : i32
    %c0_i32_0 = arith.constant 0 : i32
    return %arg0, %c0_i32 : i32, i32
  }
  func.func @transform_1(%arg0: i32, %arg1: i32) -> (i32, i32) {
    %min3A = arith.constant 10 : i32
    %min3A_0 = arith.minsi %arg1, %min3A : i32
    %c0_i32 = arith.constant 0 : i32
    %c0_i32_1 = arith.constant 0 : i32
    return %min3A_0, %c0_i32 : i32, i32
  }
  func.func @transform_2(%arg0: i32, %arg1: i32) -> (i32, i32) {
    %min3A = arith.constant 10 : i32
    %min3A_0 = arith.minsi %arg1, %min3A : i32
    %c0_i32 = arith.constant 0 : i32
    %c0_i32_1 = arith.constant 0 : i32
    return %min3A_0, %c0_i32 : i32, i32
  }
  func.func @transform_3(%arg0: i32, %arg1: i32) -> (i32, i32) {
    %sub3A = arith.constant 11 : i32
    %sub3A_0 = arith.subi %arg1, %sub3A : i32
    %max3A = arith.constant 0 : i32
    %max3A_1 = arith.maxsi %sub3A_0, %max3A : i32
    %c0_i32 = arith.constant 0 : i32
    %c0_i32_2 = arith.constant 0 : i32
    return %max3A_1, %c0_i32 : i32, i32
  }
  func.func @transform_4(%arg0: i32, %arg1: i32) -> (i32, i32) {
    %c0_i32 = arith.constant 0 : i32
    %c0_i32_0 = arith.constant 0 : i32
    return %arg0, %c0_i32 : i32, i32
  }
  func.func @transform_5(%arg0: i32, %arg1: i32) -> (i32, i32) {
    %sub3A = arith.constant 11 : i32
    %sub3A_0 = arith.subi %arg1, %sub3A : i32
    %max3A = arith.constant 0 : i32
    %max3A_1 = arith.maxsi %sub3A_0, %max3A : i32
    %c0_i32 = arith.constant 0 : i32
    return %arg0, %max3A_1 : i32, i32
  }
  func.func @transform_6(%arg0: i32, %arg1: i32) -> (i32, i32) {
    %sub3A = arith.constant 11 : i32
    %sub3A_0 = arith.subi %arg1, %sub3A : i32
    %max3A = arith.constant 0 : i32
    %max3A_1 = arith.maxsi %sub3A_0, %max3A : i32
    %c0_i32 = arith.constant 0 : i32
    return %arg0, %max3A_1 : i32, i32
  }
  func.func @transform_7(%arg0: i32, %arg1: i32) -> (i32, i32) {
    %sub3A = arith.constant 11 : i32
    %sub3A_0 = arith.subi %arg1, %sub3A : i32
    %max3A = arith.constant 0 : i32
    %max3A_1 = arith.maxsi %sub3A_0, %max3A : i32
    %c0_i32 = arith.constant 0 : i32
    return %arg0, %max3A_1 : i32, i32
  }
}

</mosaic_0001>

<sc_bundles>
// kernel: gather_offload_async_start.1
scs
__scs_entry_jumppad:
0x0: {  	(pc) =	sbr.rel $0x88, $3  }
0x1: {  	(tag) =	ssettag $0x0;
	lr =	simm.s32 $0x1  }
0x2: {  	[smem:$0x3F98] =	sst lr;
	_ =	strace $0xD0000000  }
0x3: {  	_ = 	snop  }
0x4: {  	_ = 	snop  }
0x5: {  	_ = 	snop  }
0x6: {  	_ = 	snop  }
0x7: {  	_ = 	snop  }
__scs_overlays_trampoline_lowered:
0x8: {  	[smem:$0x3FA7] =	sst s0  }
0x9: {  	[smem:$0x3FA8] =	sst s1  }
0xa: {  	[smem:$0x3FA9] =	sst s2  }
0xb: {  	[smem:$0x3FAA] =	sst s3  }
0xc: {  	[smem:$0x3FAB] =	sst s4  }
0xd: {  	[smem:$0x3FAC] =	sst s5  }
0xe: {  	[smem:$0x3FAD] =	sst s6  }
0xf: {  	[smem:$0x3FAE] =	sst s7  }
0x10: {  	[smem:$0x3FAF] =	sst s8  }
0x11: {  	[smem:$0x3FB0] =	sst s9;
	s0 =	simm.s32 @!p0 $0x0  }
0x12: {  	s1 =	sld [smem:$0x3F96];
	s0 =	simm.s32 @p0 $0x1  }
0x13: {  	[smem:$0x3FB1] =	sst s0;
	s0 =	simm.s32 @!p1 $0x0  }
0x14: {  	s2 =	sld [smem:$0x3F95];
	s0 =	simm.s32 @p1 $0x1  }
0x15: {  	[smem:$0x3FB2] =	sst s0;
	s0 =	simm.s32 @!p2 $0x0  }
0x16: {  	s3 =	sld [smem:$0x3FDB];
	s0 =	simm.s32 @p2 $0x1  }
0x17: {  	s4 =	simm.s32 $0x1BF5;
	[smem:$0x3FB4] =	sst s0  }
0x18: {  	s0 =	sld [smem:$0x3F97];
	_ =	swait.ge [sflag:s4], $0x0  }
0x19: {  	s7 =	sld [smem:$0x3F98]  }
0x1a: {  	s8 =	sadd.s32 $0xFFFFE003, lr  }
0x1b: {  	s9 =	sadd.s32 $0xFFFFFEF7, lr;
	s5 =	simm.s32 $0xFFFFFFFF;
	p2 =	slt.u32 s8, $0xFFFFF086  }
0x1c: {  	p1 =	slt.u32 s9, $0xF7A;
	s5 =	simm.s32 @!p2 $0x0  }
0x1d: {  	s5 =	simm.s32 @p1 $0x1;
	p0 =	seq.s32 s7, s2  }
0x1e: {  	s7 =	smul.u32 @!p0 $0xF7A, s2;
	p2 =	seq.s32 @!p0 s5, $0x0  }
0x1f: {  	s9 =	smul.u32 $0xF7A, s1;
	s8 =	simm.s32 @!p0 $0x1BF5;
	p2 =	por !p2, p0  }
0x20: {  	[sflag:s8] =	ssyncset.s32 @!p0 $0xFFFFF086;
	s6 =	sadd.s32 @!p0 s3, s7;
	s7 =	simm.s32 @!p0 $0x108  }
0x21: {  	s3 =	sadd.s32 s3, s9;
	s6 =	sadd.s32 @!p0 $0x88, s6;
	s7 =	simm.s32 @p2 $0x1082  }
0x22: {  	[simem:s7], [sflag:s8] =	dma.local @!p0 [hbm:s6], $0xF7A  }
0x23: {  	s9 =	sor.u32 $0xD0000000, s2;
	s6 =	simm.s32 $0x108;
	_ =	swait.ge @!p0 [sflag:s8], $0x0  }
0x24: {  	s3 =	sadd.s32 $0x88, s3;
	s6 =	simm.s32 @!p1 $0x1082;
	[sflag:s4] =	ssyncset.s32 $0xFFFFF086  }
0x25: {  	[simem:s6], [sflag:s4] =	dma.local [hbm:s3], $0xF7A  }
0x26: {  	[smem:$0x3F98] =	sst s1;
	(tag) =	ssettag s2;
	_ =	strace s9  }
0x27: {  	s1 =	sld [smem:$0x3FA8]  }
0x28: {  	s2 =	sld [smem:$0x3FA9]  }
0x29: {  	s4 =	sld [smem:$0x3FAB]  }
0x2a: {  	p0 =	seq.s32 s5, $0x0;
	s5 =	sld [smem:$0x3FAC]  }
0x2b: {  	s6 =	sld [smem:$0x3FAD]  }
0x2c: {  	s7 =	sld [smem:$0x3FAE]  }
0x2d: {  	s3 =	simm.s32 $0x108;
	s8 =	sld [smem:$0x3FAF]  }
0x2e: {  	s3 =	simm.s32 @!p0 $0x1082;
	s9 =	sld [smem:$0x3FB0]  }
0x2f: {  	lr =	sadd.s32 s0, s3;
	s0 =	sld [smem:$0x3FA7]  }
0x30: {  	s3 =	sld [smem:$0x3FAA]  }
0x31: {  	[smem:$0x3FB3] =	sst s10  }
0x32: {  	s10 =	sld [smem:$0x3FB1];
	_ =	sdelay $0x3  }
0x33: {  	p0 =	seq.s32 s10, $0x1;
	s10 =	sld [smem:$0x3FB3];
	_ =	sdelay $0x3  }
0x34: {  	[smem:$0x3FB3] =	sst s10  }
0x35: {  	s10 =	sld [smem:$0x3FB2];
	_ =	sdelay $0x3  }
0x36: {  	p1 =	seq.s32 s10, $0x1;
	s10 =	sld [smem:$0x3FB3];
	_ =	sdelay $0x3  }
0x37: {  	[smem:$0x3FB3] =	sst s10  }
0x38: {  	s10 =	sld [smem:$0x3FB4]  }
0x39: {  	_ = 	snop;
	(pc) =	sbr.ind lr, $3  }
0x3a: {  	_ = 	snop  }
0x3b: {  	_ = 	snop  }
0x3c: {  	p2 =	seq.s32 s10, $0x1;
	s10 =	sld [smem:$0x3FB3]  }
0x3d: {  	_ =	shalt  }
0x3e: {  	_ =	shalt  }
0x3f: {  	_ =	shalt  }
0x40: {  	_ =	shalt  }
0x41: {  	_ =	shalt  }
0x42: {  	_ =	shalt  }
0x43: {  	_ =	shalt  }
0x44: {  	_ =	shalt  }
0x45: {  	_ =	shalt  }
0x46: {  	_ =	shalt  }
0x47: {  	_ =	shalt  }
0x48: {  	_ =	shalt  }
0x49: {  	_ =	shalt  }
0x4a: {  	_ =	shalt  }
0x4b: {  	_ =	shalt  }
0x4c: {  	_ =	shalt  }
0x4d: {  	_ =	shalt  }
0x4e: {  	_ =	shalt  }
0x4f: {  	_ =	shalt  }
0x50: {  	_ =	shalt  }
0x51: {  	_ =	shalt  }
0x52: {  	_ =	shalt  }
0x53: {  	_ =	shalt  }
0x54: {  	_ =	shalt  }
0x55: {  	_ =	shalt  }
0x56: {  	_ =	shalt  }
0x57: {  	_ =	shalt  }
0x58: {  	_ =	shalt  }
0x59: {  	_ =	shalt  }
0x5a: {  	_ =	shalt  }
0x5b: {  	_ =	shalt  }
0x5c: {  	_ =	shalt  }
0x5d: {  	_ =	shalt  }
0x5e: {  	_ =	shalt  }
0x5f: {  	_ =	shalt  }
0x60: {  	_ =	shalt  }
0x61: {  	_ =	shalt  }
0x62: {  	_ =	shalt  }
0x63: {  	_ =	shalt  }
0x64: {  	_ =	shalt  }
0x65: {  	_ =	shalt  }
0x66: {  	_ =	shalt  }
0x67: {  	_ =	shalt  }
0x68: {  	_ =	shalt  }
0x69: {  	_ =	shalt  }
0x6a: {  	_ =	shalt  }
0x6b: {  	_ =	shalt  }
0x6c: {  	_ =	shalt  }
0x6d: {  	_ =	shalt  }
0x6e: {  	_ =	shalt  }
0x6f: {  	_ =	shalt  }
0x70: {  	_ =	shalt  }
0x71: {  	_ =	shalt  }
0x72: {  	_ =	shalt  }
0x73: {  	_ =	shalt  }
0x74: {  	_ =	shalt  }
0x75: {  	_ =	shalt  }
0x76: {  	_ =	shalt  }
0x77: {  	_ =	shalt  }
0x78: {  	_ =	shalt  }
0x79: {  	_ =	shalt  }
0x7a: {  	_ =	shalt  }
0x7b: {  	_ =	shalt  }
0x7c: {  	_ =	shalt  }
0x7d: {  	_ =	shalt  }
0x7e: {  	_ =	shalt  }
0x7f: {  	_ =	shalt  }
0x80: {  	_ =	shalt  }
0x81: {  	_ =	shalt  }
0x82: {  	_ =	shalt  }
0x83: {  	_ =	shalt  }
0x84: {  	_ =	shalt  }
0x85: {  	_ =	shalt  }
0x86: {  	_ =	shalt  }
0x87: {  	_ =	shalt  }
.Lfunc_end0:
.L_simem_size_0:
called_computation.2_lowered:
.L_overlay_start_0:
0x88: {  	s2 =	sld [smem:$0x3FD9]  }
0x89: {  	s3 =	sld [smem:$0x3FFE];
	_ =	sdelay $0x1  }
0x8a: {  	s1 =	srdreg.scid  }
0x8b: {  	s0 =	sand.u32 $0x1, s1  }
0x8c: {  	s16 =	sshll.u32 s0, $0xA;
	s2 =	sadd.s32 s3, s2  }
0x8d: {  	s2 =	sadd.s32 s2, s16  }
0x8e: {  	[smem:$0x3FBF] =	sst s2  }
0x8f: {  	_ = 	snop  }
0x90: {  	(tm) =	ssettm $0x1  }
0x91: {  	s17 =	sld [smem:$0x3FFB];
	_ =	sdelay $0x3  }
0x92: {  	_ =	strace s17  }
0x93: {  	s2 =	sld [smem:$0x3FFC];
	_ =	sdelay $0x3  }
0x94: {  	_ =	strace s2  }
0x95: {  	s2 =	sld [smem:$0x3FFD];
	_ =	sdelay $0x3  }
0x96: {  	_ =	strace s2  }
0x97: {  	_ =	strace $0x8FFFFFFF  }
0x98: {  	s18 =	sld [smem:$0x3FDB];
	_ =	sdelay $0x1  }
0x99: {  	s19 =	simm.s32 $_scs_section_size  }
0x9a: {  	s4 =	simm.s32 $_size__tile_overlayer_lowered;
	s5 =	simm.s32 $_tile_overlayer_lowered  }
0x9b: {  	s22 =	simm.s32 $0x1BFF;
	s21 =	sshll.u32 s5, $0x1;
	s2 =	sadd.s32 s19, s18  }
0x9c: {  	s6 =	simm.s32 $0x0;
	s20 =	sshll.u32 s4, $0x1;
	s4 =	sadd.s32 s21, s2  }
0x9d: {  	[timem:s6], [sflag:s22] =	dma.local [hbm:s4], s20  }
0x9e: {  	_ =	swait.ge [sflag:s22], s20  }
0x9f: {  	s3 =	ssub.s32 $0x0, s20;
	[sflag:s22] =	ssyncset.done $0x0  }
0xa0: {  	[sflag:s22] =	ssyncadd.s32 s3;
	_ =	sdelay $0x1  }
0xa1: {  	s23 =	simm.s32 $0x1B8B  }
0xa2: {  	_ =	swait.ge [sflag:s23], $0x1  }
0xa3: {  	[sflag:s23] =	ssyncset.done $0x0  }
0xa4: {  	s25 =	simm.s32 $0x1B8E;
	s24 =	sld [smem:$0x3FFE];
	[sflag:s23] =	ssyncadd.s32 $0xFFFFFFFF  }
0xa5: {  	s26 =	simm.s32 $execute0_lowered;
	[smem:$0x3FD2] =	sst s25  }
0xa6: {  	s4 =	sshll.u32 s26, $0x1;
	_ =	strace $0x8000004C;
	[dreg:$0x1] =	wrdreg $0xFFFFFFFF  }
0xa7: {  	s28 =	simm.s32 $_size_execute0_lowered;
	s2 =	sadd.s32 s2, s4;
	[dreg:$0x0] =	wrdreg $0x0  }
0xa8: {  	s4 =	sshll.u32 s28, $0x1;
	[dreg:$0x2] =	wrdreg s2  }
0xa9: {  	[dreg:$0x3] =	wrdreg s4  }
0xaa: {  	[dreg:$0x4] =	wrdreg $0xC0  }
0xab: {  	_ =	task [dreg:s6], $0x5FFFF  }
0xac: {  	[dreg:$0x1] =	wrdreg $0xFFFFFFFF  }
0xad: {  	[dreg:$0x0] =	wrdreg $0x60  }
0xae: {  	[dreg:$0x2] =	wrdreg s24  }
0xaf: {  	[dreg:$0x3] =	wrdreg $0x9  }
0xb0: {  	_ =	task.clear_ibuf [dreg:s6], $0x4FFFF;
	_ =	strace $0x9000004C  }
0xb1: {  	s29 =	simm.s32 $0x9;
	_ =	strace $0x8000004E  }
0xb2: {  	_ =	swait.ge [sflag:s29], $0x1  }
0xb3: {  	[sflag:s29] =	ssyncadd.s32 $0xFFFFFFFF  }
0xb4: {  	_ =	strace $0x9000004E  }
0xb5: {  	_ =	sfence  }
0xb6: {  	s30 =	sld [smem:$0x0];
	_ =	sdelay $0x2  }
0xb7: {  	s31 =	sshll.u32 s1, $0xD;
	s1 =	sshrl.u32 s1, $0x2  }
0xb8: {  	s3 =	sand.u32 $0x4000, s31;
	s1 =	sadd.s32 s1, s30  }
0xb9: {  	s0 =	sor.u32 s3, s0;
	s1 =	sshll.u32 s1, $0x11  }
0xba: {  	s0 =	sor.u32 s1, s0  }
0xbb: {  	s0 =	sadd.s32 $0x8F2B, s0  }
0xbc: {  	[sflag:s0] =	ssyncadd.remote.s32 $0x1  }
0xbd: {  	_ =	sfence.sel $0xFFFF  }
0xbe: {  	[dreg:$0x0] =	wrdreg $0xFFFFFFFF;
	(pc) =	sbr.abs _section_cstart, $3  }
0xbf: {  	[dreg:$0x1] =	wrdreg $0xFFFFFFFF  }
0xc0: {  	_ =	task.clear_ibuf [dreg:s6], $0x2FFFF;
	_ =	strace $0x9FFFFFFF  }
0xc1: {  	(tm) =	ssettm $0x7FFFFFFF  }
tec
execute0_lowered:
.L_overlay_start_1:
0x0: {  	(tag) =	ssettag $0x1  }
0x1: {  	s0 =	srdreg.scid;
	s5 =	rddreg [dreg:$0x0]  }
0x2: {  	s1 =	stileid.u32;
	s6 =	simm.s32 $0x1;
	s9 =	simm.s32 $0x1  }
0x3: {  	s10 =	simm.s32 $0x3;
	s13 =	simm.s32 $0x0;
	s2 =	sshll.u32 s0, $0x6  }
0x4: {  	s12 =	simm.s32 $0x0;
	s3 =	sshll.u32 s1, $0x7;
	s2 =	sand.u32 $0x40, s2  }
0x5: {  	s0 =	rddreg [dreg:$0x1];
	_ =	strace $0x8000004D;
	s2 =	sor.u32 s3, s2  }
0x6: {  	s4 =	sadd.s32 $0x9000, s5;
	[sflag:s6] =	ssyncpa.u1 $0x0;
	s8 =	ssub.s32 $0x1000, s2  }
.Ltmp0:
0x7: {  	s3 =	sadd.s32 $0x8800, s5;
	s7 =	sand.u32 $0x7C0, s8;
	(pc) =	sbr.rel .LBB2_1-.Ltmp0, $4  }
0x8: {  	s5 =	sadd.s32 $0x8A00, s5;
	s11 =	smov.u32 s2;
	p0 =	sne.s32 s7, $0x0  }
0x9: {  	s8 =	sshrl.u32 s8, $0xB;
	s7 =	simm.s32 $0x2;
	s9 =	simm.s32 @!p0 $0x0  }
0xa: {  	[sflag:s7] =	ssyncpa.u1 $0x0;
	p0 =	por $0x0, $0x0;
	s8 =	sadd.s32 s9, s8  }
0xb: {  	vm0 =	vmmov $0xffff;
	[sflag:s10] =	ssyncpa.u1 $0x0;
	s10 =	simm.s32 $0x0;
	s9 =	sadd.s32 $0x1, s8  }
.LBB2_4:
0xc: {  	v2 =	vnsel vm1, $0x0, v2  }
0xd: {  	vm1 =	vgt.s32 v0, $0x0;
	v2 =	vmin.u32 v2, $0xFFF  }
0xe: {  	v0 =	vnsel vm1, $0x0, v0  }
0xf: {  	v0 =	vmin.u32 v0, $0xFFF  }
0x10: {  	[tilespmem:s15], [sflag:$0x1] =	stream.indirect_vreg.gather [hbm4b:s3+s10], $0x1, v1, vm0, $0x4038;
	[tilespmem:$0x100] =	vst v63  }
0x11: {  	(ifvalue) =	ssetifvalue $0x7FFFFFFF  }
0x12: {  	[tilespmem:s16], [sflag:$0x1] =	stream.indirect_vreg.gather [hbm4b:s3+s10], $0x1, v2, vm0, $0x4038;
	[tilespmem:$0x100] =	vst v63  }
0x13: {  	s29 =	sadd.s32 $0x10, s16;
	(ifvalue) =	ssetifvalue $0x7FFFFFFF  }
0x14: {  	[tilespmem:s29], [sflag:$0x1] =	stream.indirect_vreg.gather [hbm4b:s3+s10], $0x1, v0, vm0, $0x4038;
	[tilespmem:$0x100] =	vst v63  }
0x15: {  	_ =	swait.ge [sflag:s6], $0x40  }
0x16: {  	s30 =	sshrl.u32 s13, $0x3;
	[sflag:s6] =	ssyncset.done $0x0  }
0x17: {  	s31 =	sand.u32 $0x7, s13;
	s15 =	sadd.s32 s5, s30;
	[sflag:s6] =	ssyncadd.s32 $0xFFFFFFC0  }
0x18: {  	[hbm4b:s15+s31] =	stream.linear.scatter [tilespmem:s14], [sflag:$0x3], $0x40, $0x38;
	[tilespmem:$0x100] =	vst v63  }
.LBB2_5:
0x19: {  	s15 =	sadd.s32 $0x800, s11  }
0x1a: {  	p2 =	sgt.s32 s15, $0xFFF  }
0x1b: {  	s15 =	smov.u32 @p2 s2;
	p2 =	sne.s32 s12, s9  }
.Ltmp1:
0x1c: {  	p1 =	slt.u32 s12, $0x2;
	(pc) =	sbr.rel @!p2 .LBB2_6-.Ltmp1, $4  }
0x1d: {  	s14 =	simm.s32 @!p1 $0x3  }
0x1e: {  	s16 =	sadd.s32 $0x1, s12;
	_ =	swait.ge @!p1 [sflag:s14], $0x40  }
0x1f: {  	s13 =	smov.u32 s11;
	p0 =	por !p0, !p0;
	[sflag:s14] =	ssyncset.done @!p1 $0x0  }
0x20: {  	s12 =	smov.u32 s16;
	s11 =	smov.u32 s15;
	[sflag:s14] =	ssyncadd.s32 @!p1 $0xFFFFFFC0  }
.LBB2_1:
0x21: {  	p1 =	sge.u32 s12, s8  }
0x22: {  	s14 =	sxor.u32 @!p1 $0xFFFFFFFF, s12  }
0x23: {  	s31 =	sadd.s32 $0xFFFFFFFF, s12;
	s15 =	sshrl.u32 @!p1 s11, $0x3;
	s14 =	sshll.u32 @!p1 s14, $0x6  }
0x24: {  	s16 =	sand.u32 @!p1 $0x7, s11;
	s15 =	sadd.s32 @!p1 s4, s15;
	s14 =	sand.u32 @!p1 $0x40, s14  }
0x25: {  	[tilespmem:s14], [sflag:$0x2] =	stream.linear.gather @!p1 [hbm4b:s15+s16], $0x40, $0x38;
	[tilespmem:$0x100] =	vst v63  }
0x26: {  	p1 =	sge.u32 s31, s8  }
.Ltmp2:
0x27: {  	_ = 	snop;
	(pc) =	sbr.rel @p1 .LBB2_5-.Ltmp2, $1  }
0x28: {  	_ =	sdelay $0x3  }
0x29: {  	s14 =	simm.s32 $0x1  }
0x2a: {  	_ =	swait.ge [sflag:s7], $0x40;
	s14 =	simm.s32 @!p0 $0x0  }
0x2b: {  	[sflag:s7] =	ssyncset.done $0x0;
	s14 =	sshll.u32 s14, $0x6  }
0x2c: {  	[sflag:s7] =	ssyncadd.s32 $0xFFFFFFC0;
	(ifvalue) =	ssetifvalue $0x7FFFFFFF;
	v0 =	vld.msk [tilespmem:s14+$0x0 ss:$0x1], $0xffff;
	_ =	sdelay $0x4  }
0x2d: {  	s15 =	sadd.s32 $0x10, s14;
	vm1 =	vgt.s32 v0, $0x0  }
0x2e: {  	v2 =	vld.msk [tilespmem:s15+$0x0 ss:$0x1], $0xffff;
	v1 =	vnsel vm1, $0x0, v0  }
0x2f: {  	v1 =	vmin.u32 v1, $0xFFF;
	_ =	sdelay $0x1  }
0x30: {  	s16 =	sshll.u32 s12, $0x6;
	s18 =	simm.s32 $0x20  }
0x31: {  	s16 =	sand.u32 $0x40, s16;
	s17 =	sadd.s32 $0x10, s15;
	s15 =	sor.u32 $0x80, s14  }
0x32: {  	s14 =	sor.u32 $0x80, s16;
	s16 =	sadd.s32 $0x10, s15;
	v0 =	vld.msk [tilespmem:s17+$0x0 ss:$0x1], $0xffff;
	vm1 =	vgt.s32 v2, $0x0;
	(ifvalue) =	ssetifvalue $0x7FFFFFFF  }
.LBB2_3:
0x33: {  	[tilespmem:s15], [sflag:$0x1] =	stream.indirect_vreg.gather [hbm4b:s3+s10], $0x1, v1, vm0, $0x4038;
	[tilespmem:$0x100] =	vst v63  }
0x34: {  	s18 =	sadd.s32 $0x10, s18  }
0x35: {  	v2 =	vnsel vm1, $0x0, v2;
	p1 =	slt.u32 s18, $0x30  }
.Ltmp3:
0x36: {  	s15 =	smov.u32 s16;
	v1 =	vmin.u32 v2, $0xFFF;
	(pc) =	sbr.rel @p1 .LBB2_3-.Ltmp3, $3  }
0x37: {  	_ =	sdelay $0x1  }
0x38: {  	s17 =	sadd.s32 $0x10, s17  }
0x39: {  	vm1 =	vgt.s32 v0, $0x0;
	s16 =	sadd.s32 $0x10, s16;
	v2 =	vmov v0;
	(ifvalue) =	ssetifvalue $0x7FFFFFFF;
	v0 =	vld.msk [tilespmem:s17+$0x0 ss:$0x1], $0xffff  }
.Ltmp4:
0x3a: {  	_ = 	snop;
	(pc) =	sbr.rel .LBB2_4-.Ltmp4, $1  }
0x3b: {  	_ =	sdelay $0x3  }
.LBB2_6:
0x3c: {  	_ =	sfence.sel $0x180000  }
0x3d: {  	s2 =	simm.s32 $0x2;
	[bflag:$0x0] =	sbarrier.arrive $0xFFFF  }
0x3e: {  	s30 =	simm.s32 $0x3;
	[sflag:s2] =	ssyncpa.u1 $0x1  }
0x3f: {  	s31 =	simm.s32 $0x1;
	[sflag:s30] =	ssyncpa.u1 $0x1  }
0x40: {  	[sflag:s31] =	ssyncpa.u1 $0x1  }
0x41: {  	p0 =	sne.s32 s1, $0x0;
	_ =	strace $0x9000004D  }
0x42: {  	s0 =	sadd.s32 @!p0 $0x100000, s0;
	[bflag:$0x2] =	sbarrier.arrive $0xFFFF  }
0x43: {  	[sflag:s0] =	ssyncadd.tile.s32 @!p0 $0x1;
	_ =	shalt  }
.Lfunc_end2:
_tile_overlayer_lowered:
.L_overlay_start_2:
0x44: {  	(tag) =	ssettag $0x2  }
0x45: {  	s0 =	rddreg [dreg:$0x0];
	s2 =	stileid.u32  }
0x46: {  	s1 =	rddreg [dreg:$0x1];
	p0 =	sne.s32 s2, $0x0  }
0x47: {  	s3 =	rddreg [dreg:$0x2];
	[bflag:$0x3] =	sbarrier.arrive $0xFFFF;
	s2 =	simm.s32 @!p0 $0x1C01  }
0x48: {  	[timem:s3], [sflag:s2] =	dma.local @!p0 [hbm:s0], s1  }
0x49: {  	s0 =	simm.s32 @!p0 $0x1  }
0x4a: {  	_ =	swait.ge @!p0 [sflag:s0], s1  }
0x4b: {  	s1 =	ssub.s32 @!p0 $0x0, s1;
	[sflag:s0] =	ssyncset.done @!p0 $0x0  }
0x4c: {  	[sflag:s0] =	ssyncadd.s32 @!p0 s1  }
0x4d: {  	[bflag:$0x3] =	sbarrier.arrive $0xFFFF  }
0x4e: {  	_ =	shalt  }

// kernel: gather_offload_async_start
scs
__scs_entry_jumppad:
0x0: {  	(pc) =	sbr.rel $0x88, $3  }
0x1: {  	(tag) =	ssettag $0x0;
	lr =	simm.s32 $0x1  }
0x2: {  	[smem:$0x3F98] =	sst lr;
	_ =	strace $0xD0000000  }
0x3: {  	_ = 	snop  }
0x4: {  	_ = 	snop  }
0x5: {  	_ = 	snop  }
0x6: {  	_ = 	snop  }
0x7: {  	_ = 	snop  }
__scs_overlays_trampoline_lowered:
0x8: {  	[smem:$0x3FA7] =	sst s0  }
0x9: {  	[smem:$0x3FA8] =	sst s1  }
0xa: {  	[smem:$0x3FA9] =	sst s2  }
0xb: {  	[smem:$0x3FAA] =	sst s3  }
0xc: {  	[smem:$0x3FAB] =	sst s4  }
0xd: {  	[smem:$0x3FAC] =	sst s5  }
0xe: {  	[smem:$0x3FAD] =	sst s6  }
0xf: {  	[smem:$0x3FAE] =	sst s7  }
0x10: {  	[smem:$0x3FAF] =	sst s8  }
0x11: {  	[smem:$0x3FB0] =	sst s9;
	s0 =	simm.s32 @!p0 $0x0  }
0x12: {  	s1 =	sld [smem:$0x3F96];
	s0 =	simm.s32 @p0 $0x1  }
0x13: {  	[smem:$0x3FB1] =	sst s0;
	s0 =	simm.s32 @!p1 $0x0  }
0x14: {  	s2 =	sld [smem:$0x3F95];
	s0 =	simm.s32 @p1 $0x1  }
0x15: {  	[smem:$0x3FB2] =	sst s0;
	s0 =	simm.s32 @!p2 $0x0  }
0x16: {  	s3 =	sld [smem:$0x3FDB];
	s0 =	simm.s32 @p2 $0x1  }
0x17: {  	s4 =	simm.s32 $0x1BF5;
	[smem:$0x3FB4] =	sst s0  }
0x18: {  	s0 =	sld [smem:$0x3F97];
	_ =	swait.ge [sflag:s4], $0x0  }
0x19: {  	s7 =	sld [smem:$0x3F98]  }
0x1a: {  	s8 =	sadd.s32 $0xFFFFE003, lr  }
0x1b: {  	s9 =	sadd.s32 $0xFFFFFEF7, lr;
	s5 =	simm.s32 $0xFFFFFFFF;
	p2 =	slt.u32 s8, $0xFFFFF086  }
0x1c: {  	p1 =	slt.u32 s9, $0xF7A;
	s5 =	simm.s32 @!p2 $0x0  }
0x1d: {  	s5 =	simm.s32 @p1 $0x1;
	p0 =	seq.s32 s7, s2  }
0x1e: {  	s7 =	smul.u32 @!p0 $0xF7A, s2;
	p2 =	seq.s32 @!p0 s5, $0x0  }
0x1f: {  	s9 =	smul.u32 $0xF7A, s1;
	s8 =	simm.s32 @!p0 $0x1BF5;
	p2 =	por !p2, p0  }
0x20: {  	[sflag:s8] =	ssyncset.s32 @!p0 $0xFFFFF086;
	s6 =	sadd.s32 @!p0 s3, s7;
	s7 =	simm.s32 @!p0 $0x108  }
0x21: {  	s3 =	sadd.s32 s3, s9;
	s6 =	sadd.s32 @!p0 $0x88, s6;
	s7 =	simm.s32 @p2 $0x1082  }
0x22: {  	[simem:s7], [sflag:s8] =	dma.local @!p0 [hbm:s6], $0xF7A  }
0x23: {  	s9 =	sor.u32 $0xD0000000, s2;
	s6 =	simm.s32 $0x108;
	_ =	swait.ge @!p0 [sflag:s8], $0x0  }
0x24: {  	s3 =	sadd.s32 $0x88, s3;
	s6 =	simm.s32 @!p1 $0x1082;
	[sflag:s4] =	ssyncset.s32 $0xFFFFF086  }
0x25: {  	[simem:s6], [sflag:s4] =	dma.local [hbm:s3], $0xF7A  }
0x26: {  	[smem:$0x3F98] =	sst s1;
	(tag) =	ssettag s2;
	_ =	strace s9  }
0x27: {  	s1 =	sld [smem:$0x3FA8]  }
0x28: {  	s2 =	sld [smem:$0x3FA9]  }
0x29: {  	s4 =	sld [smem:$0x3FAB]  }
0x2a: {  	p0 =	seq.s32 s5, $0x0;
	s5 =	sld [smem:$0x3FAC]  }
0x2b: {  	s6 =	sld [smem:$0x3FAD]  }
0x2c: {  	s7 =	sld [smem:$0x3FAE]  }
0x2d: {  	s3 =	simm.s32 $0x108;
	s8 =	sld [smem:$0x3FAF]  }
0x2e: {  	s3 =	simm.s32 @!p0 $0x1082;
	s9 =	sld [smem:$0x3FB0]  }
0x2f: {  	lr =	sadd.s32 s0, s3;
	s0 =	sld [smem:$0x3FA7]  }
0x30: {  	s3 =	sld [smem:$0x3FAA]  }
0x31: {  	[smem:$0x3FB3] =	sst s10  }
0x32: {  	s10 =	sld [smem:$0x3FB1];
	_ =	sdelay $0x3  }
0x33: {  	p0 =	seq.s32 s10, $0x1;
	s10 =	sld [smem:$0x3FB3];
	_ =	sdelay $0x3  }
0x34: {  	[smem:$0x3FB3] =	sst s10  }
0x35: {  	s10 =	sld [smem:$0x3FB2];
	_ =	sdelay $0x3  }
0x36: {  	p1 =	seq.s32 s10, $0x1;
	s10 =	sld [smem:$0x3FB3];
	_ =	sdelay $0x3  }
0x37: {  	[smem:$0x3FB3] =	sst s10  }
0x38: {  	s10 =	sld [smem:$0x3FB4]  }
0x39: {  	_ = 	snop;
	(pc) =	sbr.ind lr, $3  }
0x3a: {  	_ = 	snop  }
0x3b: {  	_ = 	snop  }
0x3c: {  	p2 =	seq.s32 s10, $0x1;
	s10 =	sld [smem:$0x3FB3]  }
0x3d: {  	_ =	shalt  }
0x3e: {  	_ =	shalt  }
0x3f: {  	_ =	shalt  }
0x40: {  	_ =	shalt  }
0x41: {  	_ =	shalt  }
0x42: {  	_ =	shalt  }
0x43: {  	_ =	shalt  }
0x44: {  	_ =	shalt  }
0x45: {  	_ =	shalt  }
0x46: {  	_ =	shalt  }
0x47: {  	_ =	shalt  }
0x48: {  	_ =	shalt  }
0x49: {  	_ =	shalt  }
0x4a: {  	_ =	shalt  }
0x4b: {  	_ =	shalt  }
0x4c: {  	_ =	shalt  }
0x4d: {  	_ =	shalt  }
0x4e: {  	_ =	shalt  }
0x4f: {  	_ =	shalt  }
0x50: {  	_ =	shalt  }
0x51: {  	_ =	shalt  }
0x52: {  	_ =	shalt  }
0x53: {  	_ =	shalt  }
0x54: {  	_ =	shalt  }
0x55: {  	_ =	shalt  }
0x56: {  	_ =	shalt  }
0x57: {  	_ =	shalt  }
0x58: {  	_ =	shalt  }
0x59: {  	_ =	shalt  }
0x5a: {  	_ =	shalt  }
0x5b: {  	_ =	shalt  }
0x5c: {  	_ =	shalt  }
0x5d: {  	_ =	shalt  }
0x5e: {  	_ =	shalt  }
0x5f: {  	_ =	shalt  }
0x60: {  	_ =	shalt  }
0x61: {  	_ =	shalt  }
0x62: {  	_ =	shalt  }
0x63: {  	_ =	shalt  }
0x64: {  	_ =	shalt  }
0x65: {  	_ =	shalt  }
0x66: {  	_ =	shalt  }
0x67: {  	_ =	shalt  }
0x68: {  	_ =	shalt  }
0x69: {  	_ =	shalt  }
0x6a: {  	_ =	shalt  }
0x6b: {  	_ =	shalt  }
0x6c: {  	_ =	shalt  }
0x6d: {  	_ =	shalt  }
0x6e: {  	_ =	shalt  }
0x6f: {  	_ =	shalt  }
0x70: {  	_ =	shalt  }
0x71: {  	_ =	shalt  }
0x72: {  	_ =	shalt  }
0x73: {  	_ =	shalt  }
0x74: {  	_ =	shalt  }
0x75: {  	_ =	shalt  }
0x76: {  	_ =	shalt  }
0x77: {  	_ =	shalt  }
0x78: {  	_ =	shalt  }
0x79: {  	_ =	shalt  }
0x7a: {  	_ =	shalt  }
0x7b: {  	_ =	shalt  }
0x7c: {  	_ =	shalt  }
0x7d: {  	_ =	shalt  }
0x7e: {  	_ =	shalt  }
0x7f: {  	_ =	shalt  }
0x80: {  	_ =	shalt  }
0x81: {  	_ =	shalt  }
0x82: {  	_ =	shalt  }
0x83: {  	_ =	shalt  }
0x84: {  	_ =	shalt  }
0x85: {  	_ =	shalt  }
0x86: {  	_ =	shalt  }
0x87: {  	_ =	shalt  }
.Lfunc_end0:
.L_simem_size_0:
called_computation.1_lowered:
.L_overlay_start_0:
0x88: {  	s2 =	sld [smem:$0x3FD9]  }
0x89: {  	s3 =	sld [smem:$0x3FFE];
	_ =	sdelay $0x1  }
0x8a: {  	s1 =	srdreg.scid  }
0x8b: {  	s0 =	sand.u32 $0x1, s1  }
0x8c: {  	s14 =	sshll.u32 s0, $0xA;
	s2 =	sadd.s32 s3, s2  }
0x8d: {  	s2 =	sadd.s32 s2, s14  }
0x8e: {  	[smem:$0x3FBF] =	sst s2  }
0x8f: {  	_ = 	snop  }
0x90: {  	s2 =	sld [smem:$0x3FD0];
	_ =	sdelay $0x2  }
0x91: {  	s15 =	simm.s32 $0xB;
	s4 =	simm.s32 $0x10  }
0x92: {  	[smem:s4], [sflag:s15] =	dma.local [hbm:s2], $0x1  }
0x93: {  	_ =	swait.eq [sflag:s15], $0x1  }
0x94: {  	[sflag:s15] =	ssyncset.done $0x0  }
0x95: {  	[sflag:s15] =	ssyncadd.s32 $0xFFFFFFFF  }
0x96: {  	s16 =	sld [smem:$0x11];
	(tm) =	ssettm $0x1  }
0x97: {  	s17 =	sld [smem:$0x3FFB];
	_ =	sdelay $0x3  }
0x98: {  	_ =	strace s17  }
0x99: {  	s3 =	sld [smem:$0x3FFC];
	_ =	sdelay $0x3  }
0x9a: {  	_ =	strace s3  }
0x9b: {  	s3 =	sld [smem:$0x3FFD];
	_ =	sdelay $0x3  }
0x9c: {  	_ =	strace s3  }
0x9d: {  	_ =	strace $0x8FFFFFFF  }
0x9e: {  	s18 =	sld [smem:$0x3FDB];
	_ =	sdelay $0x1  }
0x9f: {  	s19 =	simm.s32 $_scs_section_size  }
0xa0: {  	s5 =	simm.s32 $_size__tile_overlayer_lowered;
	s6 =	simm.s32 $_tile_overlayer_lowered  }
0xa1: {  	s22 =	simm.s32 $0x1BFF;
	s21 =	sshll.u32 s6, $0x1;
	s3 =	sadd.s32 s19, s18  }
0xa2: {  	s7 =	simm.s32 $0x0;
	s20 =	sshll.u32 s5, $0x1;
	s5 =	sadd.s32 s21, s3  }
0xa3: {  	[timem:s7], [sflag:s22] =	dma.local [hbm:s5], s20  }
0xa4: {  	_ =	swait.ge [sflag:s22], s20  }
0xa5: {  	s4 =	ssub.s32 $0x0, s20;
	[sflag:s22] =	ssyncset.done $0x0  }
0xa6: {  	[sflag:s22] =	ssyncadd.s32 s4;
	_ =	sdelay $0x1  }
0xa7: {  	s23 =	simm.s32 $0x1B8B  }
0xa8: {  	_ =	swait.ge [sflag:s23], $0x1  }
0xa9: {  	[sflag:s23] =	ssyncset.done $0x0  }
0xaa: {  	s25 =	simm.s32 $0x1B8E;
	s24 =	sld [smem:$0x3FFE];
	[sflag:s23] =	ssyncadd.s32 $0xFFFFFFFF  }
0xab: {  	s26 =	simm.s32 $execute0_lowered;
	[smem:$0x3FD2] =	sst s25  }
0xac: {  	s5 =	sshll.u32 s26, $0x1;
	_ =	strace $0x80000049;
	[dreg:$0x1] =	wrdreg $0xFFFFFFFF  }
0xad: {  	s28 =	simm.s32 $_size_execute0_lowered;
	s3 =	sadd.s32 s3, s5;
	[dreg:$0x0] =	wrdreg $0x0  }
0xae: {  	s5 =	sshll.u32 s28, $0x1;
	[dreg:$0x2] =	wrdreg s3  }
0xaf: {  	[dreg:$0x3] =	wrdreg s5  }
0xb0: {  	[dreg:$0x4] =	wrdreg $0xC0  }
0xb1: {  	_ =	task [dreg:s7], $0x5FFFF  }
0xb2: {  	[dreg:$0x1] =	wrdreg $0xFFFFFFFF  }
0xb3: {  	[dreg:$0x0] =	wrdreg $0x60  }
0xb4: {  	[dreg:$0x2] =	wrdreg s24  }
0xb5: {  	[dreg:$0x3] =	wrdreg s16  }
0xb6: {  	[dreg:$0x4] =	wrdreg $0x9  }
0xb7: {  	_ =	task.clear_ibuf [dreg:s7], $0x5FFFF;
	_ =	strace $0x90000049  }
0xb8: {  	s29 =	simm.s32 $0x9;
	_ =	strace $0x8000004B  }
0xb9: {  	_ =	swait.ge [sflag:s29], $0x1  }
0xba: {  	[sflag:s29] =	ssyncadd.s32 $0xFFFFFFFF  }
0xbb: {  	_ =	strace $0x9000004B  }
0xbc: {  	_ =	sfence  }
0xbd: {  	s30 =	sld [smem:$0x0];
	_ =	sdelay $0x2  }
0xbe: {  	s31 =	sshll.u32 s1, $0xD;
	s1 =	sshrl.u32 s1, $0x2  }
0xbf: {  	s3 =	sand.u32 $0x4000, s31;
	s1 =	sadd.s32 s1, s30  }
0xc0: {  	s0 =	sor.u32 s3, s0;
	s1 =	sshll.u32 s1, $0x11  }
0xc1: {  	s0 =	sor.u32 s1, s0  }
0xc2: {  	s0 =	sadd.s32 $0x8F2B, s0  }
0xc3: {  	[sflag:s0] =	ssyncadd.remote.s32 $0x1  }
0xc4: {  	_ =	sfence.sel $0xFFFF  }
0xc5: {  	[dreg:$0x0] =	wrdreg $0xFFFFFFFF;
	(pc) =	sbr.abs _section_cstart, $3  }
0xc6: {  	[dreg:$0x1] =	wrdreg $0xFFFFFFFF  }
0xc7: {  	_ =	task.clear_ibuf [dreg:s7], $0x2FFFF;
	_ =	strace $0x9FFFFFFF  }
0xc8: {  	(tm) =	ssettm $0x7FFFFFFF  }
0xc9: {  	_ =	shalt  }
tec
execute0_lowered:
.L_overlay_start_1:
0x0: {  	(tag) =	ssettag $0x1  }
0x1: {  	s1 =	srdreg.scid;
	s5 =	rddreg [dreg:$0x0]  }
0x2: {  	s0 =	stileid.u32;
	s2 =	rddreg [dreg:$0x1];
	s6 =	simm.s32 $0x1  }
0x3: {  	s9 =	simm.s32 $0x1;
	s10 =	simm.s32 $0x3;
	s1 =	sshll.u32 s1, $0x6  }
0x4: {  	s13 =	simm.s32 $0x0;
	s3 =	sshll.u32 s0, $0x7;
	s4 =	sand.u32 $0x40, s1  }
0x5: {  	s12 =	simm.s32 $0x0;
	s1 =	rddreg [dreg:$0x2];
	s3 =	sor.u32 s3, s4  }
0x6: {  	_ =	strace $0x8000004A;
	s4 =	sadd.s32 $0x8A00, s5;
	s8 =	ssub.s32 $0x1000, s3  }
.Ltmp0:
0x7: {  	s5 =	sadd.s32 $0x9000, s5;
	s7 =	sand.u32 $0x7C0, s8;
	(pc) =	sbr.rel .LBB2_1-.Ltmp0, $4  }
0x8: {  	[sflag:s6] =	ssyncpa.u1 $0x0;
	s11 =	smov.u32 s3;
	p0 =	sne.s32 s7, $0x0  }
0x9: {  	s8 =	sshrl.u32 s8, $0xB;
	s7 =	simm.s32 $0x2;
	s9 =	simm.s32 @!p0 $0x0  }
0xa: {  	[sflag:s7] =	ssyncpa.u1 $0x0;
	p0 =	por $0x0, $0x0;
	s8 =	sadd.s32 s9, s8  }
0xb: {  	vm0 =	vmmov $0xffff;
	[sflag:s10] =	ssyncpa.u1 $0x0;
	s10 =	simm.s32 $0x0;
	s9 =	sadd.s32 $0x1, s8  }
.LBB2_4:
0xc: {  	v2 =	vnsel vm1, $0x0, v2  }
0xd: {  	vm1 =	vgt.s32 v0, $0x0;
	v2 =	vmin.u32 v2, $0xFFF  }
0xe: {  	v0 =	vnsel vm1, $0x0, v0  }
0xf: {  	v0 =	vmin.u32 v0, $0xFFF  }
0x10: {  	[tilespmem:s15], [sflag:$0x1] =	stream.indirect_vreg.gather [hbm4b:s4+s10], $0x1, v1, vm0, $0x4038;
	[tilespmem:$0x100] =	vst v63  }
0x11: {  	(ifvalue) =	ssetifvalue $0x7FFFFFFF  }
0x12: {  	[tilespmem:s16], [sflag:$0x1] =	stream.indirect_vreg.gather [hbm4b:s4+s10], $0x1, v2, vm0, $0x4038;
	[tilespmem:$0x100] =	vst v63  }
0x13: {  	s29 =	sadd.s32 $0x10, s16;
	(ifvalue) =	ssetifvalue $0x7FFFFFFF  }
0x14: {  	[tilespmem:s29], [sflag:$0x1] =	stream.indirect_vreg.gather [hbm4b:s4+s10], $0x1, v0, vm0, $0x4038;
	[tilespmem:$0x100] =	vst v63  }
0x15: {  	_ =	swait.ge [sflag:s6], $0x40  }
0x16: {  	s30 =	sshrl.u32 s13, $0x3;
	[sflag:s6] =	ssyncset.done $0x0  }
0x17: {  	s31 =	sand.u32 $0x7, s13;
	s15 =	sadd.s32 s2, s30;
	[sflag:s6] =	ssyncadd.s32 $0xFFFFFFC0  }
0x18: {  	[hbm4b:s15+s31] =	stream.linear.scatter [tilespmem:s14], [sflag:$0x3], $0x40, $0x38;
	[tilespmem:$0x100] =	vst v63  }
.LBB2_5:
0x19: {  	s15 =	sadd.s32 $0x800, s11  }
0x1a: {  	p2 =	sgt.s32 s15, $0xFFF  }
0x1b: {  	s15 =	smov.u32 @p2 s3;
	p2 =	sne.s32 s12, s9  }
.Ltmp1:
0x1c: {  	p1 =	slt.u32 s12, $0x2;
	(pc) =	sbr.rel @!p2 .LBB2_6-.Ltmp1, $4  }
0x1d: {  	s14 =	simm.s32 @!p1 $0x3  }
0x1e: {  	s16 =	sadd.s32 $0x1, s12;
	_ =	swait.ge @!p1 [sflag:s14], $0x40  }
0x1f: {  	s13 =	smov.u32 s11;
	p0 =	por !p0, !p0;
	[sflag:s14] =	ssyncset.done @!p1 $0x0  }
0x20: {  	s12 =	smov.u32 s16;
	s11 =	smov.u32 s15;
	[sflag:s14] =	ssyncadd.s32 @!p1 $0xFFFFFFC0  }
.LBB2_1:
0x21: {  	p1 =	sge.u32 s12, s8  }
0x22: {  	s14 =	sxor.u32 @!p1 $0xFFFFFFFF, s12  }
0x23: {  	s31 =	sadd.s32 $0xFFFFFFFF, s12;
	s15 =	sshrl.u32 @!p1 s11, $0x3;
	s14 =	sshll.u32 @!p1 s14, $0x6  }
0x24: {  	s16 =	sand.u32 @!p1 $0x7, s11;
	s15 =	sadd.s32 @!p1 s5, s15;
	s14 =	sand.u32 @!p1 $0x40, s14  }
0x25: {  	[tilespmem:s14], [sflag:$0x2] =	stream.linear.gather @!p1 [hbm4b:s15+s16], $0x40, $0x38;
	[tilespmem:$0x100] =	vst v63  }
0x26: {  	p1 =	sge.u32 s31, s8  }
.Ltmp2:
0x27: {  	_ = 	snop;
	(pc) =	sbr.rel @p1 .LBB2_5-.Ltmp2, $1  }
0x28: {  	_ =	sdelay $0x3  }
0x29: {  	s14 =	simm.s32 $0x1  }
0x2a: {  	_ =	swait.ge [sflag:s7], $0x40;
	s14 =	simm.s32 @!p0 $0x0  }
0x2b: {  	[sflag:s7] =	ssyncset.done $0x0;
	s14 =	sshll.u32 s14, $0x6  }
0x2c: {  	[sflag:s7] =	ssyncadd.s32 $0xFFFFFFC0;
	(ifvalue) =	ssetifvalue $0x7FFFFFFF;
	v0 =	vld.msk [tilespmem:s14+$0x0 ss:$0x1], $0xffff;
	_ =	sdelay $0x4  }
0x2d: {  	s15 =	sadd.s32 $0x10, s14;
	vm1 =	vgt.s32 v0, $0x0  }
0x2e: {  	v2 =	vld.msk [tilespmem:s15+$0x0 ss:$0x1], $0xffff;
	v1 =	vnsel vm1, $0x0, v0  }
0x2f: {  	v1 =	vmin.u32 v1, $0xFFF;
	_ =	sdelay $0x1  }
0x30: {  	s16 =	sshll.u32 s12, $0x6;
	s18 =	simm.s32 $0x20  }
0x31: {  	s16 =	sand.u32 $0x40, s16;
	s17 =	sadd.s32 $0x10, s15;
	s15 =	sor.u32 $0x80, s14  }
0x32: {  	s14 =	sor.u32 $0x80, s16;
	s16 =	sadd.s32 $0x10, s15;
	v0 =	vld.msk [tilespmem:s17+$0x0 ss:$0x1], $0xffff;
	vm1 =	vgt.s32 v2, $0x0;
	(ifvalue) =	ssetifvalue $0x7FFFFFFF  }
.LBB2_3:
0x33: {  	[tilespmem:s15], [sflag:$0x1] =	stream.indirect_vreg.gather [hbm4b:s4+s10], $0x1, v1, vm0, $0x4038;
	[tilespmem:$0x100] =	vst v63  }
0x34: {  	s18 =	sadd.s32 $0x10, s18  }
0x35: {  	v2 =	vnsel vm1, $0x0, v2;
	p1 =	slt.u32 s18, $0x30  }
.Ltmp3:
0x36: {  	s15 =	smov.u32 s16;
	v1 =	vmin.u32 v2, $0xFFF;
	(pc) =	sbr.rel @p1 .LBB2_3-.Ltmp3, $3  }
0x37: {  	_ =	sdelay $0x1  }
0x38: {  	s17 =	sadd.s32 $0x10, s17  }
0x39: {  	vm1 =	vgt.s32 v0, $0x0;
	s16 =	sadd.s32 $0x10, s16;
	v2 =	vmov v0;
	(ifvalue) =	ssetifvalue $0x7FFFFFFF;
	v0 =	vld.msk [tilespmem:s17+$0x0 ss:$0x1], $0xffff  }
.Ltmp4:
0x3a: {  	_ = 	snop;
	(pc) =	sbr.rel .LBB2_4-.Ltmp4, $1  }
0x3b: {  	_ =	sdelay $0x3  }
.LBB2_6:
0x3c: {  	_ =	sfence.sel $0x180000  }
0x3d: {  	s2 =	simm.s32 $0x2;
	[bflag:$0x0] =	sbarrier.arrive $0xFFFF  }
0x3e: {  	s30 =	simm.s32 $0x3;
	[sflag:s2] =	ssyncpa.u1 $0x1  }
0x3f: {  	s31 =	simm.s32 $0x1;
	[sflag:s30] =	ssyncpa.u1 $0x1  }
0x40: {  	[sflag:s31] =	ssyncpa.u1 $0x1  }
0x41: {  	p0 =	sne.s32 s0, $0x0;
	_ =	strace $0x9000004A  }
0x42: {  	s0 =	sadd.s32 @!p0 $0x100000, s1;
	[bflag:$0x2] =	sbarrier.arrive $0xFFFF  }
0x43: {  	[sflag:s0] =	ssyncadd.tile.s32 @!p0 $0x1;
	_ =	shalt  }
.Lfunc_end2:
_tile_overlayer_lowered:
.L_overlay_start_2:
0x44: {  	(tag) =	ssettag $0x2  }
0x45: {  	s0 =	rddreg [dreg:$0x0];
	s2 =	stileid.u32  }
0x46: {  	s1 =	rddreg [dreg:$0x1];
	p0 =	sne.s32 s2, $0x0  }
0x47: {  	s3 =	rddreg [dreg:$0x2];
	[bflag:$0x3] =	sbarrier.arrive $0xFFFF;
	s2 =	simm.s32 @!p0 $0x1C01  }
0x48: {  	[timem:s3], [sflag:s2] =	dma.local @!p0 [hbm:s0], s1  }
0x49: {  	s0 =	simm.s32 @!p0 $0x1  }
0x4a: {  	_ =	swait.ge @!p0 [sflag:s0], s1  }
0x4b: {  	s1 =	ssub.s32 @!p0 $0x0, s1;
	[sflag:s0] =	ssyncset.done @!p0 $0x0  }
0x4c: {  	[sflag:s0] =	ssyncadd.s32 @!p0 s1  }
0x4d: {  	[bflag:$0x3] =	sbarrier.arrive $0xFFFF  }
0x4e: {  	_ =	shalt  }

// kernel: kernel.11.cloned.1.call-start
scs
__scs_entry_jumppad:
0x0: {  	(pc) =	sbr.rel $0x88, $3  }
0x1: {  	(tag) =	ssettag $0x0;
	lr =	simm.s32 $0x1  }
0x2: {  	[smem:$0x3F98] =	sst lr;
	_ =	strace $0xD0000000  }
0x3: {  	_ = 	snop  }
0x4: {  	_ = 	snop  }
0x5: {  	_ = 	snop  }
0x6: {  	_ = 	snop  }
0x7: {  	_ = 	snop  }
__scs_overlays_trampoline_lowered:
0x8: {  	[smem:$0x3FA7] =	sst s0  }
0x9: {  	[smem:$0x3FA8] =	sst s1  }
0xa: {  	[smem:$0x3FA9] =	sst s2  }
0xb: {  	[smem:$0x3FAA] =	sst s3  }
0xc: {  	[smem:$0x3FAB] =	sst s4  }
0xd: {  	[smem:$0x3FAC] =	sst s5  }
0xe: {  	[smem:$0x3FAD] =	sst s6  }
0xf: {  	[smem:$0x3FAE] =	sst s7  }
0x10: {  	[smem:$0x3FAF] =	sst s8  }
0x11: {  	[smem:$0x3FB0] =	sst s9;
	s0 =	simm.s32 @!p0 $0x0  }
0x12: {  	s1 =	sld [smem:$0x3F96];
	s0 =	simm.s32 @p0 $0x1  }
0x13: {  	[smem:$0x3FB1] =	sst s0;
	s0 =	simm.s32 @!p1 $0x0  }
0x14: {  	s2 =	sld [smem:$0x3F95];
	s0 =	simm.s32 @p1 $0x1  }
0x15: {  	[smem:$0x3FB2] =	sst s0;
	s0 =	simm.s32 @!p2 $0x0  }
0x16: {  	s3 =	sld [smem:$0x3FDB];
	s0 =	simm.s32 @p2 $0x1  }
0x17: {  	s4 =	simm.s32 $0x1BF5;
	[smem:$0x3FB4] =	sst s0  }
0x18: {  	s0 =	sld [smem:$0x3F97];
	_ =	swait.ge [sflag:s4], $0x0  }
0x19: {  	s7 =	sld [smem:$0x3F98]  }
0x1a: {  	s8 =	sadd.s32 $0xFFFFE003, lr  }
0x1b: {  	s9 =	sadd.s32 $0xFFFFFEF7, lr;
	s5 =	simm.s32 $0xFFFFFFFF;
	p2 =	slt.u32 s8, $0xFFFFF086  }
0x1c: {  	p1 =	slt.u32 s9, $0xF7A;
	s5 =	simm.s32 @!p2 $0x0  }
0x1d: {  	s5 =	simm.s32 @p1 $0x1;
	p0 =	seq.s32 s7, s2  }
0x1e: {  	s7 =	smul.u32 @!p0 $0xF7A, s2;
	p2 =	seq.s32 @!p0 s5, $0x0  }
0x1f: {  	s9 =	smul.u32 $0xF7A, s1;
	s8 =	simm.s32 @!p0 $0x1BF5;
	p2 =	por !p2, p0  }
0x20: {  	[sflag:s8] =	ssyncset.s32 @!p0 $0xFFFFF086;
	s6 =	sadd.s32 @!p0 s3, s7;
	s7 =	simm.s32 @!p0 $0x108  }
0x21: {  	s3 =	sadd.s32 s3, s9;
	s6 =	sadd.s32 @!p0 $0x88, s6;
	s7 =	simm.s32 @p2 $0x1082  }
0x22: {  	[simem:s7], [sflag:s8] =	dma.local @!p0 [hbm:s6], $0xF7A  }
0x23: {  	s9 =	sor.u32 $0xD0000000, s2;
	s6 =	simm.s32 $0x108;
	_ =	swait.ge @!p0 [sflag:s8], $0x0  }
0x24: {  	s3 =	sadd.s32 $0x88, s3;
	s6 =	simm.s32 @!p1 $0x1082;
	[sflag:s4] =	ssyncset.s32 $0xFFFFF086  }
0x25: {  	[simem:s6], [sflag:s4] =	dma.local [hbm:s3], $0xF7A  }
0x26: {  	[smem:$0x3F98] =	sst s1;
	(tag) =	ssettag s2;
	_ =	strace s9  }
0x27: {  	s1 =	sld [smem:$0x3FA8]  }
0x28: {  	s2 =	sld [smem:$0x3FA9]  }
0x29: {  	s4 =	sld [smem:$0x3FAB]  }
0x2a: {  	p0 =	seq.s32 s5, $0x0;
	s5 =	sld [smem:$0x3FAC]  }
0x2b: {  	s6 =	sld [smem:$0x3FAD]  }
0x2c: {  	s7 =	sld [smem:$0x3FAE]  }
0x2d: {  	s3 =	simm.s32 $0x108;
	s8 =	sld [smem:$0x3FAF]  }
0x2e: {  	s3 =	simm.s32 @!p0 $0x1082;
	s9 =	sld [smem:$0x3FB0]  }
0x2f: {  	lr =	sadd.s32 s0, s3;
	s0 =	sld [smem:$0x3FA7]  }
0x30: {  	s3 =	sld [smem:$0x3FAA]  }
0x31: {  	[smem:$0x3FB3] =	sst s10  }
0x32: {  	s10 =	sld [smem:$0x3FB1];
	_ =	sdelay $0x3  }
0x33: {  	p0 =	seq.s32 s10, $0x1;
	s10 =	sld [smem:$0x3FB3];
	_ =	sdelay $0x3  }
0x34: {  	[smem:$0x3FB3] =	sst s10  }
0x35: {  	s10 =	sld [smem:$0x3FB2];
	_ =	sdelay $0x3  }
0x36: {  	p1 =	seq.s32 s10, $0x1;
	s10 =	sld [smem:$0x3FB3];
	_ =	sdelay $0x3  }
0x37: {  	[smem:$0x3FB3] =	sst s10  }
0x38: {  	s10 =	sld [smem:$0x3FB4]  }
0x39: {  	_ = 	snop;
	(pc) =	sbr.ind lr, $3  }
0x3a: {  	_ = 	snop  }
0x3b: {  	_ = 	snop  }
0x3c: {  	p2 =	seq.s32 s10, $0x1;
	s10 =	sld [smem:$0x3FB3]  }
0x3d: {  	_ =	shalt  }
0x3e: {  	_ =	shalt  }
0x3f: {  	_ =	shalt  }
0x40: {  	_ =	shalt  }
0x41: {  	_ =	shalt  }
0x42: {  	_ =	shalt  }
0x43: {  	_ =	shalt  }
0x44: {  	_ =	shalt  }
0x45: {  	_ =	shalt  }
0x46: {  	_ =	shalt  }
0x47: {  	_ =	shalt  }
0x48: {  	_ =	shalt  }
0x49: {  	_ =	shalt  }
0x4a: {  	_ =	shalt  }
0x4b: {  	_ =	shalt  }
0x4c: {  	_ =	shalt  }
0x4d: {  	_ =	shalt  }
0x4e: {  	_ =	shalt  }
0x4f: {  	_ =	shalt  }
0x50: {  	_ =	shalt  }
0x51: {  	_ =	shalt  }
0x52: {  	_ =	shalt  }
0x53: {  	_ =	shalt  }
0x54: {  	_ =	shalt  }
0x55: {  	_ =	shalt  }
0x56: {  	_ =	shalt  }
0x57: {  	_ =	shalt  }
0x58: {  	_ =	shalt  }
0x59: {  	_ =	shalt  }
0x5a: {  	_ =	shalt  }
0x5b: {  	_ =	shalt  }
0x5c: {  	_ =	shalt  }
0x5d: {  	_ =	shalt  }
0x5e: {  	_ =	shalt  }
0x5f: {  	_ =	shalt  }
0x60: {  	_ =	shalt  }
0x61: {  	_ =	shalt  }
0x62: {  	_ =	shalt  }
0x63: {  	_ =	shalt  }
0x64: {  	_ =	shalt  }
0x65: {  	_ =	shalt  }
0x66: {  	_ =	shalt  }
0x67: {  	_ =	shalt  }
0x68: {  	_ =	shalt  }
0x69: {  	_ =	shalt  }
0x6a: {  	_ =	shalt  }
0x6b: {  	_ =	shalt  }
0x6c: {  	_ =	shalt  }
0x6d: {  	_ =	shalt  }
0x6e: {  	_ =	shalt  }
0x6f: {  	_ =	shalt  }
0x70: {  	_ =	shalt  }
0x71: {  	_ =	shalt  }
0x72: {  	_ =	shalt  }
0x73: {  	_ =	shalt  }
0x74: {  	_ =	shalt  }
0x75: {  	_ =	shalt  }
0x76: {  	_ =	shalt  }
0x77: {  	_ =	shalt  }
0x78: {  	_ =	shalt  }
0x79: {  	_ =	shalt  }
0x7a: {  	_ =	shalt  }
0x7b: {  	_ =	shalt  }
0x7c: {  	_ =	shalt  }
0x7d: {  	_ =	shalt  }
0x7e: {  	_ =	shalt  }
0x7f: {  	_ =	shalt  }
0x80: {  	_ =	shalt  }
0x81: {  	_ =	shalt  }
0x82: {  	_ =	shalt  }
0x83: {  	_ =	shalt  }
0x84: {  	_ =	shalt  }
0x85: {  	_ =	shalt  }
0x86: {  	_ =	shalt  }
0x87: {  	_ =	shalt  }
.Lfunc_end0:
.L_simem_size_0:
called_computation.4_lowered:
.L_overlay_start_0:
0x88: {  	s2 =	sld [smem:$0x3FD9]  }
0x89: {  	s3 =	sld [smem:$0x3FFE];
	_ =	sdelay $0x1  }
0x8a: {  	s1 =	srdreg.scid  }
0x8b: {  	s0 =	sand.u32 $0x1, s1  }
0x8c: {  	s17 =	sshll.u32 s0, $0xA;
	s2 =	sadd.s32 s3, s2  }
0x8d: {  	s2 =	sadd.s32 s2, s17  }
0x8e: {  	[smem:$0x3FBF] =	sst s2  }
0x8f: {  	_ = 	snop  }
0x90: {  	(tm) =	ssettm $0x1  }
0x91: {  	s18 =	sld [smem:$0x3FFB];
	_ =	sdelay $0x3  }
0x92: {  	_ =	strace s18  }
0x93: {  	s2 =	sld [smem:$0x3FFC];
	_ =	sdelay $0x3  }
0x94: {  	_ =	strace s2  }
0x95: {  	s2 =	sld [smem:$0x3FFD];
	_ =	sdelay $0x3  }
0x96: {  	_ =	strace s2  }
0x97: {  	_ =	strace $0x8FFFFFFF  }
0x98: {  	s19 =	sld [smem:$0x3FDB];
	_ =	sdelay $0x1  }
0x99: {  	s20 =	simm.s32 $_scs_section_size  }
0x9a: {  	s4 =	simm.s32 $_size__tile_overlayer_lowered;
	s5 =	simm.s32 $_tile_overlayer_lowered  }
0x9b: {  	s6 =	simm.s32 $0x1BFF;
	s21 =	sshll.u32 s5, $0x1;
	s3 =	sadd.s32 s20, s19  }
0x9c: {  	s22 =	simm.s32 $0x0;
	s4 =	sshll.u32 s4, $0x1;
	s5 =	sadd.s32 s21, s3  }
0x9d: {  	[timem:s22], [sflag:s6] =	dma.local [hbm:s5], s4  }
0x9e: {  	_ =	swait.ge [sflag:s6], s4  }
0x9f: {  	s4 =	ssub.s32 $0x0, s4;
	[sflag:s6] =	ssyncset.done $0x0  }
0xa0: {  	[sflag:s6] =	ssyncadd.s32 s4;
	_ =	sdelay $0x1  }
0xa1: {  	s23 =	simm.s32 $0x1B8B  }
0xa2: {  	_ =	swait.ge [sflag:s23], $0x1  }
0xa3: {  	[sflag:s23] =	ssyncset.done $0x0  }
0xa4: {  	[sflag:s23] =	ssyncadd.s32 $0xFFFFFFFF  }
0xa5: {  	s4 =	sld [smem:$0x0]  }
0xa6: {  	s5 =	sand.u32 $0xFFFFFFFE, s1  }
0xa7: {  	p0 =	sne.s32 s1, s5  }
0xa8: {  	s5 =	sshll.u32 @p0 s5, $0xE  }
0xa9: {  	s5 =	sadd.s32 @p0 $0x11B8D, s5;
	s6 =	sshll.u32 @p0 s4, $0x11  }
0xaa: {  	s5 =	sor.u32 @p0 s6, s5  }
0xab: {  	[sflag:s5] =	ssyncadd.remote.s32 @p0 $0x1;
	_ =	sdelay $0x1  }
0xac: {  	s5 =	simm.s32 @p0 $0x1B8D  }
0xad: {  	_ =	swait.eq @p0 [sflag:s5], $0x1  }
0xae: {  	[sflag:s5] =	ssyncadd.s32 @p0 $0xFFFFFFFF  }
0xaf: {  	s6 =	sshll.u32 @!p0 s1, $0xE  }
0xb0: {  	s6 =	sor.u32 @!p0 $0x4000, s6;
	s5 =	simm.s32 @!p0 $0x1B8D  }
0xb1: {  	s4 =	sshll.u32 @!p0 s4, $0x11;
	s6 =	sadd.s32 @!p0 $0x11B8D, s6;
	_ =	swait.eq @!p0 [sflag:s5], $0x1  }
0xb2: {  	s4 =	sor.u32 @!p0 s4, s6;
	[sflag:s5] =	ssyncadd.s32 @!p0 $0xFFFFFFFF  }
0xb3: {  	s25 =	simm.s32 $0x1B8E;
	s24 =	sld [smem:$0x3FFE];
	[sflag:s4] =	ssyncadd.remote.s32 @!p0 $0x1  }
0xb4: {  	s26 =	simm.s32 $execute0_lowered;
	[smem:$0x3FD2] =	sst s25  }
0xb5: {  	s5 =	sshll.u32 s26, $0x1;
	_ =	strace $0x80000055;
	[dreg:$0x1] =	wrdreg $0xFFFFFFFF  }
0xb6: {  	s28 =	simm.s32 $_size_execute0_lowered;
	s3 =	sadd.s32 s3, s5;
	[dreg:$0x0] =	wrdreg $0x0  }
0xb7: {  	s5 =	sshll.u32 s28, $0x1;
	[dreg:$0x2] =	wrdreg s3  }
0xb8: {  	[dreg:$0x3] =	wrdreg s5  }
0xb9: {  	[dreg:$0x4] =	wrdreg $0xC0  }
0xba: {  	_ =	task [dreg:s22], $0x5FFFF  }
0xbb: {  	[dreg:$0x1] =	wrdreg $0xFFFFFFFF  }
0xbc: {  	[dreg:$0x0] =	wrdreg $0x60  }
0xbd: {  	[dreg:$0x2] =	wrdreg s24  }
0xbe: {  	[dreg:$0x3] =	wrdreg $0x9  }
0xbf: {  	_ =	task.clear_ibuf [dreg:s22], $0x4FFFF;
	_ =	strace $0x90000055  }
0xc0: {  	s29 =	simm.s32 $0x9;
	_ =	strace $0x80000057  }
0xc1: {  	_ =	swait.ge [sflag:s29], $0x1  }
0xc2: {  	[sflag:s29] =	ssyncadd.s32 $0xFFFFFFFF  }
0xc3: {  	_ =	strace $0x90000057  }
0xc4: {  	_ =	sfence  }
0xc5: {  	s30 =	sld [smem:$0x0];
	_ =	sdelay $0x2  }
0xc6: {  	s31 =	sshll.u32 s1, $0xD;
	s1 =	sshrl.u32 s1, $0x2  }
0xc7: {  	s4 =	sand.u32 $0x4000, s31;
	s1 =	sadd.s32 s1, s30  }
0xc8: {  	s0 =	sor.u32 s4, s0;
	s1 =	sshll.u32 s1, $0x11  }
0xc9: {  	s0 =	sor.u32 s1, s0  }
0xca: {  	s0 =	sadd.s32 $0x8F2B, s0  }
0xcb: {  	[sflag:s0] =	ssyncadd.remote.s32 $0x1  }
0xcc: {  	_ =	sfence.sel $0xFFFF  }
0xcd: {  	[dreg:$0x0] =	wrdreg $0xFFFFFFFF;
	(pc) =	sbr.abs _section_cstart, $3  }
0xce: {  	[dreg:$0x1] =	wrdreg $0xFFFFFFFF  }
0xcf: {  	_ =	task.clear_ibuf [dreg:s22], $0x2FFFF;
	_ =	strace $0x9FFFFFFF  }
0xd0: {  	(tm) =	ssettm $0x7FFFFFFF  }
0xd1: {  	_ =	shalt  }
tec
execute0_lowered:
.L_overlay_start_1:
0x0: {  	(tag) =	ssettag $0x1  }
0x1: {  	s0 =	rddreg [dreg:$0x0];
	s1 =	srdreg.scid  }
0x2: {  	s5 =	stileid.u32;
	s2 =	simm.s32 $0x0;
	s31 =	simm.s32 $0x880  }
0x3: {  	s14 =	simm.s32 $0x80;
	s15 =	simm.s32 $0x1080;
	s16 =	simm.s32 $0x1880  }
0x4: {  	s17 =	simm.s32 $0x2080;
	s18 =	simm.s32 $0x2880;
	s19 =	simm.s32 $0x3080  }
0x5: {  	s20 =	simm.s32 $0x3880;
	s21 =	simm.s32 $0x4080;
	s22 =	simm.s32 $0x4880  }
0x6: {  	s23 =	simm.s32 $0x5080;
	s28 =	simm.s32 $0x7080;
	s29 =	simm.s32 $0x7880  }
0x7: {  	s30 =	simm.s32 $0x1;
	s1 =	sand.u32 $0x1, s1;
	s3 =	sshll.u32 s5, $0x7  }
0x8: {  	[smem:$0x7FF] =	sst s2;
	s5 =	sshll.u32 s5, $0xF;
	s6 =	sadd.s32 $0x191500, s0  }
0x9: {  	s7 =	sadd.s32 $0x191600, s0;
	s10 =	sadd.s32 $0x191900, s0;
	s4 =	sshll.u32 s1, $0x6  }
0xa: {  	_ =	strace $0x80000056;
	s12 =	sadd.s32 s5, s0;
	s8 =	ssub.s32 $0x2, s1  }
0xb: {  	s5 =	sadd.s32 $0x191400, s0;
	s1 =	sshll.u32 s1, $0xE;
	[dreg:$0x3] =	wrdreg s31  }
0xc: {  	s3 =	sor.u32 s4, s3;
	s9 =	sshrl.u32 s8, $0x1;
	s24 =	sadd.s32 s1, s12  }
0xd: {  	s1 =	simm.s32 $0x0;
	s4 =	sshrl.u32 s3, $0x3;
	s3 =	sadd.s32 $0x191200, s0  }
0xe: {  	s13 =	ssub.s32 s8, s9;
	s8 =	sadd.s32 $0x191700, s0;
	s9 =	sadd.s32 $0x191800, s0  }
0xf: {  	s11 =	sadd.s32 s4, s0;
	s4 =	sadd.s32 $0x191300, s0;
	s25 =	smax.u32 s13, $0x1  }
0x10: {  	v2 =	vlaneseq.u32;
	s0 =	sadd.s32 $0x88E00, s24;
	s13 =	simm.s32 $0x2;
	[dreg:$0x4] =	wrdreg s25  }
0x11: {  	vm0 =	vmmov $0xffff;
	v1 =	vshrl.u32 v2, $0x3;
	s24 =	simm.s32 $0x5880;
	[dreg:$0x5] =	wrdreg s0;
	s26 =	sadd.s32 $0x8800, s11  }
0x12: {  	v0 =	vand.u32 $0x7, v2;
	v2 =	vor.u32 $0x8, v2;
	v1 =	vmul.u32 $0x8, v1;
	s25 =	simm.s32 $0x6080;
	[dreg:$0x2] =	wrdreg s26;
	s26 =	simm.s32 $0x6880  }
.LBB2_1:
0x13: {  	s0 =	rddreg [dreg:$0x2]  }
0x14: {  	[dreg:$0x6] =	wrdreg s1;
	s0 =	sadd.s32 $0x0, s0  }
0x15: {  	[tilespmem:s2], [sflag:$0x2] =	stream.linear.gather [hbm4b:s0+s2], $0x10, $0x38;
	[tilespmem:$0x8080] =	vst v63  }
0x16: {  	_ =	swait.ge [sflag:s13], $0x10  }
0x17: {  	[sflag:s13] =	ssyncset.done $0x0  }
0x18: {  	[sflag:s13] =	ssyncadd.s32 $0xFFFFFFF0  }
0x19: {  	v3 =	vld [tilespmem:$0x0];
	_ =	sdelay $0x4  }
0x1a: {  	v4 =	vshll.u32 v3, $0x4  }
0x1b: {  	v3 =	vand.u32 $0x7, v3;
	v4 =	vand.u32 $0xFFFFFF80, v4  }
0x1c: {  	v3 =	vor.u32 v3, v4  }
0x1d: {  	v4 =	vperm.xlane v3, v0;
	_ =	sdelay $0x1  }
0x1e: {  	v4 =	vadd.s32 v1, v4;
	_ =	sdelay $0x4  }
0x1f: {  	[tilespmem:s14], [sflag:$0x1] =	stream.indirect_vreg.gather [hbm4b:s3+s2], $0x80, v4, vm0, $0xb8;
	[tilespmem:$0x8080] =	vst v63  }
0x20: {  	s31 =	rddreg [dreg:$0x3]  }
0x21: {  	[tilespmem:s31], [sflag:$0x1] =	stream.indirect_vreg.gather [hbm4b:s4+s2], $0x80, v4, vm0, $0xb8;
	[tilespmem:$0x8080] =	vst v63  }
0x22: {  	_ = 	snop  }
0x23: {  	[tilespmem:s15], [sflag:$0x1] =	stream.indirect_vreg.gather [hbm4b:s5+s2], $0x80, v4, vm0, $0xb8;
	[tilespmem:$0x8080] =	vst v63  }
0x24: {  	_ = 	snop  }
0x25: {  	[tilespmem:s16], [sflag:$0x1] =	stream.indirect_vreg.gather [hbm4b:s6+s2], $0x80, v4, vm0, $0xb8;
	[tilespmem:$0x8080] =	vst v63  }
0x26: {  	_ = 	snop  }
0x27: {  	[tilespmem:s17], [sflag:$0x1] =	stream.indirect_vreg.gather [hbm4b:s7+s2], $0x80, v4, vm0, $0xb8;
	[tilespmem:$0x8080] =	vst v63  }
0x28: {  	v3 =	vperm.xlane v3, v2  }
0x29: {  	[tilespmem:s18], [sflag:$0x1] =	stream.indirect_vreg.gather [hbm4b:s8+s2], $0x80, v4, vm0, $0xb8;
	[tilespmem:$0x8080] =	vst v63  }
0x2a: {  	v3 =	vadd.s32 v1, v3  }
0x2b: {  	[tilespmem:s19], [sflag:$0x1] =	stream.indirect_vreg.gather [hbm4b:s9+s2], $0x80, v4, vm0, $0xb8;
	[tilespmem:$0x8080] =	vst v63  }
0x2c: {  	_ = 	snop  }
0x2d: {  	[tilespmem:s20], [sflag:$0x1] =	stream.indirect_vreg.gather [hbm4b:s10+s2], $0x80, v4, vm0, $0xb8;
	[tilespmem:$0x8080] =	vst v63  }
0x2e: {  	_ = 	snop  }
0x2f: {  	[tilespmem:s21], [sflag:$0x1] =	stream.indirect_vreg.gather [hbm4b:s3+s2], $0x80, v3, vm0, $0xb8;
	[tilespmem:$0x8080] =	vst v63  }
0x30: {  	_ = 	snop  }
0x31: {  	[tilespmem:s22], [sflag:$0x1] =	stream.indirect_vreg.gather [hbm4b:s4+s2], $0x80, v3, vm0, $0xb8;
	[tilespmem:$0x8080] =	vst v63  }
0x32: {  	_ = 	snop  }
0x33: {  	[tilespmem:s23], [sflag:$0x1] =	stream.indirect_vreg.gather [hbm4b:s5+s2], $0x80, v3, vm0, $0xb8;
	[tilespmem:$0x8080] =	vst v63  }
0x34: {  	_ = 	snop  }
0x35: {  	[tilespmem:s24], [sflag:$0x1] =	stream.indirect_vreg.gather [hbm4b:s6+s2], $0x80, v3, vm0, $0xb8;
	[tilespmem:$0x8080] =	vst v63  }
0x36: {  	_ = 	snop  }
0x37: {  	[tilespmem:s25], [sflag:$0x1] =	stream.indirect_vreg.gather [hbm4b:s7+s2], $0x80, v3, vm0, $0xb8;
	[tilespmem:$0x8080] =	vst v63  }
0x38: {  	_ = 	snop  }
0x39: {  	[tilespmem:s26], [sflag:$0x1] =	stream.indirect_vreg.gather [hbm4b:s8+s2], $0x80, v3, vm0, $0xb8;
	[tilespmem:$0x8080] =	vst v63  }
0x3a: {  	_ = 	snop  }
0x3b: {  	[tilespmem:s28], [sflag:$0x1] =	stream.indirect_vreg.gather [hbm4b:s9+s2], $0x80, v3, vm0, $0xb8;
	[tilespmem:$0x8080] =	vst v63  }
0x3c: {  	_ = 	snop  }
0x3d: {  	[tilespmem:s29], [sflag:$0x1] =	stream.indirect_vreg.gather [hbm4b:s10+s2], $0x80, v3, vm0, $0xb8;
	[tilespmem:$0x8080] =	vst v63  }
0x3e: {  	_ =	swait.ge [sflag:s30], $0x8000  }
0x3f: {  	[sflag:s30] =	ssyncset.done $0x0  }
0x40: {  	s12 =	rddreg [dreg:$0x5];
	[sflag:s30] =	ssyncadd.s32 $0xFFFF8000  }
0x41: {  	[hbm4b:s12+s2] =	stream.linear.scatter [tilespmem:s14], [sflag:$0x2], $0x8000, $0x38;
	[tilespmem:$0x8080] =	vst v63  }
0x42: {  	s1 =	simm.s32 $0x2;
	_ =	swait.ge [sflag:s13], $0x8000  }
0x43: {  	s11 =	simm.s32 $0x4;
	s0 =	rddreg [dreg:$0x2];
	[sflag:s13] =	ssyncset.done $0x0  }
.LBB2_2:
0x44: {  	[sflag:s13] =	ssyncadd.s32 $0xFFFF8000;
	s0 =	sadd.s32 s1, s0  }
0x45: {  	[tilespmem:s2], [sflag:$0x2] =	stream.linear.gather [hbm4b:s0+s2], $0x10, $0x38;
	[tilespmem:$0x8080] =	vst v63  }
0x46: {  	_ =	swait.ge [sflag:s13], $0x10  }
0x47: {  	[sflag:s13] =	ssyncset.done $0x0  }
0x48: {  	[sflag:s13] =	ssyncadd.s32 $0xFFFFFFF0  }
0x49: {  	v3 =	vld [tilespmem:$0x0];
	_ =	sdelay $0x4  }
0x4a: {  	v4 =	vshll.u32 v3, $0x4  }
0x4b: {  	v3 =	vand.u32 $0x7, v3;
	v4 =	vand.u32 $0xFFFFFF80, v4  }
0x4c: {  	v3 =	vor.u32 v3, v4  }
0x4d: {  	v4 =	vperm.xlane v3, v0;
	_ =	sdelay $0x1  }
0x4e: {  	v4 =	vadd.s32 v1, v4;
	_ =	sdelay $0x3  }
0x4f: {  	s31 =	smov.u32 s11  }
0x50: {  	[tilespmem:s14], [sflag:$0x1] =	stream.indirect_vreg.gather [hbm4b:s3+s2], $0x80, v4, vm0, $0xb8;
	[tilespmem:$0x8080] =	vst v63  }
0x51: {  	s1 =	smov.u32 s31;
	s31 =	rddreg [dreg:$0x3]  }
0x52: {  	[tilespmem:s31], [sflag:$0x1] =	stream.indirect_vreg.gather [hbm4b:s4+s2], $0x80, v4, vm0, $0xb8;
	[tilespmem:$0x8080] =	vst v63  }
0x53: {  	_ = 	snop  }
0x54: {  	[tilespmem:s15], [sflag:$0x1] =	stream.indirect_vreg.gather [hbm4b:s5+s2], $0x80, v4, vm0, $0xb8;
	[tilespmem:$0x8080] =	vst v63  }
0x55: {  	_ = 	snop  }
0x56: {  	[tilespmem:s16], [sflag:$0x1] =	stream.indirect_vreg.gather [hbm4b:s6+s2], $0x80, v4, vm0, $0xb8;
	[tilespmem:$0x8080] =	vst v63  }
0x57: {  	_ = 	snop  }
0x58: {  	[tilespmem:s17], [sflag:$0x1] =	stream.indirect_vreg.gather [hbm4b:s7+s2], $0x80, v4, vm0, $0xb8;
	[tilespmem:$0x8080] =	vst v63  }
0x59: {  	v3 =	vperm.xlane v3, v2  }
0x5a: {  	[tilespmem:s18], [sflag:$0x1] =	stream.indirect_vreg.gather [hbm4b:s8+s2], $0x80, v4, vm0, $0xb8;
	[tilespmem:$0x8080] =	vst v63  }
0x5b: {  	v3 =	vadd.s32 v1, v3  }
0x5c: {  	[tilespmem:s19], [sflag:$0x1] =	stream.indirect_vreg.gather [hbm4b:s9+s2], $0x80, v4, vm0, $0xb8;
	[tilespmem:$0x8080] =	vst v63  }
0x5d: {  	_ = 	snop  }
0x5e: {  	[tilespmem:s20], [sflag:$0x1] =	stream.indirect_vreg.gather [hbm4b:s10+s2], $0x80, v4, vm0, $0xb8;
	[tilespmem:$0x8080] =	vst v63  }
0x5f: {  	_ = 	snop  }
0x60: {  	[tilespmem:s21], [sflag:$0x1] =	stream.indirect_vreg.gather [hbm4b:s3+s2], $0x80, v3, vm0, $0xb8;
	[tilespmem:$0x8080] =	vst v63  }
0x61: {  	_ = 	snop  }
0x62: {  	[tilespmem:s22], [sflag:$0x1] =	stream.indirect_vreg.gather [hbm4b:s4+s2], $0x80, v3, vm0, $0xb8;
	[tilespmem:$0x8080] =	vst v63  }
0x63: {  	_ = 	snop  }
0x64: {  	[tilespmem:s23], [sflag:$0x1] =	stream.indirect_vreg.gather [hbm4b:s5+s2], $0x80, v3, vm0, $0xb8;
	[tilespmem:$0x8080] =	vst v63  }
0x65: {  	_ = 	snop  }
0x66: {  	[tilespmem:s24], [sflag:$0x1] =	stream.indirect_vreg.gather [hbm4b:s6+s2], $0x80, v3, vm0, $0xb8;
	[tilespmem:$0x8080] =	vst v63  }
0x67: {  	_ = 	snop  }
0x68: {  	[tilespmem:s25], [sflag:$0x1] =	stream.indirect_vreg.gather [hbm4b:s7+s2], $0x80, v3, vm0, $0xb8;
	[tilespmem:$0x8080] =	vst v63  }
0x69: {  	_ = 	snop  }
0x6a: {  	[tilespmem:s26], [sflag:$0x1] =	stream.indirect_vreg.gather [hbm4b:s8+s2], $0x80, v3, vm0, $0xb8;
	[tilespmem:$0x8080] =	vst v63  }
0x6b: {  	_ = 	snop  }
0x6c: {  	[tilespmem:s28], [sflag:$0x1] =	stream.indirect_vreg.gather [hbm4b:s9+s2], $0x80, v3, vm0, $0xb8;
	[tilespmem:$0x8080] =	vst v63  }
0x6d: {  	_ = 	snop  }
0x6e: {  	[tilespmem:s29], [sflag:$0x1] =	stream.indirect_vreg.gather [hbm4b:s10+s2], $0x80, v3, vm0, $0xb8;
	[tilespmem:$0x8080] =	vst v63  }
0x6f: {  	p0 =	sne.s32 s11, $0x6;
	_ =	swait.ge [sflag:s30], $0x8000  }
.Ltmp0:
0x70: {  	[sflag:s30] =	ssyncset.done $0x0;
	(pc) =	sbr.rel @p0 .LBB2_2-.Ltmp0, $4  }
0x71: {  	s12 =	sadd.s32 $0x1000, s12;
	[sflag:s30] =	ssyncadd.s32 $0xFFFF8000  }
0x72: {  	[hbm4b:s12+s2] =	stream.linear.scatter [tilespmem:s14], [sflag:$0x2], $0x8000, $0x38;
	[tilespmem:$0x8080] =	vst v63  }
0x73: {  	_ =	swait.ge [sflag:s13], $0x8000  }
0x74: {  	s11 =	sadd.s32 $0x2, s11;
	s0 =	rddreg [dreg:$0x2];
	[sflag:s13] =	ssyncset.done $0x0  }
0x75: {  	s0 =	sadd.s32 s1, s0;
	[sflag:s13] =	ssyncadd.s32 $0xFFFF8000  }
0x76: {  	[tilespmem:s2], [sflag:$0x2] =	stream.linear.gather [hbm4b:s0+s2], $0x10, $0x38;
	[tilespmem:$0x8080] =	vst v63  }
0x77: {  	_ =	swait.ge [sflag:s13], $0x10  }
0x78: {  	[sflag:s13] =	ssyncset.done $0x0  }
0x79: {  	[sflag:s13] =	ssyncadd.s32 $0xFFFFFFF0  }
0x7a: {  	v3 =	vld [tilespmem:$0x0];
	_ =	sdelay $0x4  }
0x7b: {  	v4 =	vshll.u32 v3, $0x4  }
0x7c: {  	v3 =	vand.u32 $0x7, v3;
	v4 =	vand.u32 $0xFFFFFF80, v4  }
0x7d: {  	v3 =	vor.u32 v3, v4  }
0x7e: {  	v4 =	vperm.xlane v3, v0;
	_ =	sdelay $0x1  }
0x7f: {  	v4 =	vadd.s32 v1, v4;
	_ =	sdelay $0x4  }
0x80: {  	[tilespmem:s14], [sflag:$0x1] =	stream.indirect_vreg.gather [hbm4b:s3+s2], $0x80, v4, vm0, $0xb8;
	[tilespmem:$0x8080] =	vst v63  }
0x81: {  	s1 =	rddreg [dreg:$0x3]  }
0x82: {  	[tilespmem:s1], [sflag:$0x1] =	stream.indirect_vreg.gather [hbm4b:s4+s2], $0x80, v4, vm0, $0xb8;
	[tilespmem:$0x8080] =	vst v63  }
0x83: {  	_ = 	snop  }
0x84: {  	[tilespmem:s15], [sflag:$0x1] =	stream.indirect_vreg.gather [hbm4b:s5+s2], $0x80, v4, vm0, $0xb8;
	[tilespmem:$0x8080] =	vst v63  }
0x85: {  	_ = 	snop  }
0x86: {  	[tilespmem:s16], [sflag:$0x1] =	stream.indirect_vreg.gather [hbm4b:s6+s2], $0x80, v4, vm0, $0xb8;
	[tilespmem:$0x8080] =	vst v63  }
0x87: {  	_ = 	snop  }
0x88: {  	[tilespmem:s17], [sflag:$0x1] =	stream.indirect_vreg.gather [hbm4b:s7+s2], $0x80, v4, vm0, $0xb8;
	[tilespmem:$0x8080] =	vst v63  }
0x89: {  	v3 =	vperm.xlane v3, v2  }
0x8a: {  	[tilespmem:s18], [sflag:$0x1] =	stream.indirect_vreg.gather [hbm4b:s8+s2], $0x80, v4, vm0, $0xb8;
	[tilespmem:$0x8080] =	vst v63  }
0x8b: {  	v3 =	vadd.s32 v1, v3  }
0x8c: {  	[tilespmem:s19], [sflag:$0x1] =	stream.indirect_vreg.gather [hbm4b:s9+s2], $0x80, v4, vm0, $0xb8;
	[tilespmem:$0x8080] =	vst v63  }
0x8d: {  	_ = 	snop  }
0x8e: {  	[tilespmem:s20], [sflag:$0x1] =	stream.indirect_vreg.gather [hbm4b:s10+s2], $0x80, v4, vm0, $0xb8;
	[tilespmem:$0x8080] =	vst v63  }
0x8f: {  	_ = 	snop  }
0x90: {  	[tilespmem:s21], [sflag:$0x1] =	stream.indirect_vreg.gather [hbm4b:s3+s2], $0x80, v3, vm0, $0xb8;
	[tilespmem:$0x8080] =	vst v63  }
0x91: {  	_ = 	snop  }
0x92: {  	[tilespmem:s22], [sflag:$0x1] =	stream.indirect_vreg.gather [hbm4b:s4+s2], $0x80, v3, vm0, $0xb8;
	[tilespmem:$0x8080] =	vst v63  }
0x93: {  	_ = 	snop  }
0x94: {  	[tilespmem:s23], [sflag:$0x1] =	stream.indirect_vreg.gather [hbm4b:s5+s2], $0x80, v3, vm0, $0xb8;
	[tilespmem:$0x8080] =	vst v63  }
0x95: {  	_ = 	snop  }
0x96: {  	[tilespmem:s24], [sflag:$0x1] =	stream.indirect_vreg.gather [hbm4b:s6+s2], $0x80, v3, vm0, $0xb8;
	[tilespmem:$0x8080] =	vst v63  }
0x97: {  	_ = 	snop  }
0x98: {  	[tilespmem:s25], [sflag:$0x1] =	stream.indirect_vreg.gather [hbm4b:s7+s2], $0x80, v3, vm0, $0xb8;
	[tilespmem:$0x8080] =	vst v63  }
0x99: {  	_ = 	snop  }
0x9a: {  	[tilespmem:s26], [sflag:$0x1] =	stream.indirect_vreg.gather [hbm4b:s8+s2], $0x80, v3, vm0, $0xb8;
	[tilespmem:$0x8080] =	vst v63  }
0x9b: {  	_ = 	snop  }
0x9c: {  	[tilespmem:s28], [sflag:$0x1] =	stream.indirect_vreg.gather [hbm4b:s9+s2], $0x80, v3, vm0, $0xb8;
	[tilespmem:$0x8080] =	vst v63  }
0x9d: {  	_ = 	snop  }
0x9e: {  	[tilespmem:s29], [sflag:$0x1] =	stream.indirect_vreg.gather [hbm4b:s10+s2], $0x80, v3, vm0, $0xb8;
	[tilespmem:$0x8080] =	vst v63  }
0x9f: {  	_ =	swait.ge [sflag:s30], $0x8000  }
0xa0: {  	[sflag:s30] =	ssyncset.done $0x0  }
0xa1: {  	s11 =	sadd.s32 $0x1000, s12;
	[sflag:s30] =	ssyncadd.s32 $0xFFFF8000  }
0xa2: {  	[hbm4b:s11+s2] =	stream.linear.scatter [tilespmem:s14], [sflag:$0x2], $0x8000, $0x38;
	[tilespmem:$0x8080] =	vst v63  }
0xa3: {  	_ =	swait.ge [sflag:s13], $0x8000  }
0xa4: {  	s12 =	rddreg [dreg:$0x6]  }
0xa5: {  	s31 =	rddreg [dreg:$0x4];
	s1 =	sadd.s32 $0x1, s12  }
0xa6: {  	p0 =	sne.s32 s1, s31  }
.Ltmp1:
0xa7: {  	_ = 	snop;
	(pc) =	sbr.rel @p0 .LBB2_1-.Ltmp1, $3  }
0xa8: {  	_ =	sdelay $0x1  }
0xa9: {  	[sflag:s13] =	ssyncset.done $0x0  }
0xaa: {  	[sflag:s13] =	ssyncadd.s32 $0xFFFF8000  }
0xab: {  	_ =	sfence.sel $0x180000  }
0xac: {  	[bflag:$0x0] =	sbarrier.arrive $0xFFFF  }
0xad: {  	_ =	strace $0x90000056  }
0xae: {  	s0 =	stileid.u32;
	[bflag:$0x2] =	sbarrier.arrive $0xFFFF  }
0xaf: {  	p0 =	sne.s32 s0, $0x0;
	s0 =	rddreg [dreg:$0x1]  }
0xb0: {  	s0 =	sadd.s32 @!p0 $0x100000, s0  }
0xb1: {  	[sflag:s0] =	ssyncadd.tile.s32 @!p0 $0x1;
	_ =	shalt  }
.Lfunc_end2:
_tile_overlayer_lowered:
.L_overlay_start_2:
0xb2: {  	(tag) =	ssettag $0x2  }
0xb3: {  	s0 =	rddreg [dreg:$0x0];
	s2 =	stileid.u32  }
0xb4: {  	s1 =	rddreg [dreg:$0x1];
	p0 =	sne.s32 s2, $0x0  }
0xb5: {  	s3 =	rddreg [dreg:$0x2];
	[bflag:$0x3] =	sbarrier.arrive $0xFFFF;
	s2 =	simm.s32 @!p0 $0x1C02  }
0xb6: {  	[timem:s3], [sflag:s2] =	dma.local @!p0 [hbm:s0], s1  }
0xb7: {  	s0 =	simm.s32 @!p0 $0x2  }
0xb8: {  	_ =	swait.ge @!p0 [sflag:s0], s1  }
0xb9: {  	s1 =	ssub.s32 @!p0 $0x0, s1;
	[sflag:s0] =	ssyncset.done @!p0 $0x0  }
0xba: {  	[sflag:s0] =	ssyncadd.s32 @!p0 s1  }
0xbb: {  	[bflag:$0x3] =	sbarrier.arrive $0xFFFF  }
0xbc: {  	_ =	shalt  }

// kernel: kernel.14.cloned.1.call-start
scs
__scs_entry_jumppad:
0x0: {  	(pc) =	sbr.rel $0x88, $3  }
0x1: {  	(tag) =	ssettag $0x0;
	lr =	simm.s32 $0x1  }
0x2: {  	[smem:$0x3F98] =	sst lr;
	_ =	strace $0xD0000000  }
0x3: {  	_ = 	snop  }
0x4: {  	_ = 	snop  }
0x5: {  	_ = 	snop  }
0x6: {  	_ = 	snop  }
0x7: {  	_ = 	snop  }
__scs_overlays_trampoline_lowered:
0x8: {  	[smem:$0x3FA7] =	sst s0  }
0x9: {  	[smem:$0x3FA8] =	sst s1  }
0xa: {  	[smem:$0x3FA9] =	sst s2  }
0xb: {  	[smem:$0x3FAA] =	sst s3  }
0xc: {  	[smem:$0x3FAB] =	sst s4  }
0xd: {  	[smem:$0x3FAC] =	sst s5  }
0xe: {  	[smem:$0x3FAD] =	sst s6  }
0xf: {  	[smem:$0x3FAE] =	sst s7  }
0x10: {  	[smem:$0x3FAF] =	sst s8  }
0x11: {  	[smem:$0x3FB0] =	sst s9;
	s0 =	simm.s32 @!p0 $0x0  }
0x12: {  	s1 =	sld [smem:$0x3F96];
	s0 =	simm.s32 @p0 $0x1  }
0x13: {  	[smem:$0x3FB1] =	sst s0;
	s0 =	simm.s32 @!p1 $0x0  }
0x14: {  	s2 =	sld [smem:$0x3F95];
	s0 =	simm.s32 @p1 $0x1  }
0x15: {  	[smem:$0x3FB2] =	sst s0;
	s0 =	simm.s32 @!p2 $0x0  }
0x16: {  	s3 =	sld [smem:$0x3FDB];
	s0 =	simm.s32 @p2 $0x1  }
0x17: {  	s4 =	simm.s32 $0x1BF5;
	[smem:$0x3FB4] =	sst s0  }
0x18: {  	s0 =	sld [smem:$0x3F97];
	_ =	swait.ge [sflag:s4], $0x0  }
0x19: {  	s7 =	sld [smem:$0x3F98]  }
0x1a: {  	s8 =	sadd.s32 $0xFFFFE003, lr  }
0x1b: {  	s9 =	sadd.s32 $0xFFFFFEF7, lr;
	s5 =	simm.s32 $0xFFFFFFFF;
	p2 =	slt.u32 s8, $0xFFFFF086  }
0x1c: {  	p1 =	slt.u32 s9, $0xF7A;
	s5 =	simm.s32 @!p2 $0x0  }
0x1d: {  	s5 =	simm.s32 @p1 $0x1;
	p0 =	seq.s32 s7, s2  }
0x1e: {  	s7 =	smul.u32 @!p0 $0xF7A, s2;
	p2 =	seq.s32 @!p0 s5, $0x0  }
0x1f: {  	s9 =	smul.u32 $0xF7A, s1;
	s8 =	simm.s32 @!p0 $0x1BF5;
	p2 =	por !p2, p0  }
0x20: {  	[sflag:s8] =	ssyncset.s32 @!p0 $0xFFFFF086;
	s6 =	sadd.s32 @!p0 s3, s7;
	s7 =	simm.s32 @!p0 $0x108  }
0x21: {  	s3 =	sadd.s32 s3, s9;
	s6 =	sadd.s32 @!p0 $0x88, s6;
	s7 =	simm.s32 @p2 $0x1082  }
0x22: {  	[simem:s7], [sflag:s8] =	dma.local @!p0 [hbm:s6], $0xF7A  }
0x23: {  	s9 =	sor.u32 $0xD0000000, s2;
	s6 =	simm.s32 $0x108;
	_ =	swait.ge @!p0 [sflag:s8], $0x0  }
0x24: {  	s3 =	sadd.s32 $0x88, s3;
	s6 =	simm.s32 @!p1 $0x1082;
	[sflag:s4] =	ssyncset.s32 $0xFFFFF086  }
0x25: {  	[simem:s6], [sflag:s4] =	dma.local [hbm:s3], $0xF7A  }
0x26: {  	[smem:$0x3F98] =	sst s1;
	(tag) =	ssettag s2;
	_ =	strace s9  }
0x27: {  	s1 =	sld [smem:$0x3FA8]  }
0x28: {  	s2 =	sld [smem:$0x3FA9]  }
0x29: {  	s4 =	sld [smem:$0x3FAB]  }
0x2a: {  	p0 =	seq.s32 s5, $0x0;
	s5 =	sld [smem:$0x3FAC]  }
0x2b: {  	s6 =	sld [smem:$0x3FAD]  }
0x2c: {  	s7 =	sld [smem:$0x3FAE]  }
0x2d: {  	s3 =	simm.s32 $0x108;
	s8 =	sld [smem:$0x3FAF]  }
0x2e: {  	s3 =	simm.s32 @!p0 $0x1082;
	s9 =	sld [smem:$0x3FB0]  }
0x2f: {  	lr =	sadd.s32 s0, s3;
	s0 =	sld [smem:$0x3FA7]  }
0x30: {  	s3 =	sld [smem:$0x3FAA]  }
0x31: {  	[smem:$0x3FB3] =	sst s10  }
0x32: {  	s10 =	sld [smem:$0x3FB1];
	_ =	sdelay $0x3  }
0x33: {  	p0 =	seq.s32 s10, $0x1;
	s10 =	sld [smem:$0x3FB3];
	_ =	sdelay $0x3  }
0x34: {  	[smem:$0x3FB3] =	sst s10  }
0x35: {  	s10 =	sld [smem:$0x3FB2];
	_ =	sdelay $0x3  }
0x36: {  	p1 =	seq.s32 s10, $0x1;
	s10 =	sld [smem:$0x3FB3];
	_ =	sdelay $0x3  }
0x37: {  	[smem:$0x3FB3] =	sst s10  }
0x38: {  	s10 =	sld [smem:$0x3FB4]  }
0x39: {  	_ = 	snop;
	(pc) =	sbr.ind lr, $3  }
0x3a: {  	_ = 	snop  }
0x3b: {  	_ = 	snop  }
0x3c: {  	p2 =	seq.s32 s10, $0x1;
	s10 =	sld [smem:$0x3FB3]  }
0x3d: {  	_ =	shalt  }
0x3e: {  	_ =	shalt  }
0x3f: {  	_ =	shalt  }
0x40: {  	_ =	shalt  }
0x41: {  	_ =	shalt  }
0x42: {  	_ =	shalt  }
0x43: {  	_ =	shalt  }
0x44: {  	_ =	shalt  }
0x45: {  	_ =	shalt  }
0x46: {  	_ =	shalt  }
0x47: {  	_ =	shalt  }
0x48: {  	_ =	shalt  }
0x49: {  	_ =	shalt  }
0x4a: {  	_ =	shalt  }
0x4b: {  	_ =	shalt  }
0x4c: {  	_ =	shalt  }
0x4d: {  	_ =	shalt  }
0x4e: {  	_ =	shalt  }
0x4f: {  	_ =	shalt  }
0x50: {  	_ =	shalt  }
0x51: {  	_ =	shalt  }
0x52: {  	_ =	shalt  }
0x53: {  	_ =	shalt  }
0x54: {  	_ =	shalt  }
0x55: {  	_ =	shalt  }
0x56: {  	_ =	shalt  }
0x57: {  	_ =	shalt  }
0x58: {  	_ =	shalt  }
0x59: {  	_ =	shalt  }
0x5a: {  	_ =	shalt  }
0x5b: {  	_ =	shalt  }
0x5c: {  	_ =	shalt  }
0x5d: {  	_ =	shalt  }
0x5e: {  	_ =	shalt  }
0x5f: {  	_ =	shalt  }
0x60: {  	_ =	shalt  }
0x61: {  	_ =	shalt  }
0x62: {  	_ =	shalt  }
0x63: {  	_ =	shalt  }
0x64: {  	_ =	shalt  }
0x65: {  	_ =	shalt  }
0x66: {  	_ =	shalt  }
0x67: {  	_ =	shalt  }
0x68: {  	_ =	shalt  }
0x69: {  	_ =	shalt  }
0x6a: {  	_ =	shalt  }
0x6b: {  	_ =	shalt  }
0x6c: {  	_ =	shalt  }
0x6d: {  	_ =	shalt  }
0x6e: {  	_ =	shalt  }
0x6f: {  	_ =	shalt  }
0x70: {  	_ =	shalt  }
0x71: {  	_ =	shalt  }
0x72: {  	_ =	shalt  }
0x73: {  	_ =	shalt  }
0x74: {  	_ =	shalt  }
0x75: {  	_ =	shalt  }
0x76: {  	_ =	shalt  }
0x77: {  	_ =	shalt  }
0x78: {  	_ =	shalt  }
0x79: {  	_ =	shalt  }
0x7a: {  	_ =	shalt  }
0x7b: {  	_ =	shalt  }
0x7c: {  	_ =	shalt  }
0x7d: {  	_ =	shalt  }
0x7e: {  	_ =	shalt  }
0x7f: {  	_ =	shalt  }
0x80: {  	_ =	shalt  }
0x81: {  	_ =	shalt  }
0x82: {  	_ =	shalt  }
0x83: {  	_ =	shalt  }
0x84: {  	_ =	shalt  }
0x85: {  	_ =	shalt  }
0x86: {  	_ =	shalt  }
0x87: {  	_ =	shalt  }
.Lfunc_end0:
.L_simem_size_0:
called_computation.5_lowered:
.L_overlay_start_0:
0x88: {  	s2 =	sld [smem:$0x3FD9]  }
0x89: {  	s3 =	sld [smem:$0x3FFE];
	_ =	sdelay $0x1  }
0x8a: {  	s1 =	srdreg.scid  }
0x8b: {  	s0 =	sand.u32 $0x1, s1  }
0x8c: {  	s16 =	sshll.u32 s0, $0xA;
	s2 =	sadd.s32 s3, s2  }
0x8d: {  	s2 =	sadd.s32 s2, s16  }
0x8e: {  	[smem:$0x3FBF] =	sst s2  }
0x8f: {  	_ = 	snop  }
0x90: {  	(tm) =	ssettm $0x1  }
0x91: {  	s17 =	sld [smem:$0x3FFB];
	_ =	sdelay $0x3  }
0x92: {  	_ =	strace s17  }
0x93: {  	s2 =	sld [smem:$0x3FFC];
	_ =	sdelay $0x3  }
0x94: {  	_ =	strace s2  }
0x95: {  	s2 =	sld [smem:$0x3FFD];
	_ =	sdelay $0x3  }
0x96: {  	_ =	strace s2  }
0x97: {  	_ =	strace $0x8FFFFFFF  }
0x98: {  	s18 =	sld [smem:$0x3FDB];
	_ =	sdelay $0x1  }
0x99: {  	s19 =	simm.s32 $_scs_section_size  }
0x9a: {  	s4 =	simm.s32 $_size__tile_overlayer_lowered;
	s5 =	simm.s32 $_tile_overlayer_lowered  }
0x9b: {  	s22 =	simm.s32 $0x1BFF;
	s21 =	sshll.u32 s5, $0x1;
	s2 =	sadd.s32 s19, s18  }
0x9c: {  	s6 =	simm.s32 $0x0;
	s20 =	sshll.u32 s4, $0x1;
	s4 =	sadd.s32 s21, s2  }
0x9d: {  	[timem:s6], [sflag:s22] =	dma.local [hbm:s4], s20  }
0x9e: {  	_ =	swait.ge [sflag:s22], s20  }
0x9f: {  	s3 =	ssub.s32 $0x0, s20;
	[sflag:s22] =	ssyncset.done $0x0  }
0xa0: {  	[sflag:s22] =	ssyncadd.s32 s3;
	_ =	sdelay $0x1  }
0xa1: {  	s23 =	simm.s32 $0x1B8B  }
0xa2: {  	_ =	swait.ge [sflag:s23], $0x1  }
0xa3: {  	[sflag:s23] =	ssyncset.done $0x0  }
0xa4: {  	s25 =	simm.s32 $0x1B8E;
	s24 =	sld [smem:$0x3FFE];
	[sflag:s23] =	ssyncadd.s32 $0xFFFFFFFF  }
0xa5: {  	s26 =	simm.s32 $execute0_lowered;
	[smem:$0x3FD2] =	sst s25  }
0xa6: {  	s4 =	sshll.u32 s26, $0x1;
	_ =	strace $0x80000052;
	[dreg:$0x1] =	wrdreg $0xFFFFFFFF  }
0xa7: {  	s28 =	simm.s32 $_size_execute0_lowered;
	s2 =	sadd.s32 s2, s4;
	[dreg:$0x0] =	wrdreg $0x0  }
0xa8: {  	s4 =	sshll.u32 s28, $0x1;
	[dreg:$0x2] =	wrdreg s2  }
0xa9: {  	[dreg:$0x3] =	wrdreg s4  }
0xaa: {  	[dreg:$0x4] =	wrdreg $0xC0  }
0xab: {  	_ =	task [dreg:s6], $0x5FFFF  }
0xac: {  	[dreg:$0x1] =	wrdreg $0xFFFFFFFF  }
0xad: {  	[dreg:$0x0] =	wrdreg $0x60  }
0xae: {  	[dreg:$0x2] =	wrdreg s24  }
0xaf: {  	[dreg:$0x3] =	wrdreg $0xA  }
0xb0: {  	_ =	task.clear_ibuf [dreg:s6], $0x4FFFF;
	_ =	strace $0x90000052  }
0xb1: {  	s29 =	simm.s32 $0xA;
	_ =	strace $0x80000054  }
0xb2: {  	_ =	swait.ge [sflag:s29], $0x1  }
0xb3: {  	[sflag:s29] =	ssyncadd.s32 $0xFFFFFFFF  }
0xb4: {  	_ =	strace $0x90000054  }
0xb5: {  	_ =	sfence  }
0xb6: {  	s30 =	sld [smem:$0x0];
	_ =	sdelay $0x2  }
0xb7: {  	s31 =	sshll.u32 s1, $0xD;
	s1 =	sshrl.u32 s1, $0x2  }
0xb8: {  	s3 =	sand.u32 $0x4000, s31;
	s1 =	sadd.s32 s1, s30  }
0xb9: {  	s0 =	sor.u32 s3, s0;
	s1 =	sshll.u32 s1, $0x11  }
0xba: {  	s0 =	sor.u32 s1, s0  }
0xbb: {  	s0 =	sadd.s32 $0x8F2B, s0  }
0xbc: {  	[sflag:s0] =	ssyncadd.remote.s32 $0x1  }
0xbd: {  	_ =	sfence.sel $0xFFFF  }
0xbe: {  	[dreg:$0x0] =	wrdreg $0xFFFFFFFF;
	(pc) =	sbr.abs _section_cstart, $3  }
0xbf: {  	[dreg:$0x1] =	wrdreg $0xFFFFFFFF  }
0xc0: {  	_ =	task.clear_ibuf [dreg:s6], $0x2FFFF;
	_ =	strace $0x9FFFFFFF  }
0xc1: {  	(tm) =	ssettm $0x7FFFFFFF  }
tec
execute0_lowered:
.L_overlay_start_1:
0x0: {  	(tag) =	ssettag $0x1  }
0x1: {  	s0 =	rddreg [dreg:$0x0];
	s1 =	srdreg.scid  }
0x2: {  	s5 =	stileid.u32;
	s2 =	simm.s32 $0x0;
	s31 =	simm.s32 $0x880  }
0x3: {  	s14 =	simm.s32 $0x80;
	s15 =	simm.s32 $0x1080;
	s16 =	simm.s32 $0x1880  }
0x4: {  	s17 =	simm.s32 $0x2080;
	s18 =	simm.s32 $0x2880;
	s19 =	simm.s32 $0x3080  }
0x5: {  	s20 =	simm.s32 $0x3880;
	s21 =	simm.s32 $0x4080;
	s22 =	simm.s32 $0x4880  }
0x6: {  	s23 =	simm.s32 $0x5080;
	s28 =	simm.s32 $0x7080;
	s29 =	simm.s32 $0x7880  }
0x7: {  	s30 =	simm.s32 $0x1;
	s1 =	sand.u32 $0x1, s1;
	s3 =	sshll.u32 s5, $0x7  }
0x8: {  	[smem:$0x7FF] =	sst s2;
	s5 =	sshll.u32 s5, $0xF;
	s6 =	sadd.s32 $0x191500, s0  }
0x9: {  	s7 =	sadd.s32 $0x191600, s0;
	s10 =	sadd.s32 $0x191900, s0;
	s4 =	sshll.u32 s1, $0x6  }
0xa: {  	_ =	strace $0x80000053;
	s12 =	sadd.s32 s5, s0;
	s8 =	ssub.s32 $0x2, s1  }
0xb: {  	s5 =	sadd.s32 $0x191400, s0;
	s1 =	sshll.u32 s1, $0xE;
	[dreg:$0x3] =	wrdreg s31  }
0xc: {  	s3 =	sor.u32 s4, s3;
	s9 =	sshrl.u32 s8, $0x1;
	s24 =	sadd.s32 s1, s12  }
0xd: {  	s1 =	simm.s32 $0x0;
	s4 =	sshrl.u32 s3, $0x3;
	s3 =	sadd.s32 $0x191200, s0  }
0xe: {  	s13 =	ssub.s32 s8, s9;
	s8 =	sadd.s32 $0x191700, s0;
	s9 =	sadd.s32 $0x191800, s0  }
0xf: {  	s11 =	sadd.s32 s4, s0;
	s4 =	sadd.s32 $0x191300, s0;
	s25 =	smax.u32 s13, $0x1  }
0x10: {  	v2 =	vlaneseq.u32;
	s0 =	sadd.s32 $0x8E00, s24;
	s13 =	simm.s32 $0x2;
	[dreg:$0x4] =	wrdreg s25  }
0x11: {  	vm0 =	vmmov $0xffff;
	v1 =	vshrl.u32 v2, $0x3;
	s24 =	simm.s32 $0x5880;
	[dreg:$0x5] =	wrdreg s0;
	s26 =	sadd.s32 $0x8C00, s11  }
0x12: {  	v0 =	vand.u32 $0x7, v2;
	v2 =	vor.u32 $0x8, v2;
	v1 =	vmul.u32 $0x8, v1;
	s25 =	simm.s32 $0x6080;
	[dreg:$0x2] =	wrdreg s26;
	s26 =	simm.s32 $0x6880  }
.LBB2_1:
0x13: {  	s0 =	rddreg [dreg:$0x2]  }
0x14: {  	[dreg:$0x6] =	wrdreg s1;
	s0 =	sadd.s32 $0x0, s0  }
0x15: {  	[tilespmem:s2], [sflag:$0x2] =	stream.linear.gather [hbm4b:s0+s2], $0x10, $0x38;
	[tilespmem:$0x8080] =	vst v63  }
0x16: {  	_ =	swait.ge [sflag:s13], $0x10  }
0x17: {  	[sflag:s13] =	ssyncset.done $0x0  }
0x18: {  	[sflag:s13] =	ssyncadd.s32 $0xFFFFFFF0  }
0x19: {  	v3 =	vld [tilespmem:$0x0];
	_ =	sdelay $0x4  }
0x1a: {  	v4 =	vshll.u32 v3, $0x4  }
0x1b: {  	v3 =	vand.u32 $0x7, v3;
	v4 =	vand.u32 $0xFFFFFF80, v4  }
0x1c: {  	v3 =	vor.u32 v3, v4  }
0x1d: {  	v4 =	vperm.xlane v3, v0;
	_ =	sdelay $0x1  }
0x1e: {  	v4 =	vadd.s32 v1, v4;
	_ =	sdelay $0x4  }
0x1f: {  	[tilespmem:s14], [sflag:$0x1] =	stream.indirect_vreg.gather [hbm4b:s3+s2], $0x80, v4, vm0, $0xb8;
	[tilespmem:$0x8080] =	vst v63  }
0x20: {  	s31 =	rddreg [dreg:$0x3]  }
0x21: {  	[tilespmem:s31], [sflag:$0x1] =	stream.indirect_vreg.gather [hbm4b:s4+s2], $0x80, v4, vm0, $0xb8;
	[tilespmem:$0x8080] =	vst v63  }
0x22: {  	_ = 	snop  }
0x23: {  	[tilespmem:s15], [sflag:$0x1] =	stream.indirect_vreg.gather [hbm4b:s5+s2], $0x80, v4, vm0, $0xb8;
	[tilespmem:$0x8080] =	vst v63  }
0x24: {  	_ = 	snop  }
0x25: {  	[tilespmem:s16], [sflag:$0x1] =	stream.indirect_vreg.gather [hbm4b:s6+s2], $0x80, v4, vm0, $0xb8;
	[tilespmem:$0x8080] =	vst v63  }
0x26: {  	_ = 	snop  }
0x27: {  	[tilespmem:s17], [sflag:$0x1] =	stream.indirect_vreg.gather [hbm4b:s7+s2], $0x80, v4, vm0, $0xb8;
	[tilespmem:$0x8080] =	vst v63  }
0x28: {  	v3 =	vperm.xlane v3, v2  }
0x29: {  	[tilespmem:s18], [sflag:$0x1] =	stream.indirect_vreg.gather [hbm4b:s8+s2], $0x80, v4, vm0, $0xb8;
	[tilespmem:$0x8080] =	vst v63  }
0x2a: {  	v3 =	vadd.s32 v1, v3  }
0x2b: {  	[tilespmem:s19], [sflag:$0x1] =	stream.indirect_vreg.gather [hbm4b:s9+s2], $0x80, v4, vm0, $0xb8;
	[tilespmem:$0x8080] =	vst v63  }
0x2c: {  	_ = 	snop  }
0x2d: {  	[tilespmem:s20], [sflag:$0x1] =	stream.indirect_vreg.gather [hbm4b:s10+s2], $0x80, v4, vm0, $0xb8;
	[tilespmem:$0x8080] =	vst v63  }
0x2e: {  	_ = 	snop  }
0x2f: {  	[tilespmem:s21], [sflag:$0x1] =	stream.indirect_vreg.gather [hbm4b:s3+s2], $0x80, v3, vm0, $0xb8;
	[tilespmem:$0x8080] =	vst v63  }
0x30: {  	_ = 	snop  }
0x31: {  	[tilespmem:s22], [sflag:$0x1] =	stream.indirect_vreg.gather [hbm4b:s4+s2], $0x80, v3, vm0, $0xb8;
	[tilespmem:$0x8080] =	vst v63  }
0x32: {  	_ = 	snop  }
0x33: {  	[tilespmem:s23], [sflag:$0x1] =	stream.indirect_vreg.gather [hbm4b:s5+s2], $0x80, v3, vm0, $0xb8;
	[tilespmem:$0x8080] =	vst v63  }
0x34: {  	_ = 	snop  }
0x35: {  	[tilespmem:s24], [sflag:$0x1] =	stream.indirect_vreg.gather [hbm4b:s6+s2], $0x80, v3, vm0, $0xb8;
	[tilespmem:$0x8080] =	vst v63  }
0x36: {  	_ = 	snop  }
0x37: {  	[tilespmem:s25], [sflag:$0x1] =	stream.indirect_vreg.gather [hbm4b:s7+s2], $0x80, v3, vm0, $0xb8;
	[tilespmem:$0x8080] =	vst v63  }
0x38: {  	_ = 	snop  }
0x39: {  	[tilespmem:s26], [sflag:$0x1] =	stream.indirect_vreg.gather [hbm4b:s8+s2], $0x80, v3, vm0, $0xb8;
	[tilespmem:$0x8080] =	vst v63  }
0x3a: {  	_ = 	snop  }
0x3b: {  	[tilespmem:s28], [sflag:$0x1] =	stream.indirect_vreg.gather [hbm4b:s9+s2], $0x80, v3, vm0, $0xb8;
	[tilespmem:$0x8080] =	vst v63  }
0x3c: {  	_ = 	snop  }
0x3d: {  	[tilespmem:s29], [sflag:$0x1] =	stream.indirect_vreg.gather [hbm4b:s10+s2], $0x80, v3, vm0, $0xb8;
	[tilespmem:$0x8080] =	vst v63  }
0x3e: {  	_ =	swait.ge [sflag:s30], $0x8000  }
0x3f: {  	[sflag:s30] =	ssyncset.done $0x0  }
0x40: {  	s12 =	rddreg [dreg:$0x5];
	[sflag:s30] =	ssyncadd.s32 $0xFFFF8000  }
0x41: {  	[hbm4b:s12+s2] =	stream.linear.scatter [tilespmem:s14], [sflag:$0x2], $0x8000, $0x38;
	[tilespmem:$0x8080] =	vst v63  }
0x42: {  	s1 =	simm.s32 $0x2;
	_ =	swait.ge [sflag:s13], $0x8000  }
0x43: {  	s11 =	simm.s32 $0x4;
	s0 =	rddreg [dreg:$0x2];
	[sflag:s13] =	ssyncset.done $0x0  }
.LBB2_2:
0x44: {  	[sflag:s13] =	ssyncadd.s32 $0xFFFF8000;
	s0 =	sadd.s32 s1, s0  }
0x45: {  	[tilespmem:s2], [sflag:$0x2] =	stream.linear.gather [hbm4b:s0+s2], $0x10, $0x38;
	[tilespmem:$0x8080] =	vst v63  }
0x46: {  	_ =	swait.ge [sflag:s13], $0x10  }
0x47: {  	[sflag:s13] =	ssyncset.done $0x0  }
0x48: {  	[sflag:s13] =	ssyncadd.s32 $0xFFFFFFF0  }
0x49: {  	v3 =	vld [tilespmem:$0x0];
	_ =	sdelay $0x4  }
0x4a: {  	v4 =	vshll.u32 v3, $0x4  }
0x4b: {  	v3 =	vand.u32 $0x7, v3;
	v4 =	vand.u32 $0xFFFFFF80, v4  }
0x4c: {  	v3 =	vor.u32 v3, v4  }
0x4d: {  	v4 =	vperm.xlane v3, v0;
	_ =	sdelay $0x1  }
0x4e: {  	v4 =	vadd.s32 v1, v4;
	_ =	sdelay $0x3  }
0x4f: {  	s31 =	smov.u32 s11  }
0x50: {  	[tilespmem:s14], [sflag:$0x1] =	stream.indirect_vreg.gather [hbm4b:s3+s2], $0x80, v4, vm0, $0xb8;
	[tilespmem:$0x8080] =	vst v63  }
0x51: {  	s1 =	smov.u32 s31;
	s31 =	rddreg [dreg:$0x3]  }
0x52: {  	[tilespmem:s31], [sflag:$0x1] =	stream.indirect_vreg.gather [hbm4b:s4+s2], $0x80, v4, vm0, $0xb8;
	[tilespmem:$0x8080] =	vst v63  }
0x53: {  	_ = 	snop  }
0x54: {  	[tilespmem:s15], [sflag:$0x1] =	stream.indirect_vreg.gather [hbm4b:s5+s2], $0x80, v4, vm0, $0xb8;
	[tilespmem:$0x8080] =	vst v63  }
0x55: {  	_ = 	snop  }
0x56: {  	[tilespmem:s16], [sflag:$0x1] =	stream.indirect_vreg.gather [hbm4b:s6+s2], $0x80, v4, vm0, $0xb8;
	[tilespmem:$0x8080] =	vst v63  }
0x57: {  	_ = 	snop  }
0x58: {  	[tilespmem:s17], [sflag:$0x1] =	stream.indirect_vreg.gather [hbm4b:s7+s2], $0x80, v4, vm0, $0xb8;
	[tilespmem:$0x8080] =	vst v63  }
0x59: {  	v3 =	vperm.xlane v3, v2  }
0x5a: {  	[tilespmem:s18], [sflag:$0x1] =	stream.indirect_vreg.gather [hbm4b:s8+s2], $0x80, v4, vm0, $0xb8;
	[tilespmem:$0x8080] =	vst v63  }
0x5b: {  	v3 =	vadd.s32 v1, v3  }
0x5c: {  	[tilespmem:s19], [sflag:$0x1] =	stream.indirect_vreg.gather [hbm4b:s9+s2], $0x80, v4, vm0, $0xb8;
	[tilespmem:$0x8080] =	vst v63  }
0x5d: {  	_ = 	snop  }
0x5e: {  	[tilespmem:s20], [sflag:$0x1] =	stream.indirect_vreg.gather [hbm4b:s10+s2], $0x80, v4, vm0, $0xb8;
	[tilespmem:$0x8080] =	vst v63  }
0x5f: {  	_ = 	snop  }
0x60: {  	[tilespmem:s21], [sflag:$0x1] =	stream.indirect_vreg.gather [hbm4b:s3+s2], $0x80, v3, vm0, $0xb8;
	[tilespmem:$0x8080] =	vst v63  }
0x61: {  	_ = 	snop  }
0x62: {  	[tilespmem:s22], [sflag:$0x1] =	stream.indirect_vreg.gather [hbm4b:s4+s2], $0x80, v3, vm0, $0xb8;
	[tilespmem:$0x8080] =	vst v63  }
0x63: {  	_ = 	snop  }
0x64: {  	[tilespmem:s23], [sflag:$0x1] =	stream.indirect_vreg.gather [hbm4b:s5+s2], $0x80, v3, vm0, $0xb8;
	[tilespmem:$0x8080] =	vst v63  }
0x65: {  	_ = 	snop  }
0x66: {  	[tilespmem:s24], [sflag:$0x1] =	stream.indirect_vreg.gather [hbm4b:s6+s2], $0x80, v3, vm0, $0xb8;
	[tilespmem:$0x8080] =	vst v63  }
0x67: {  	_ = 	snop  }
0x68: {  	[tilespmem:s25], [sflag:$0x1] =	stream.indirect_vreg.gather [hbm4b:s7+s2], $0x80, v3, vm0, $0xb8;
	[tilespmem:$0x8080] =	vst v63  }
0x69: {  	_ = 	snop  }
0x6a: {  	[tilespmem:s26], [sflag:$0x1] =	stream.indirect_vreg.gather [hbm4b:s8+s2], $0x80, v3, vm0, $0xb8;
	[tilespmem:$0x8080] =	vst v63  }
0x6b: {  	_ = 	snop  }
0x6c: {  	[tilespmem:s28], [sflag:$0x1] =	stream.indirect_vreg.gather [hbm4b:s9+s2], $0x80, v3, vm0, $0xb8;
	[tilespmem:$0x8080] =	vst v63  }
0x6d: {  	_ = 	snop  }
0x6e: {  	[tilespmem:s29], [sflag:$0x1] =	stream.indirect_vreg.gather [hbm4b:s10+s2], $0x80, v3, vm0, $0xb8;
	[tilespmem:$0x8080] =	vst v63  }
0x6f: {  	p0 =	sne.s32 s11, $0x6;
	_ =	swait.ge [sflag:s30], $0x8000  }
.Ltmp0:
0x70: {  	[sflag:s30] =	ssyncset.done $0x0;
	(pc) =	sbr.rel @p0 .LBB2_2-.Ltmp0, $4  }
0x71: {  	s12 =	sadd.s32 $0x1000, s12;
	[sflag:s30] =	ssyncadd.s32 $0xFFFF8000  }
0x72: {  	[hbm4b:s12+s2] =	stream.linear.scatter [tilespmem:s14], [sflag:$0x2], $0x8000, $0x38;
	[tilespmem:$0x8080] =	vst v63  }
0x73: {  	_ =	swait.ge [sflag:s13], $0x8000  }
0x74: {  	s11 =	sadd.s32 $0x2, s11;
	s0 =	rddreg [dreg:$0x2];
	[sflag:s13] =	ssyncset.done $0x0  }
0x75: {  	s0 =	sadd.s32 s1, s0;
	[sflag:s13] =	ssyncadd.s32 $0xFFFF8000  }
0x76: {  	[tilespmem:s2], [sflag:$0x2] =	stream.linear.gather [hbm4b:s0+s2], $0x10, $0x38;
	[tilespmem:$0x8080] =	vst v63  }
0x77: {  	_ =	swait.ge [sflag:s13], $0x10  }
0x78: {  	[sflag:s13] =	ssyncset.done $0x0  }
0x79: {  	[sflag:s13] =	ssyncadd.s32 $0xFFFFFFF0  }
0x7a: {  	v3 =	vld [tilespmem:$0x0];
	_ =	sdelay $0x4  }
0x7b: {  	v4 =	vshll.u32 v3, $0x4  }
0x7c: {  	v3 =	vand.u32 $0x7, v3;
	v4 =	vand.u32 $0xFFFFFF80, v4  }
0x7d: {  	v3 =	vor.u32 v3, v4  }
0x7e: {  	v4 =	vperm.xlane v3, v0;
	_ =	sdelay $0x1  }
0x7f: {  	v4 =	vadd.s32 v1, v4;
	_ =	sdelay $0x4  }
0x80: {  	[tilespmem:s14], [sflag:$0x1] =	stream.indirect_vreg.gather [hbm4b:s3+s2], $0x80, v4, vm0, $0xb8;
	[tilespmem:$0x8080] =	vst v63  }
0x81: {  	s1 =	rddreg [dreg:$0x3]  }
0x82: {  	[tilespmem:s1], [sflag:$0x1] =	stream.indirect_vreg.gather [hbm4b:s4+s2], $0x80, v4, vm0, $0xb8;
	[tilespmem:$0x8080] =	vst v63  }
0x83: {  	_ = 	snop  }
0x84: {  	[tilespmem:s15], [sflag:$0x1] =	stream.indirect_vreg.gather [hbm4b:s5+s2], $0x80, v4, vm0, $0xb8;
	[tilespmem:$0x8080] =	vst v63  }
0x85: {  	_ = 	snop  }
0x86: {  	[tilespmem:s16], [sflag:$0x1] =	stream.indirect_vreg.gather [hbm4b:s6+s2], $0x80, v4, vm0, $0xb8;
	[tilespmem:$0x8080] =	vst v63  }
0x87: {  	_ = 	snop  }
0x88: {  	[tilespmem:s17], [sflag:$0x1] =	stream.indirect_vreg.gather [hbm4b:s7+s2], $0x80, v4, vm0, $0xb8;
	[tilespmem:$0x8080] =	vst v63  }
0x89: {  	v3 =	vperm.xlane v3, v2  }
0x8a: {  	[tilespmem:s18], [sflag:$0x1] =	stream.indirect_vreg.gather [hbm4b:s8+s2], $0x80, v4, vm0, $0xb8;
	[tilespmem:$0x8080] =	vst v63  }
0x8b: {  	v3 =	vadd.s32 v1, v3  }
0x8c: {  	[tilespmem:s19], [sflag:$0x1] =	stream.indirect_vreg.gather [hbm4b:s9+s2], $0x80, v4, vm0, $0xb8;
	[tilespmem:$0x8080] =	vst v63  }
0x8d: {  	_ = 	snop  }
0x8e: {  	[tilespmem:s20], [sflag:$0x1] =	stream.indirect_vreg.gather [hbm4b:s10+s2], $0x80, v4, vm0, $0xb8;
	[tilespmem:$0x8080] =	vst v63  }
0x8f: {  	_ = 	snop  }
0x90: {  	[tilespmem:s21], [sflag:$0x1] =	stream.indirect_vreg.gather [hbm4b:s3+s2], $0x80, v3, vm0, $0xb8;
	[tilespmem:$0x8080] =	vst v63  }
0x91: {  	_ = 	snop  }
0x92: {  	[tilespmem:s22], [sflag:$0x1] =	stream.indirect_vreg.gather [hbm4b:s4+s2], $0x80, v3, vm0, $0xb8;
	[tilespmem:$0x8080] =	vst v63  }
0x93: {  	_ = 	snop  }
0x94: {  	[tilespmem:s23], [sflag:$0x1] =	stream.indirect_vreg.gather [hbm4b:s5+s2], $0x80, v3, vm0, $0xb8;
	[tilespmem:$0x8080] =	vst v63  }
0x95: {  	_ = 	snop  }
0x96: {  	[tilespmem:s24], [sflag:$0x1] =	stream.indirect_vreg.gather [hbm4b:s6+s2], $0x80, v3, vm0, $0xb8;
	[tilespmem:$0x8080] =	vst v63  }
0x97: {  	_ = 	snop  }
0x98: {  	[tilespmem:s25], [sflag:$0x1] =	stream.indirect_vreg.gather [hbm4b:s7+s2], $0x80, v3, vm0, $0xb8;
	[tilespmem:$0x8080] =	vst v63  }
0x99: {  	_ = 	snop  }
0x9a: {  	[tilespmem:s26], [sflag:$0x1] =	stream.indirect_vreg.gather [hbm4b:s8+s2], $0x80, v3, vm0, $0xb8;
	[tilespmem:$0x8080] =	vst v63  }
0x9b: {  	_ = 	snop  }
0x9c: {  	[tilespmem:s28], [sflag:$0x1] =	stream.indirect_vreg.gather [hbm4b:s9+s2], $0x80, v3, vm0, $0xb8;
	[tilespmem:$0x8080] =	vst v63  }
0x9d: {  	_ = 	snop  }
0x9e: {  	[tilespmem:s29], [sflag:$0x1] =	stream.indirect_vreg.gather [hbm4b:s10+s2], $0x80, v3, vm0, $0xb8;
	[tilespmem:$0x8080] =	vst v63  }
0x9f: {  	_ =	swait.ge [sflag:s30], $0x8000  }
0xa0: {  	[sflag:s30] =	ssyncset.done $0x0  }
0xa1: {  	s11 =	sadd.s32 $0x1000, s12;
	[sflag:s30] =	ssyncadd.s32 $0xFFFF8000  }
0xa2: {  	[hbm4b:s11+s2] =	stream.linear.scatter [tilespmem:s14], [sflag:$0x2], $0x8000, $0x38;
	[tilespmem:$0x8080] =	vst v63  }
0xa3: {  	_ =	swait.ge [sflag:s13], $0x8000  }
0xa4: {  	s12 =	rddreg [dreg:$0x6]  }
0xa5: {  	s31 =	rddreg [dreg:$0x4];
	s1 =	sadd.s32 $0x1, s12  }
0xa6: {  	p0 =	sne.s32 s1, s31  }
.Ltmp1:
0xa7: {  	_ = 	snop;
	(pc) =	sbr.rel @p0 .LBB2_1-.Ltmp1, $3  }
0xa8: {  	_ =	sdelay $0x1  }
0xa9: {  	[sflag:s13] =	ssyncset.done $0x0  }
0xaa: {  	[sflag:s13] =	ssyncadd.s32 $0xFFFF8000  }
0xab: {  	_ =	sfence.sel $0x180000  }
0xac: {  	[bflag:$0x0] =	sbarrier.arrive $0xFFFF  }
0xad: {  	_ =	strace $0x90000053  }
0xae: {  	s0 =	stileid.u32;
	[bflag:$0x2] =	sbarrier.arrive $0xFFFF  }
0xaf: {  	p0 =	sne.s32 s0, $0x0;
	s0 =	rddreg [dreg:$0x1]  }
0xb0: {  	s0 =	sadd.s32 @!p0 $0x100000, s0  }
0xb1: {  	[sflag:s0] =	ssyncadd.tile.s32 @!p0 $0x1;
	_ =	shalt  }
.Lfunc_end2:
_tile_overlayer_lowered:
.L_overlay_start_2:
0xb2: {  	(tag) =	ssettag $0x2  }
0xb3: {  	s0 =	rddreg [dreg:$0x0];
	s2 =	stileid.u32  }
0xb4: {  	s1 =	rddreg [dreg:$0x1];
	p0 =	sne.s32 s2, $0x0  }
0xb5: {  	s3 =	rddreg [dreg:$0x2];
	[bflag:$0x3] =	sbarrier.arrive $0xFFFF;
	s2 =	simm.s32 @!p0 $0x1C02  }
0xb6: {  	[timem:s3], [sflag:s2] =	dma.local @!p0 [hbm:s0], s1  }
0xb7: {  	s0 =	simm.s32 @!p0 $0x2  }
0xb8: {  	_ =	swait.ge @!p0 [sflag:s0], s1  }
0xb9: {  	s1 =	ssub.s32 @!p0 $0x0, s1;
	[sflag:s0] =	ssyncset.done @!p0 $0x0  }
0xba: {  	[sflag:s0] =	ssyncadd.s32 @!p0 s1  }
0xbb: {  	[bflag:$0x3] =	sbarrier.arrive $0xFFFF  }
0xbc: {  	_ =	shalt  }

// kernel: kernel.8.cloned.1.call-start
scs
__scs_entry_jumppad:
0x0: {  	(pc) =	sbr.rel $0x88, $3  }
0x1: {  	(tag) =	ssettag $0x0;
	lr =	simm.s32 $0x1  }
0x2: {  	[smem:$0x3F98] =	sst lr;
	_ =	strace $0xD0000000  }
0x3: {  	_ = 	snop  }
0x4: {  	_ = 	snop  }
0x5: {  	_ = 	snop  }
0x6: {  	_ = 	snop  }
0x7: {  	_ = 	snop  }
__scs_overlays_trampoline_lowered:
0x8: {  	[smem:$0x3FA7] =	sst s0  }
0x9: {  	[smem:$0x3FA8] =	sst s1  }
0xa: {  	[smem:$0x3FA9] =	sst s2  }
0xb: {  	[smem:$0x3FAA] =	sst s3  }
0xc: {  	[smem:$0x3FAB] =	sst s4  }
0xd: {  	[smem:$0x3FAC] =	sst s5  }
0xe: {  	[smem:$0x3FAD] =	sst s6  }
0xf: {  	[smem:$0x3FAE] =	sst s7  }
0x10: {  	[smem:$0x3FAF] =	sst s8  }
0x11: {  	[smem:$0x3FB0] =	sst s9;
	s0 =	simm.s32 @!p0 $0x0  }
0x12: {  	s1 =	sld [smem:$0x3F96];
	s0 =	simm.s32 @p0 $0x1  }
0x13: {  	[smem:$0x3FB1] =	sst s0;
	s0 =	simm.s32 @!p1 $0x0  }
0x14: {  	s2 =	sld [smem:$0x3F95];
	s0 =	simm.s32 @p1 $0x1  }
0x15: {  	[smem:$0x3FB2] =	sst s0;
	s0 =	simm.s32 @!p2 $0x0  }
0x16: {  	s3 =	sld [smem:$0x3FDB];
	s0 =	simm.s32 @p2 $0x1  }
0x17: {  	s4 =	simm.s32 $0x1BF5;
	[smem:$0x3FB4] =	sst s0  }
0x18: {  	s0 =	sld [smem:$0x3F97];
	_ =	swait.ge [sflag:s4], $0x0  }
0x19: {  	s7 =	sld [smem:$0x3F98]  }
0x1a: {  	s8 =	sadd.s32 $0xFFFFE003, lr  }
0x1b: {  	s9 =	sadd.s32 $0xFFFFFEF7, lr;
	s5 =	simm.s32 $0xFFFFFFFF;
	p2 =	slt.u32 s8, $0xFFFFF086  }
0x1c: {  	p1 =	slt.u32 s9, $0xF7A;
	s5 =	simm.s32 @!p2 $0x0  }
0x1d: {  	s5 =	simm.s32 @p1 $0x1;
	p0 =	seq.s32 s7, s2  }
0x1e: {  	s7 =	smul.u32 @!p0 $0xF7A, s2;
	p2 =	seq.s32 @!p0 s5, $0x0  }
0x1f: {  	s9 =	smul.u32 $0xF7A, s1;
	s8 =	simm.s32 @!p0 $0x1BF5;
	p2 =	por !p2, p0  }
0x20: {  	[sflag:s8] =	ssyncset.s32 @!p0 $0xFFFFF086;
	s6 =	sadd.s32 @!p0 s3, s7;
	s7 =	simm.s32 @!p0 $0x108  }
0x21: {  	s3 =	sadd.s32 s3, s9;
	s6 =	sadd.s32 @!p0 $0x88, s6;
	s7 =	simm.s32 @p2 $0x1082  }
0x22: {  	[simem:s7], [sflag:s8] =	dma.local @!p0 [hbm:s6], $0xF7A  }
0x23: {  	s9 =	sor.u32 $0xD0000000, s2;
	s6 =	simm.s32 $0x108;
	_ =	swait.ge @!p0 [sflag:s8], $0x0  }
0x24: {  	s3 =	sadd.s32 $0x88, s3;
	s6 =	simm.s32 @!p1 $0x1082;
	[sflag:s4] =	ssyncset.s32 $0xFFFFF086  }
0x25: {  	[simem:s6], [sflag:s4] =	dma.local [hbm:s3], $0xF7A  }
0x26: {  	[smem:$0x3F98] =	sst s1;
	(tag) =	ssettag s2;
	_ =	strace s9  }
0x27: {  	s1 =	sld [smem:$0x3FA8]  }
0x28: {  	s2 =	sld [smem:$0x3FA9]  }
0x29: {  	s4 =	sld [smem:$0x3FAB]  }
0x2a: {  	p0 =	seq.s32 s5, $0x0;
	s5 =	sld [smem:$0x3FAC]  }
0x2b: {  	s6 =	sld [smem:$0x3FAD]  }
0x2c: {  	s7 =	sld [smem:$0x3FAE]  }
0x2d: {  	s3 =	simm.s32 $0x108;
	s8 =	sld [smem:$0x3FAF]  }
0x2e: {  	s3 =	simm.s32 @!p0 $0x1082;
	s9 =	sld [smem:$0x3FB0]  }
0x2f: {  	lr =	sadd.s32 s0, s3;
	s0 =	sld [smem:$0x3FA7]  }
0x30: {  	s3 =	sld [smem:$0x3FAA]  }
0x31: {  	[smem:$0x3FB3] =	sst s10  }
0x32: {  	s10 =	sld [smem:$0x3FB1];
	_ =	sdelay $0x3  }
0x33: {  	p0 =	seq.s32 s10, $0x1;
	s10 =	sld [smem:$0x3FB3];
	_ =	sdelay $0x3  }
0x34: {  	[smem:$0x3FB3] =	sst s10  }
0x35: {  	s10 =	sld [smem:$0x3FB2];
	_ =	sdelay $0x3  }
0x36: {  	p1 =	seq.s32 s10, $0x1;
	s10 =	sld [smem:$0x3FB3];
	_ =	sdelay $0x3  }
0x37: {  	[smem:$0x3FB3] =	sst s10  }
0x38: {  	s10 =	sld [smem:$0x3FB4]  }
0x39: {  	_ = 	snop;
	(pc) =	sbr.ind lr, $3  }
0x3a: {  	_ = 	snop  }
0x3b: {  	_ = 	snop  }
0x3c: {  	p2 =	seq.s32 s10, $0x1;
	s10 =	sld [smem:$0x3FB3]  }
0x3d: {  	_ =	shalt  }
0x3e: {  	_ =	shalt  }
0x3f: {  	_ =	shalt  }
0x40: {  	_ =	shalt  }
0x41: {  	_ =	shalt  }
0x42: {  	_ =	shalt  }
0x43: {  	_ =	shalt  }
0x44: {  	_ =	shalt  }
0x45: {  	_ =	shalt  }
0x46: {  	_ =	shalt  }
0x47: {  	_ =	shalt  }
0x48: {  	_ =	shalt  }
0x49: {  	_ =	shalt  }
0x4a: {  	_ =	shalt  }
0x4b: {  	_ =	shalt  }
0x4c: {  	_ =	shalt  }
0x4d: {  	_ =	shalt  }
0x4e: {  	_ =	shalt  }
0x4f: {  	_ =	shalt  }
0x50: {  	_ =	shalt  }
0x51: {  	_ =	shalt  }
0x52: {  	_ =	shalt  }
0x53: {  	_ =	shalt  }
0x54: {  	_ =	shalt  }
0x55: {  	_ =	shalt  }
0x56: {  	_ =	shalt  }
0x57: {  	_ =	shalt  }
0x58: {  	_ =	shalt  }
0x59: {  	_ =	shalt  }
0x5a: {  	_ =	shalt  }
0x5b: {  	_ =	shalt  }
0x5c: {  	_ =	shalt  }
0x5d: {  	_ =	shalt  }
0x5e: {  	_ =	shalt  }
0x5f: {  	_ =	shalt  }
0x60: {  	_ =	shalt  }
0x61: {  	_ =	shalt  }
0x62: {  	_ =	shalt  }
0x63: {  	_ =	shalt  }
0x64: {  	_ =	shalt  }
0x65: {  	_ =	shalt  }
0x66: {  	_ =	shalt  }
0x67: {  	_ =	shalt  }
0x68: {  	_ =	shalt  }
0x69: {  	_ =	shalt  }
0x6a: {  	_ =	shalt  }
0x6b: {  	_ =	shalt  }
0x6c: {  	_ =	shalt  }
0x6d: {  	_ =	shalt  }
0x6e: {  	_ =	shalt  }
0x6f: {  	_ =	shalt  }
0x70: {  	_ =	shalt  }
0x71: {  	_ =	shalt  }
0x72: {  	_ =	shalt  }
0x73: {  	_ =	shalt  }
0x74: {  	_ =	shalt  }
0x75: {  	_ =	shalt  }
0x76: {  	_ =	shalt  }
0x77: {  	_ =	shalt  }
0x78: {  	_ =	shalt  }
0x79: {  	_ =	shalt  }
0x7a: {  	_ =	shalt  }
0x7b: {  	_ =	shalt  }
0x7c: {  	_ =	shalt  }
0x7d: {  	_ =	shalt  }
0x7e: {  	_ =	shalt  }
0x7f: {  	_ =	shalt  }
0x80: {  	_ =	shalt  }
0x81: {  	_ =	shalt  }
0x82: {  	_ =	shalt  }
0x83: {  	_ =	shalt  }
0x84: {  	_ =	shalt  }
0x85: {  	_ =	shalt  }
0x86: {  	_ =	shalt  }
0x87: {  	_ =	shalt  }
.Lfunc_end0:
.L_simem_size_0:
called_computation.3_lowered:
.L_overlay_start_0:
0x88: {  	s2 =	sld [smem:$0x3FD9]  }
0x89: {  	s3 =	sld [smem:$0x3FFE];
	_ =	sdelay $0x1  }
0x8a: {  	s1 =	srdreg.scid  }
0x8b: {  	s0 =	sand.u32 $0x1, s1  }
0x8c: {  	s15 =	sshll.u32 s0, $0xA;
	s2 =	sadd.s32 s3, s2  }
0x8d: {  	s2 =	sadd.s32 s2, s15  }
0x8e: {  	[smem:$0x3FBF] =	sst s2  }
0x8f: {  	_ = 	snop  }
0x90: {  	s16 =	sld [smem:$0x3FD0];
	_ =	sdelay $0x2  }
0x91: {  	s4 =	simm.s32 $0xB;
	s5 =	simm.s32 $0x10;
	s2 =	sld [smem:$0x3FC9]  }
0x92: {  	[smem:s5], [sflag:s4] =	dma.local [hbm:s16], $0x1  }
0x93: {  	_ =	swait.eq [sflag:s4], $0x1  }
0x94: {  	[sflag:s4] =	ssyncset.done $0x0  }
0x95: {  	[sflag:s4] =	ssyncadd.s32 $0xFFFFFFFF  }
0x96: {  	s17 =	sld [smem:$0x11];
	(tm) =	ssettm $0x1  }
0x97: {  	s18 =	sld [smem:$0x3FFB];
	_ =	sdelay $0x3  }
0x98: {  	_ =	strace s18  }
0x99: {  	s3 =	sld [smem:$0x3FFC];
	_ =	sdelay $0x3  }
0x9a: {  	_ =	strace s3  }
0x9b: {  	s3 =	sld [smem:$0x3FFD];
	_ =	sdelay $0x3  }
0x9c: {  	_ =	strace s3  }
0x9d: {  	_ =	strace $0x8FFFFFFF  }
0x9e: {  	s19 =	sld [smem:$0x3FDB];
	_ =	sdelay $0x1  }
0x9f: {  	s20 =	simm.s32 $_scs_section_size  }
0xa0: {  	s6 =	simm.s32 $_size__tile_overlayer_lowered;
	s7 =	simm.s32 $_tile_overlayer_lowered  }
0xa1: {  	s8 =	simm.s32 $0x1BFF;
	s21 =	sshll.u32 s7, $0x1;
	s5 =	sadd.s32 s20, s19  }
0xa2: {  	s22 =	simm.s32 $0x0;
	s6 =	sshll.u32 s6, $0x1;
	s7 =	sadd.s32 s21, s5  }
0xa3: {  	[timem:s22], [sflag:s8] =	dma.local [hbm:s7], s6  }
0xa4: {  	_ =	swait.ge [sflag:s8], s6  }
0xa5: {  	s6 =	ssub.s32 $0x0, s6;
	[sflag:s8] =	ssyncset.done $0x0  }
0xa6: {  	[sflag:s8] =	ssyncadd.s32 s6;
	_ =	sdelay $0x1  }
0xa7: {  	s23 =	simm.s32 $0x1B8B  }
0xa8: {  	_ =	swait.ge [sflag:s23], $0x1  }
0xa9: {  	[sflag:s23] =	ssyncset.done $0x0  }
0xaa: {  	[sflag:s23] =	ssyncadd.s32 $0xFFFFFFFF  }
0xab: {  	s6 =	sld [smem:$0x0]  }
0xac: {  	s7 =	sand.u32 $0xFFFFFFFE, s1  }
0xad: {  	p0 =	sne.s32 s1, s7  }
0xae: {  	s7 =	sshll.u32 @p0 s7, $0xE  }
0xaf: {  	s7 =	sadd.s32 @p0 $0x11B8D, s7;
	s8 =	sshll.u32 @p0 s6, $0x11  }
0xb0: {  	s7 =	sor.u32 @p0 s8, s7  }
0xb1: {  	[sflag:s7] =	ssyncadd.remote.s32 @p0 $0x1;
	_ =	sdelay $0x1  }
0xb2: {  	s7 =	simm.s32 @p0 $0x1B8D  }
0xb3: {  	_ =	swait.eq @p0 [sflag:s7], $0x1  }
0xb4: {  	[sflag:s7] =	ssyncadd.s32 @p0 $0xFFFFFFFF  }
0xb5: {  	s8 =	sshll.u32 @!p0 s1, $0xE  }
0xb6: {  	s8 =	sor.u32 @!p0 $0x4000, s8;
	s7 =	simm.s32 @!p0 $0x1B8D  }
0xb7: {  	s6 =	sshll.u32 @!p0 s6, $0x11;
	s8 =	sadd.s32 @!p0 $0x11B8D, s8;
	_ =	swait.eq @!p0 [sflag:s7], $0x1  }
0xb8: {  	s6 =	sor.u32 @!p0 s6, s8;
	[sflag:s7] =	ssyncadd.s32 @!p0 $0xFFFFFFFF  }
0xb9: {  	s25 =	simm.s32 $0x1B8E;
	s24 =	sld [smem:$0x3FFE];
	[sflag:s6] =	ssyncadd.remote.s32 @!p0 $0x1  }
0xba: {  	s26 =	simm.s32 $execute0_lowered;
	[smem:$0x3FD2] =	sst s25  }
0xbb: {  	s7 =	sshll.u32 s26, $0x1;
	_ =	strace $0x8000004F;
	[dreg:$0x1] =	wrdreg $0xFFFFFFFF  }
0xbc: {  	s28 =	simm.s32 $_size_execute0_lowered;
	s5 =	sadd.s32 s5, s7;
	[dreg:$0x0] =	wrdreg $0x0  }
0xbd: {  	s7 =	sshll.u32 s28, $0x1;
	[dreg:$0x2] =	wrdreg s5  }
0xbe: {  	[dreg:$0x3] =	wrdreg s7  }
0xbf: {  	[dreg:$0x4] =	wrdreg $0xC0  }
0xc0: {  	_ =	task [dreg:s22], $0x5FFFF  }
0xc1: {  	[dreg:$0x1] =	wrdreg $0xFFFFFFFF  }
0xc2: {  	[dreg:$0x0] =	wrdreg $0x60  }
0xc3: {  	[dreg:$0x2] =	wrdreg s2  }
0xc4: {  	[dreg:$0x3] =	wrdreg s17  }
0xc5: {  	[dreg:$0x4] =	wrdreg s24  }
0xc6: {  	[dreg:$0x5] =	wrdreg $0xA  }
0xc7: {  	_ =	task.clear_ibuf [dreg:s22], $0x6FFFF;
	_ =	strace $0x9000004F  }
0xc8: {  	s29 =	simm.s32 $0xA;
	_ =	strace $0x80000051  }
0xc9: {  	_ =	swait.ge [sflag:s29], $0x1  }
0xca: {  	[sflag:s29] =	ssyncadd.s32 $0xFFFFFFFF  }
0xcb: {  	_ =	strace $0x90000051  }
0xcc: {  	_ =	sfence  }
0xcd: {  	s30 =	sld [smem:$0x0];
	_ =	sdelay $0x2  }
0xce: {  	s31 =	sshll.u32 s1, $0xD;
	s1 =	sshrl.u32 s1, $0x2  }
0xcf: {  	s4 =	sand.u32 $0x4000, s31;
	s1 =	sadd.s32 s1, s30  }
0xd0: {  	s0 =	sor.u32 s4, s0;
	s1 =	sshll.u32 s1, $0x11  }
0xd1: {  	s0 =	sor.u32 s1, s0  }
0xd2: {  	s0 =	sadd.s32 $0x8F2B, s0  }
0xd3: {  	[sflag:s0] =	ssyncadd.remote.s32 $0x1  }
0xd4: {  	_ =	sfence.sel $0xFFFF  }
0xd5: {  	[dreg:$0x0] =	wrdreg $0xFFFFFFFF;
	(pc) =	sbr.abs _section_cstart, $3  }
0xd6: {  	[dreg:$0x1] =	wrdreg $0xFFFFFFFF  }
0xd7: {  	_ =	task.clear_ibuf [dreg:s22], $0x2FFFF;
	_ =	strace $0x9FFFFFFF  }
0xd8: {  	(tm) =	ssettm $0x7FFFFFFF  }
0xd9: {  	_ =	shalt  }
tec
execute0_lowered:
.L_overlay_start_1:
0x0: {  	(tag) =	ssettag $0x1  }
0x1: {  	s1 =	rddreg [dreg:$0x0]  }
0x2: {  	s0 =	rddreg [dreg:$0x1]  }
0x3: {  	s2 =	rddreg [dreg:$0x2];
	s4 =	srdreg.scid;
	s3 =	simm.s32 $0x0  }
0x4: {  	s7 =	stileid.u32;
	s31 =	simm.s32 $0x880;
	s14 =	simm.s32 $0x80  }
0x5: {  	s15 =	simm.s32 $0x1080;
	s16 =	simm.s32 $0x1880;
	s17 =	simm.s32 $0x2080  }
0x6: {  	s18 =	simm.s32 $0x2880;
	s19 =	simm.s32 $0x3080;
	s20 =	simm.s32 $0x3880  }
0x7: {  	s21 =	simm.s32 $0x4080;
	s22 =	simm.s32 $0x4880;
	s23 =	simm.s32 $0x5080  }
0x8: {  	s24 =	simm.s32 $0x5880;
	s25 =	simm.s32 $0x6080;
	s28 =	simm.s32 $0x7080  }
0x9: {  	s29 =	simm.s32 $0x7880;
	s30 =	simm.s32 $0x1;
	s26 =	smul.u32 $0x18000, s7  }
0xa: {  	s8 =	sand.u32 $0x1, s4;
	[smem:$0x7FF] =	sst s3;
	s10 =	smul.u32 $0x180, s7  }
0xb: {  	s4 =	sadd.s32 $0x100, s1;
	s7 =	sadd.s32 $0x400, s1;
	s9 =	sadd.s32 $0x600, s1  }
0xc: {  	s5 =	ssub.s32 $0x2, s8;
	_ =	strace $0x80000050;
	s12 =	smul.u32 $0xC0, s8  }
0xd: {  	s13 =	smul.u32 $0xC000, s8;
	s8 =	sadd.s32 $0x500, s1;
	[dreg:$0x5] =	wrdreg s31  }
0xe: {  	s6 =	sshrl.u32 s5, $0x1;
	s2 =	sadd.s32 s26, s2;
	s26 =	simm.s32 $0x6880  }
0xf: {  	s11 =	ssub.s32 s5, s6;
	s5 =	sadd.s32 $0x200, s1;
	s6 =	sadd.s32 $0x300, s1  }
0x10: {  	s12 =	sadd.s32 s12, s10;
	s2 =	sadd.s32 s13, s2;
	s11 =	smax.u32 s11, $0x1  }
0x11: {  	v2 =	vlaneseq.u32;
	s12 =	sshrl.u32 s12, $0x3;
	s2 =	sadd.s32 $0x9200, s2;
	[dreg:$0x6] =	wrdreg s11  }
0x12: {  	vm0 =	vmmov $0xffff;
	v1 =	vshrl.u32 v2, $0x3;
	s10 =	sadd.s32 $0x700, s1;
	[dreg:$0x7] =	wrdreg s2;
	s0 =	sadd.s32 s12, s0  }
0x13: {  	v0 =	vand.u32 $0x7, v2;
	v2 =	vor.u32 $0x8, v2;
	v1 =	vmul.u32 $0x8, v1;
	s13 =	simm.s32 $0x2;
	s2 =	simm.s32 $0x0;
	[dreg:$0x4] =	wrdreg s0  }
.LBB2_1:
0x14: {  	s0 =	rddreg [dreg:$0x4]  }
0x15: {  	[dreg:$0x8] =	wrdreg s2;
	s0 =	sadd.s32 $0x0, s0  }
0x16: {  	[tilespmem:s3], [sflag:$0x2] =	stream.linear.gather [hbm4b:s0+s3], $0x10, $0x38;
	[tilespmem:$0x8080] =	vst v63  }
0x17: {  	_ =	swait.ge [sflag:s13], $0x10  }
0x18: {  	[sflag:s13] =	ssyncset.done $0x0  }
0x19: {  	[sflag:s13] =	ssyncadd.s32 $0xFFFFFFF0  }
0x1a: {  	v3 =	vld [tilespmem:$0x0];
	_ =	sdelay $0x4  }
0x1b: {  	v4 =	vshll.u32 v3, $0x4  }
0x1c: {  	v3 =	vand.u32 $0x7, v3;
	v4 =	vand.u32 $0xFFFFFF80, v4  }
0x1d: {  	v3 =	vor.u32 v3, v4  }
0x1e: {  	v4 =	vperm.xlane v3, v0;
	_ =	sdelay $0x1  }
0x1f: {  	v4 =	vadd.s32 v1, v4;
	_ =	sdelay $0x4  }
0x20: {  	[tilespmem:s14], [sflag:$0x1] =	stream.indirect_vreg.gather [hbm4b:s1+s3], $0x80, v4, vm0, $0xb8;
	[tilespmem:$0x8080] =	vst v63  }
0x21: {  	s31 =	rddreg [dreg:$0x5]  }
0x22: {  	[tilespmem:s31], [sflag:$0x1] =	stream.indirect_vreg.gather [hbm4b:s4+s3], $0x80, v4, vm0, $0xb8;
	[tilespmem:$0x8080] =	vst v63  }
0x23: {  	_ = 	snop  }
0x24: {  	[tilespmem:s15], [sflag:$0x1] =	stream.indirect_vreg.gather [hbm4b:s5+s3], $0x80, v4, vm0, $0xb8;
	[tilespmem:$0x8080] =	vst v63  }
0x25: {  	_ = 	snop  }
0x26: {  	[tilespmem:s16], [sflag:$0x1] =	stream.indirect_vreg.gather [hbm4b:s6+s3], $0x80, v4, vm0, $0xb8;
	[tilespmem:$0x8080] =	vst v63  }
0x27: {  	_ = 	snop  }
0x28: {  	[tilespmem:s17], [sflag:$0x1] =	stream.indirect_vreg.gather [hbm4b:s7+s3], $0x80, v4, vm0, $0xb8;
	[tilespmem:$0x8080] =	vst v63  }
0x29: {  	v3 =	vperm.xlane v3, v2  }
0x2a: {  	[tilespmem:s18], [sflag:$0x1] =	stream.indirect_vreg.gather [hbm4b:s8+s3], $0x80, v4, vm0, $0xb8;
	[tilespmem:$0x8080] =	vst v63  }
0x2b: {  	v3 =	vadd.s32 v1, v3  }
0x2c: {  	[tilespmem:s19], [sflag:$0x1] =	stream.indirect_vreg.gather [hbm4b:s9+s3], $0x80, v4, vm0, $0xb8;
	[tilespmem:$0x8080] =	vst v63  }
0x2d: {  	_ = 	snop  }
0x2e: {  	[tilespmem:s20], [sflag:$0x1] =	stream.indirect_vreg.gather [hbm4b:s10+s3], $0x80, v4, vm0, $0xb8;
	[tilespmem:$0x8080] =	vst v63  }
0x2f: {  	_ = 	snop  }
0x30: {  	[tilespmem:s21], [sflag:$0x1] =	stream.indirect_vreg.gather [hbm4b:s1+s3], $0x80, v3, vm0, $0xb8;
	[tilespmem:$0x8080] =	vst v63  }
0x31: {  	_ = 	snop  }
0x32: {  	[tilespmem:s22], [sflag:$0x1] =	stream.indirect_vreg.gather [hbm4b:s4+s3], $0x80, v3, vm0, $0xb8;
	[tilespmem:$0x8080] =	vst v63  }
0x33: {  	_ = 	snop  }
0x34: {  	[tilespmem:s23], [sflag:$0x1] =	stream.indirect_vreg.gather [hbm4b:s5+s3], $0x80, v3, vm0, $0xb8;
	[tilespmem:$0x8080] =	vst v63  }
0x35: {  	_ = 	snop  }
0x36: {  	[tilespmem:s24], [sflag:$0x1] =	stream.indirect_vreg.gather [hbm4b:s6+s3], $0x80, v3, vm0, $0xb8;
	[tilespmem:$0x8080] =	vst v63  }
0x37: {  	_ = 	snop  }
0x38: {  	[tilespmem:s25], [sflag:$0x1] =	stream.indirect_vreg.gather [hbm4b:s7+s3], $0x80, v3, vm0, $0xb8;
	[tilespmem:$0x8080] =	vst v63  }
0x39: {  	_ = 	snop  }
0x3a: {  	[tilespmem:s26], [sflag:$0x1] =	stream.indirect_vreg.gather [hbm4b:s8+s3], $0x80, v3, vm0, $0xb8;
	[tilespmem:$0x8080] =	vst v63  }
0x3b: {  	_ = 	snop  }
0x3c: {  	[tilespmem:s28], [sflag:$0x1] =	stream.indirect_vreg.gather [hbm4b:s9+s3], $0x80, v3, vm0, $0xb8;
	[tilespmem:$0x8080] =	vst v63  }
0x3d: {  	_ = 	snop  }
0x3e: {  	[tilespmem:s29], [sflag:$0x1] =	stream.indirect_vreg.gather [hbm4b:s10+s3], $0x80, v3, vm0, $0xb8;
	[tilespmem:$0x8080] =	vst v63  }
0x3f: {  	_ =	swait.ge [sflag:s30], $0x8000  }
0x40: {  	[sflag:s30] =	ssyncset.done $0x0  }
0x41: {  	s12 =	rddreg [dreg:$0x7];
	[sflag:s30] =	ssyncadd.s32 $0xFFFF8000  }
0x42: {  	[hbm4b:s12+s3] =	stream.linear.scatter [tilespmem:s14], [sflag:$0x2], $0x8000, $0x38;
	[tilespmem:$0x8080] =	vst v63  }
0x43: {  	s2 =	simm.s32 $0x2;
	_ =	swait.ge [sflag:s13], $0x8000  }
0x44: {  	s11 =	simm.s32 $0x4;
	s0 =	rddreg [dreg:$0x4];
	[sflag:s13] =	ssyncset.done $0x0  }
.LBB2_2:
0x45: {  	[sflag:s13] =	ssyncadd.s32 $0xFFFF8000;
	s0 =	sadd.s32 s2, s0  }
0x46: {  	[tilespmem:s3], [sflag:$0x2] =	stream.linear.gather [hbm4b:s0+s3], $0x10, $0x38;
	[tilespmem:$0x8080] =	vst v63  }
0x47: {  	_ =	swait.ge [sflag:s13], $0x10  }
0x48: {  	[sflag:s13] =	ssyncset.done $0x0  }
0x49: {  	[sflag:s13] =	ssyncadd.s32 $0xFFFFFFF0  }
0x4a: {  	v3 =	vld [tilespmem:$0x0];
	_ =	sdelay $0x4  }
0x4b: {  	v4 =	vshll.u32 v3, $0x4  }
0x4c: {  	v3 =	vand.u32 $0x7, v3;
	v4 =	vand.u32 $0xFFFFFF80, v4  }
0x4d: {  	v3 =	vor.u32 v3, v4  }
0x4e: {  	v4 =	vperm.xlane v3, v0;
	_ =	sdelay $0x1  }
0x4f: {  	v4 =	vadd.s32 v1, v4;
	_ =	sdelay $0x3  }
0x50: {  	s31 =	smov.u32 s11  }
0x51: {  	[tilespmem:s14], [sflag:$0x1] =	stream.indirect_vreg.gather [hbm4b:s1+s3], $0x80, v4, vm0, $0xb8;
	[tilespmem:$0x8080] =	vst v63  }
0x52: {  	s2 =	smov.u32 s31;
	s31 =	rddreg [dreg:$0x5]  }
0x53: {  	[tilespmem:s31], [sflag:$0x1] =	stream.indirect_vreg.gather [hbm4b:s4+s3], $0x80, v4, vm0, $0xb8;
	[tilespmem:$0x8080] =	vst v63  }
0x54: {  	_ = 	snop  }
0x55: {  	[tilespmem:s15], [sflag:$0x1] =	stream.indirect_vreg.gather [hbm4b:s5+s3], $0x80, v4, vm0, $0xb8;
	[tilespmem:$0x8080] =	vst v63  }
0x56: {  	_ = 	snop  }
0x57: {  	[tilespmem:s16], [sflag:$0x1] =	stream.indirect_vreg.gather [hbm4b:s6+s3], $0x80, v4, vm0, $0xb8;
	[tilespmem:$0x8080] =	vst v63  }
0x58: {  	_ = 	snop  }
0x59: {  	[tilespmem:s17], [sflag:$0x1] =	stream.indirect_vreg.gather [hbm4b:s7+s3], $0x80, v4, vm0, $0xb8;
	[tilespmem:$0x8080] =	vst v63  }
0x5a: {  	v3 =	vperm.xlane v3, v2  }
0x5b: {  	[tilespmem:s18], [sflag:$0x1] =	stream.indirect_vreg.gather [hbm4b:s8+s3], $0x80, v4, vm0, $0xb8;
	[tilespmem:$0x8080] =	vst v63  }
0x5c: {  	v3 =	vadd.s32 v1, v3  }
0x5d: {  	[tilespmem:s19], [sflag:$0x1] =	stream.indirect_vreg.gather [hbm4b:s9+s3], $0x80, v4, vm0, $0xb8;
	[tilespmem:$0x8080] =	vst v63  }
0x5e: {  	_ = 	snop  }
0x5f: {  	[tilespmem:s20], [sflag:$0x1] =	stream.indirect_vreg.gather [hbm4b:s10+s3], $0x80, v4, vm0, $0xb8;
	[tilespmem:$0x8080] =	vst v63  }
0x60: {  	_ = 	snop  }
0x61: {  	[tilespmem:s21], [sflag:$0x1] =	stream.indirect_vreg.gather [hbm4b:s1+s3], $0x80, v3, vm0, $0xb8;
	[tilespmem:$0x8080] =	vst v63  }
0x62: {  	_ = 	snop  }
0x63: {  	[tilespmem:s22], [sflag:$0x1] =	stream.indirect_vreg.gather [hbm4b:s4+s3], $0x80, v3, vm0, $0xb8;
	[tilespmem:$0x8080] =	vst v63  }
0x64: {  	_ = 	snop  }
0x65: {  	[tilespmem:s23], [sflag:$0x1] =	stream.indirect_vreg.gather [hbm4b:s5+s3], $0x80, v3, vm0, $0xb8;
	[tilespmem:$0x8080] =	vst v63  }
0x66: {  	_ = 	snop  }
0x67: {  	[tilespmem:s24], [sflag:$0x1] =	stream.indirect_vreg.gather [hbm4b:s6+s3], $0x80, v3, vm0, $0xb8;
	[tilespmem:$0x8080] =	vst v63  }
0x68: {  	_ = 	snop  }
0x69: {  	[tilespmem:s25], [sflag:$0x1] =	stream.indirect_vreg.gather [hbm4b:s7+s3], $0x80, v3, vm0, $0xb8;
	[tilespmem:$0x8080] =	vst v63  }
0x6a: {  	_ = 	snop  }
0x6b: {  	[tilespmem:s26], [sflag:$0x1] =	stream.indirect_vreg.gather [hbm4b:s8+s3], $0x80, v3, vm0, $0xb8;
	[tilespmem:$0x8080] =	vst v63  }
0x6c: {  	_ = 	snop  }
0x6d: {  	[tilespmem:s28], [sflag:$0x1] =	stream.indirect_vreg.gather [hbm4b:s9+s3], $0x80, v3, vm0, $0xb8;
	[tilespmem:$0x8080] =	vst v63  }
0x6e: {  	_ = 	snop  }
0x6f: {  	[tilespmem:s29], [sflag:$0x1] =	stream.indirect_vreg.gather [hbm4b:s10+s3], $0x80, v3, vm0, $0xb8;
	[tilespmem:$0x8080] =	vst v63  }
0x70: {  	p0 =	sne.s32 s11, $0x16;
	_ =	swait.ge [sflag:s30], $0x8000  }
.Ltmp0:
0x71: {  	[sflag:s30] =	ssyncset.done $0x0;
	(pc) =	sbr.rel @p0 .LBB2_2-.Ltmp0, $4  }
0x72: {  	s12 =	sadd.s32 $0x1000, s12;
	[sflag:s30] =	ssyncadd.s32 $0xFFFF8000  }
0x73: {  	[hbm4b:s12+s3] =	stream.linear.scatter [tilespmem:s14], [sflag:$0x2], $0x8000, $0x38;
	[tilespmem:$0x8080] =	vst v63  }
0x74: {  	_ =	swait.ge [sflag:s13], $0x8000  }
0x75: {  	s11 =	sadd.s32 $0x2, s11;
	s0 =	rddreg [dreg:$0x4];
	[sflag:s13] =	ssyncset.done $0x0  }
0x76: {  	s0 =	sadd.s32 s2, s0;
	[sflag:s13] =	ssyncadd.s32 $0xFFFF8000  }
0x77: {  	[tilespmem:s3], [sflag:$0x2] =	stream.linear.gather [hbm4b:s0+s3], $0x10, $0x38;
	[tilespmem:$0x8080] =	vst v63  }
0x78: {  	_ =	swait.ge [sflag:s13], $0x10  }
0x79: {  	[sflag:s13] =	ssyncset.done $0x0  }
0x7a: {  	[sflag:s13] =	ssyncadd.s32 $0xFFFFFFF0  }
0x7b: {  	v3 =	vld [tilespmem:$0x0];
	_ =	sdelay $0x4  }
0x7c: {  	v4 =	vshll.u32 v3, $0x4  }
0x7d: {  	v3 =	vand.u32 $0x7, v3;
	v4 =	vand.u32 $0xFFFFFF80, v4  }
0x7e: {  	v3 =	vor.u32 v3, v4  }
0x7f: {  	v4 =	vperm.xlane v3, v0;
	_ =	sdelay $0x1  }
0x80: {  	v4 =	vadd.s32 v1, v4;
	_ =	sdelay $0x4  }
0x81: {  	[tilespmem:s14], [sflag:$0x1] =	stream.indirect_vreg.gather [hbm4b:s1+s3], $0x80, v4, vm0, $0xb8;
	[tilespmem:$0x8080] =	vst v63  }
0x82: {  	s2 =	rddreg [dreg:$0x5]  }
0x83: {  	[tilespmem:s2], [sflag:$0x1] =	stream.indirect_vreg.gather [hbm4b:s4+s3], $0x80, v4, vm0, $0xb8;
	[tilespmem:$0x8080] =	vst v63  }
0x84: {  	_ = 	snop  }
0x85: {  	[tilespmem:s15], [sflag:$0x1] =	stream.indirect_vreg.gather [hbm4b:s5+s3], $0x80, v4, vm0, $0xb8;
	[tilespmem:$0x8080] =	vst v63  }
0x86: {  	_ = 	snop  }
0x87: {  	[tilespmem:s16], [sflag:$0x1] =	stream.indirect_vreg.gather [hbm4b:s6+s3], $0x80, v4, vm0, $0xb8;
	[tilespmem:$0x8080] =	vst v63  }
0x88: {  	_ = 	snop  }
0x89: {  	[tilespmem:s17], [sflag:$0x1] =	stream.indirect_vreg.gather [hbm4b:s7+s3], $0x80, v4, vm0, $0xb8;
	[tilespmem:$0x8080] =	vst v63  }
0x8a: {  	v3 =	vperm.xlane v3, v2  }
0x8b: {  	[tilespmem:s18], [sflag:$0x1] =	stream.indirect_vreg.gather [hbm4b:s8+s3], $0x80, v4, vm0, $0xb8;
	[tilespmem:$0x8080] =	vst v63  }
0x8c: {  	v3 =	vadd.s32 v1, v3  }
0x8d: {  	[tilespmem:s19], [sflag:$0x1] =	stream.indirect_vreg.gather [hbm4b:s9+s3], $0x80, v4, vm0, $0xb8;
	[tilespmem:$0x8080] =	vst v63  }
0x8e: {  	_ = 	snop  }
0x8f: {  	[tilespmem:s20], [sflag:$0x1] =	stream.indirect_vreg.gather [hbm4b:s10+s3], $0x80, v4, vm0, $0xb8;
	[tilespmem:$0x8080] =	vst v63  }
0x90: {  	_ = 	snop  }
0x91: {  	[tilespmem:s21], [sflag:$0x1] =	stream.indirect_vreg.gather [hbm4b:s1+s3], $0x80, v3, vm0, $0xb8;
	[tilespmem:$0x8080] =	vst v63  }
0x92: {  	_ = 	snop  }
0x93: {  	[tilespmem:s22], [sflag:$0x1] =	stream.indirect_vreg.gather [hbm4b:s4+s3], $0x80, v3, vm0, $0xb8;
	[tilespmem:$0x8080] =	vst v63  }
0x94: {  	_ = 	snop  }
0x95: {  	[tilespmem:s23], [sflag:$0x1] =	stream.indirect_vreg.gather [hbm4b:s5+s3], $0x80, v3, vm0, $0xb8;
	[tilespmem:$0x8080] =	vst v63  }
0x96: {  	_ = 	snop  }
0x97: {  	[tilespmem:s24], [sflag:$0x1] =	stream.indirect_vreg.gather [hbm4b:s6+s3], $0x80, v3, vm0, $0xb8;
	[tilespmem:$0x8080] =	vst v63  }
0x98: {  	_ = 	snop  }
0x99: {  	[tilespmem:s25], [sflag:$0x1] =	stream.indirect_vreg.gather [hbm4b:s7+s3], $0x80, v3, vm0, $0xb8;
	[tilespmem:$0x8080] =	vst v63  }
0x9a: {  	_ = 	snop  }
0x9b: {  	[tilespmem:s26], [sflag:$0x1] =	stream.indirect_vreg.gather [hbm4b:s8+s3], $0x80, v3, vm0, $0xb8;
	[tilespmem:$0x8080] =	vst v63  }
0x9c: {  	_ = 	snop  }
0x9d: {  	[tilespmem:s28], [sflag:$0x1] =	stream.indirect_vreg.gather [hbm4b:s9+s3], $0x80, v3, vm0, $0xb8;
	[tilespmem:$0x8080] =	vst v63  }
0x9e: {  	_ = 	snop  }
0x9f: {  	[tilespmem:s29], [sflag:$0x1] =	stream.indirect_vreg.gather [hbm4b:s10+s3], $0x80, v3, vm0, $0xb8;
	[tilespmem:$0x8080] =	vst v63  }
0xa0: {  	_ =	swait.ge [sflag:s30], $0x8000  }
0xa1: {  	[sflag:s30] =	ssyncset.done $0x0  }
0xa2: {  	s11 =	sadd.s32 $0x1000, s12;
	[sflag:s30] =	ssyncadd.s32 $0xFFFF8000  }
0xa3: {  	[hbm4b:s11+s3] =	stream.linear.scatter [tilespmem:s14], [sflag:$0x2], $0x8000, $0x38;
	[tilespmem:$0x8080] =	vst v63  }
0xa4: {  	_ =	swait.ge [sflag:s13], $0x8000  }
0xa5: {  	s12 =	rddreg [dreg:$0x8]  }
0xa6: {  	s31 =	rddreg [dreg:$0x6];
	s2 =	sadd.s32 $0x1, s12  }
0xa7: {  	p0 =	sne.s32 s2, s31  }
.Ltmp1:
0xa8: {  	_ = 	snop;
	(pc) =	sbr.rel @p0 .LBB2_1-.Ltmp1, $3  }
0xa9: {  	_ =	sdelay $0x1  }
0xaa: {  	[sflag:s13] =	ssyncset.done $0x0  }
0xab: {  	[sflag:s13] =	ssyncadd.s32 $0xFFFF8000  }
0xac: {  	_ =	sfence.sel $0x180000  }
0xad: {  	[bflag:$0x0] =	sbarrier.arrive $0xFFFF  }
0xae: {  	_ =	strace $0x90000050  }
0xaf: {  	s0 =	stileid.u32;
	[bflag:$0x2] =	sbarrier.arrive $0xFFFF  }
0xb0: {  	p0 =	sne.s32 s0, $0x0;
	s0 =	rddreg [dreg:$0x3]  }
0xb1: {  	s0 =	sadd.s32 @!p0 $0x100000, s0  }
0xb2: {  	[sflag:s0] =	ssyncadd.tile.s32 @!p0 $0x1;
	_ =	shalt  }
.Lfunc_end2:
_tile_overlayer_lowered:
.L_overlay_start_2:
0xb3: {  	(tag) =	ssettag $0x2  }
0xb4: {  	s0 =	rddreg [dreg:$0x0];
	s2 =	stileid.u32  }
0xb5: {  	s1 =	rddreg [dreg:$0x1];
	p0 =	sne.s32 s2, $0x0  }
0xb6: {  	s3 =	rddreg [dreg:$0x2];
	[bflag:$0x3] =	sbarrier.arrive $0xFFFF;
	s2 =	simm.s32 @!p0 $0x1C02  }
0xb7: {  	[timem:s3], [sflag:s2] =	dma.local @!p0 [hbm:s0], s1  }
0xb8: {  	s0 =	simm.s32 @!p0 $0x2  }
0xb9: {  	_ =	swait.ge @!p0 [sflag:s0], s1  }
0xba: {  	s1 =	ssub.s32 @!p0 $0x0, s1;
	[sflag:s0] =	ssyncset.done @!p0 $0x0  }
0xbb: {  	[sflag:s0] =	ssyncadd.s32 @!p0 s1  }
0xbc: {  	[bflag:$0x3] =	sbarrier.arrive $0xFFFF  }
0xbd: {  	_ =	shalt  }

// kernel: scatter_offload_async_start
scs
__scs_entry_jumppad:
0x0: {  	(pc) =	sbr.rel $0x88, $3  }
0x1: {  	(tag) =	ssettag $0x0;
	lr =	simm.s32 $0x1  }
0x2: {  	[smem:$0x3F98] =	sst lr;
	_ =	strace $0xD0000000  }
0x3: {  	_ = 	snop  }
0x4: {  	_ = 	snop  }
0x5: {  	_ = 	snop  }
0x6: {  	_ = 	snop  }
0x7: {  	_ = 	snop  }
__scs_overlays_trampoline_lowered:
0x8: {  	[smem:$0x3FA7] =	sst s0  }
0x9: {  	[smem:$0x3FA8] =	sst s1  }
0xa: {  	[smem:$0x3FA9] =	sst s2  }
0xb: {  	[smem:$0x3FAA] =	sst s3  }
0xc: {  	[smem:$0x3FAB] =	sst s4  }
0xd: {  	[smem:$0x3FAC] =	sst s5  }
0xe: {  	[smem:$0x3FAD] =	sst s6  }
0xf: {  	[smem:$0x3FAE] =	sst s7  }
0x10: {  	[smem:$0x3FAF] =	sst s8  }
0x11: {  	[smem:$0x3FB0] =	sst s9;
	s0 =	simm.s32 @!p0 $0x0  }
0x12: {  	s1 =	sld [smem:$0x3F96];
	s0 =	simm.s32 @p0 $0x1  }
0x13: {  	[smem:$0x3FB1] =	sst s0;
	s0 =	simm.s32 @!p1 $0x0  }
0x14: {  	s2 =	sld [smem:$0x3F95];
	s0 =	simm.s32 @p1 $0x1  }
0x15: {  	[smem:$0x3FB2] =	sst s0;
	s0 =	simm.s32 @!p2 $0x0  }
0x16: {  	s3 =	sld [smem:$0x3FDB];
	s0 =	simm.s32 @p2 $0x1  }
0x17: {  	s4 =	simm.s32 $0x1BF5;
	[smem:$0x3FB4] =	sst s0  }
0x18: {  	s0 =	sld [smem:$0x3F97];
	_ =	swait.ge [sflag:s4], $0x0  }
0x19: {  	s7 =	sld [smem:$0x3F98]  }
0x1a: {  	s8 =	sadd.s32 $0xFFFFE003, lr  }
0x1b: {  	s9 =	sadd.s32 $0xFFFFFEF7, lr;
	s5 =	simm.s32 $0xFFFFFFFF;
	p2 =	slt.u32 s8, $0xFFFFF086  }
0x1c: {  	p1 =	slt.u32 s9, $0xF7A;
	s5 =	simm.s32 @!p2 $0x0  }
0x1d: {  	s5 =	simm.s32 @p1 $0x1;
	p0 =	seq.s32 s7, s2  }
0x1e: {  	s7 =	smul.u32 @!p0 $0xF7A, s2;
	p2 =	seq.s32 @!p0 s5, $0x0  }
0x1f: {  	s9 =	smul.u32 $0xF7A, s1;
	s8 =	simm.s32 @!p0 $0x1BF5;
	p2 =	por !p2, p0  }
0x20: {  	[sflag:s8] =	ssyncset.s32 @!p0 $0xFFFFF086;
	s6 =	sadd.s32 @!p0 s3, s7;
	s7 =	simm.s32 @!p0 $0x108  }
0x21: {  	s3 =	sadd.s32 s3, s9;
	s6 =	sadd.s32 @!p0 $0x88, s6;
	s7 =	simm.s32 @p2 $0x1082  }
0x22: {  	[simem:s7], [sflag:s8] =	dma.local @!p0 [hbm:s6], $0xF7A  }
0x23: {  	s9 =	sor.u32 $0xD0000000, s2;
	s6 =	simm.s32 $0x108;
	_ =	swait.ge @!p0 [sflag:s8], $0x0  }
0x24: {  	s3 =	sadd.s32 $0x88, s3;
	s6 =	simm.s32 @!p1 $0x1082;
	[sflag:s4] =	ssyncset.s32 $0xFFFFF086  }
0x25: {  	[simem:s6], [sflag:s4] =	dma.local [hbm:s3], $0xF7A  }
0x26: {  	[smem:$0x3F98] =	sst s1;
	(tag) =	ssettag s2;
	_ =	strace s9  }
0x27: {  	s1 =	sld [smem:$0x3FA8]  }
0x28: {  	s2 =	sld [smem:$0x3FA9]  }
0x29: {  	s4 =	sld [smem:$0x3FAB]  }
0x2a: {  	p0 =	seq.s32 s5, $0x0;
	s5 =	sld [smem:$0x3FAC]  }
0x2b: {  	s6 =	sld [smem:$0x3FAD]  }
0x2c: {  	s7 =	sld [smem:$0x3FAE]  }
0x2d: {  	s3 =	simm.s32 $0x108;
	s8 =	sld [smem:$0x3FAF]  }
0x2e: {  	s3 =	simm.s32 @!p0 $0x1082;
	s9 =	sld [smem:$0x3FB0]  }
0x2f: {  	lr =	sadd.s32 s0, s3;
	s0 =	sld [smem:$0x3FA7]  }
0x30: {  	s3 =	sld [smem:$0x3FAA]  }
0x31: {  	[smem:$0x3FB3] =	sst s10  }
0x32: {  	s10 =	sld [smem:$0x3FB1];
	_ =	sdelay $0x3  }
0x33: {  	p0 =	seq.s32 s10, $0x1;
	s10 =	sld [smem:$0x3FB3];
	_ =	sdelay $0x3  }
0x34: {  	[smem:$0x3FB3] =	sst s10  }
0x35: {  	s10 =	sld [smem:$0x3FB2];
	_ =	sdelay $0x3  }
0x36: {  	p1 =	seq.s32 s10, $0x1;
	s10 =	sld [smem:$0x3FB3];
	_ =	sdelay $0x3  }
0x37: {  	[smem:$0x3FB3] =	sst s10  }
0x38: {  	s10 =	sld [smem:$0x3FB4]  }
0x39: {  	_ = 	snop;
	(pc) =	sbr.ind lr, $3  }
0x3a: {  	_ = 	snop  }
0x3b: {  	_ = 	snop  }
0x3c: {  	p2 =	seq.s32 s10, $0x1;
	s10 =	sld [smem:$0x3FB3]  }
0x3d: {  	_ =	shalt  }
0x3e: {  	_ =	shalt  }
0x3f: {  	_ =	shalt  }
0x40: {  	_ =	shalt  }
0x41: {  	_ =	shalt  }
0x42: {  	_ =	shalt  }
0x43: {  	_ =	shalt  }
0x44: {  	_ =	shalt  }
0x45: {  	_ =	shalt  }
0x46: {  	_ =	shalt  }
0x47: {  	_ =	shalt  }
0x48: {  	_ =	shalt  }
0x49: {  	_ =	shalt  }
0x4a: {  	_ =	shalt  }
0x4b: {  	_ =	shalt  }
0x4c: {  	_ =	shalt  }
0x4d: {  	_ =	shalt  }
0x4e: {  	_ =	shalt  }
0x4f: {  	_ =	shalt  }
0x50: {  	_ =	shalt  }
0x51: {  	_ =	shalt  }
0x52: {  	_ =	shalt  }
0x53: {  	_ =	shalt  }
0x54: {  	_ =	shalt  }
0x55: {  	_ =	shalt  }
0x56: {  	_ =	shalt  }
0x57: {  	_ =	shalt  }
0x58: {  	_ =	shalt  }
0x59: {  	_ =	shalt  }
0x5a: {  	_ =	shalt  }
0x5b: {  	_ =	shalt  }
0x5c: {  	_ =	shalt  }
0x5d: {  	_ =	shalt  }
0x5e: {  	_ =	shalt  }
0x5f: {  	_ =	shalt  }
0x60: {  	_ =	shalt  }
0x61: {  	_ =	shalt  }
0x62: {  	_ =	shalt  }
0x63: {  	_ =	shalt  }
0x64: {  	_ =	shalt  }
0x65: {  	_ =	shalt  }
0x66: {  	_ =	shalt  }
0x67: {  	_ =	shalt  }
0x68: {  	_ =	shalt  }
0x69: {  	_ =	shalt  }
0x6a: {  	_ =	shalt  }
0x6b: {  	_ =	shalt  }
0x6c: {  	_ =	shalt  }
0x6d: {  	_ =	shalt  }
0x6e: {  	_ =	shalt  }
0x6f: {  	_ =	shalt  }
0x70: {  	_ =	shalt  }
0x71: {  	_ =	shalt  }
0x72: {  	_ =	shalt  }
0x73: {  	_ =	shalt  }
0x74: {  	_ =	shalt  }
0x75: {  	_ =	shalt  }
0x76: {  	_ =	shalt  }
0x77: {  	_ =	shalt  }
0x78: {  	_ =	shalt  }
0x79: {  	_ =	shalt  }
0x7a: {  	_ =	shalt  }
0x7b: {  	_ =	shalt  }
0x7c: {  	_ =	shalt  }
0x7d: {  	_ =	shalt  }
0x7e: {  	_ =	shalt  }
0x7f: {  	_ =	shalt  }
0x80: {  	_ =	shalt  }
0x81: {  	_ =	shalt  }
0x82: {  	_ =	shalt  }
0x83: {  	_ =	shalt  }
0x84: {  	_ =	shalt  }
0x85: {  	_ =	shalt  }
0x86: {  	_ =	shalt  }
0x87: {  	_ =	shalt  }
.Lfunc_end0:
.L_simem_size_0:
called_computation_lowered:
.L_overlay_start_0:
0x88: {  	s0 =	sld [smem:$0x3FD9]  }
0x89: {  	s1 =	sld [smem:$0x3FFE];
	_ =	sdelay $0x3  }
0x8a: {  	s0 =	sadd.s32 s1, s0  }
0x8b: {  	[smem:$0x3FBF] =	sst s0  }
0x8c: {  	_ = 	snop  }
0x8d: {  	s0 =	sld [smem:$0x3FD0];
	_ =	sdelay $0x2  }
0x8e: {  	s13 =	simm.s32 $0xB;
	s2 =	simm.s32 $0x10  }
0x8f: {  	[smem:s2], [sflag:s13] =	dma.local [hbm:s0], $0x1  }
0x90: {  	_ =	swait.eq [sflag:s13], $0x1  }
0x91: {  	[sflag:s13] =	ssyncset.done $0x0  }
0x92: {  	[sflag:s13] =	ssyncadd.s32 $0xFFFFFFFF  }
0x93: {  	s14 =	sld [smem:$0x11];
	(tm) =	ssettm $0x1  }
0x94: {  	s15 =	sld [smem:$0x3FFB];
	_ =	sdelay $0x3  }
0x95: {  	_ =	strace s15  }
0x96: {  	s1 =	sld [smem:$0x3FFC];
	_ =	sdelay $0x3  }
0x97: {  	_ =	strace s1  }
0x98: {  	s1 =	sld [smem:$0x3FFD];
	_ =	sdelay $0x3  }
0x99: {  	_ =	strace s1  }
0x9a: {  	_ =	strace $0x8FFFFFFF  }
0x9b: {  	s16 =	sld [smem:$0x3FDB];
	_ =	sdelay $0x1  }
0x9c: {  	s17 =	simm.s32 $_scs_section_size  }
0x9d: {  	s3 =	simm.s32 $_size__tile_overlayer_lowered;
	s4 =	simm.s32 $_tile_overlayer_lowered  }
0x9e: {  	s20 =	simm.s32 $0x1BFF;
	s19 =	sshll.u32 s4, $0x1;
	s1 =	sadd.s32 s17, s16  }
0x9f: {  	s5 =	simm.s32 $0x0;
	s18 =	sshll.u32 s3, $0x1;
	s3 =	sadd.s32 s19, s1  }
0xa0: {  	[timem:s5], [sflag:s20] =	dma.local [hbm:s3], s18  }
0xa1: {  	_ =	swait.ge [sflag:s20], s18  }
0xa2: {  	s2 =	ssub.s32 $0x0, s18;
	[sflag:s20] =	ssyncset.done $0x0  }
0xa3: {  	[sflag:s20] =	ssyncadd.s32 s2;
	_ =	sdelay $0x1  }
0xa4: {  	s21 =	simm.s32 $0x1B8B  }
0xa5: {  	_ =	swait.ge [sflag:s21], $0x1  }
0xa6: {  	[sflag:s21] =	ssyncset.done $0x0  }
0xa7: {  	s23 =	simm.s32 $0x1B8E;
	s22 =	sld [smem:$0x3FFE];
	[sflag:s21] =	ssyncadd.s32 $0xFFFFFFFF  }
0xa8: {  	s24 =	simm.s32 $execute0_lowered;
	[smem:$0x3FD2] =	sst s23  }
0xa9: {  	s3 =	sshll.u32 s24, $0x1;
	_ =	strace $0x80000046;
	[dreg:$0x1] =	wrdreg $0xFFFFFFFF  }
0xaa: {  	s25 =	simm.s32 $_size_execute0_lowered;
	s1 =	sadd.s32 s1, s3;
	[dreg:$0x0] =	wrdreg $0x0  }
0xab: {  	s3 =	sshll.u32 s25, $0x1;
	[dreg:$0x2] =	wrdreg s1  }
0xac: {  	[dreg:$0x3] =	wrdreg s3  }
0xad: {  	[dreg:$0x4] =	wrdreg $0xC0  }
0xae: {  	_ =	task [dreg:s5], $0x5FFFF  }
0xaf: {  	[dreg:$0x1] =	wrdreg $0xFFFFFFFF  }
0xb0: {  	[dreg:$0x0] =	wrdreg $0x60  }
0xb1: {  	[dreg:$0x2] =	wrdreg s22  }
0xb2: {  	[dreg:$0x3] =	wrdreg s14  }
0xb3: {  	[dreg:$0x4] =	wrdreg $0x9  }
0xb4: {  	_ =	task.clear_ibuf [dreg:s5], $0x5FFFF;
	_ =	strace $0x90000046  }
0xb5: {  	s26 =	simm.s32 $0x9;
	_ =	strace $0x80000048  }
0xb6: {  	_ =	swait.ge [sflag:s26], $0x1  }
0xb7: {  	[sflag:s26] =	ssyncadd.s32 $0xFFFFFFFF  }
0xb8: {  	_ =	strace $0x90000048  }
0xb9: {  	_ =	sfence  }
0xba: {  	s28 =	sld [smem:$0x0];
	_ =	sdelay $0x1  }
0xbb: {  	s29 =	srdreg.scid  }
0xbc: {  	s30 =	sshll.u32 s29, $0xD;
	s31 =	sshrl.u32 s29, $0x2  }
0xbd: {  	s2 =	sand.u32 $0x4000, s30;
	s1 =	sand.u32 $0x1, s29;
	s0 =	sadd.s32 s31, s28  }
0xbe: {  	s1 =	sor.u32 s2, s1;
	s0 =	sshll.u32 s0, $0x11  }
0xbf: {  	s0 =	sor.u32 s0, s1  }
0xc0: {  	s0 =	sadd.s32 $0x8F2B, s0  }
0xc1: {  	[sflag:s0] =	ssyncadd.remote.s32 $0x1  }
0xc2: {  	_ =	sfence.sel $0xFFFF  }
0xc3: {  	[dreg:$0x0] =	wrdreg $0xFFFFFFFF;
	(pc) =	sbr.abs _section_cstart, $3  }
0xc4: {  	[dreg:$0x1] =	wrdreg $0xFFFFFFFF  }
0xc5: {  	_ =	task.clear_ibuf [dreg:s5], $0x2FFFF;
	_ =	strace $0x9FFFFFFF  }
0xc6: {  	(tm) =	ssettm $0x7FFFFFFF  }
0xc7: {  	_ =	shalt  }
tec
execute0_lowered:
.L_overlay_start_1:
0x0: {  	(tag) =	ssettag $0x1  }
0x1: {  	s5 =	rddreg [dreg:$0x0]  }
0x2: {  	s6 =	rddreg [dreg:$0x1]  }
0x3: {  	s0 =	rddreg [dreg:$0x2];
	_ =	strace $0x80000047;
	s7 =	stileid.u32  }
0x4: {  	s3 =	simm.s32 $0x3E;
	s1 =	sadd.s32 $0x8C00, s5;
	p0 =	sne.s32 s7, $0x0  }
0x5: {  	[sflag:s3] =	ssyncpa.u1 $0x0;
	s4 =	simm.s32 @!p0 $0x1C3E;
	s2 =	simm.s32 @!p0 $0x0  }
0x6: {  	[spmem:s2], [sflag:s4] =	dma.local @!p0 [hbm:s1], $0x10  }
0x7: {  	s4 =	simm.s32 @!p0 $0x3E  }
0x8: {  	_ =	swait.ge @!p0 [sflag:s4], $0x10  }
0x9: {  	[sflag:s4] =	ssyncset.done @!p0 $0x0  }
0xa: {  	[sflag:s4] =	ssyncadd.s32 @!p0 $0xFFFFFFF0  }
0xb: {  	s9 =	simm.s32 $0x108;
	s8 =	sadd.s32 $0x8E00, s5;
	[bflag:$0x0] =	sbarrier.arrive $0xFFFF  }
0xc: {  	s7 =	sshll.u32 s7, $0x5;
	[sflag:s3] =	ssyncpa.u1 $0x1;
	s3 =	simm.s32 $0x1  }
0xd: {  	s5 =	simm.s32 $0x0;
	s4 =	simm.s32 $0x2;
	[sflag:s3] =	ssyncpa.u1 $0x0  }
0xe: {  	s6 =	sadd.s32 s6, s7;
	(ifvalue) =	ssetifvalue $0x80;
	[sflag:s4] =	ssyncpa.u1 $0x0  }
0xf: {  	[tilespmem:s9], [sflag:$0x2] =	stream.linear.gather [hbm4b:s6+s5], $0x100, $0x38;
	[tilespmem:$0x408] =	vst v63  }
0x10: {  	s23 =	simm.s32 $0x308;
	s22 =	sadd.s32 s8, s7  }
0x11: {  	[tilespmem:s23], [sflag:$0x2] =	stream.linear.gather [hbm4b:s22+s5], $0x100, $0x38;
	[tilespmem:$0x408] =	vst v63  }
0x12: {  	_ =	swait.ge [sflag:s4], $0x200  }
0x13: {  	[sflag:s4] =	ssyncset.done $0x0  }
0x14: {  	[sflag:s4] =	ssyncadd.s32 $0xFFFFFE00  }
0x15: {  	v0 =	vld.msk [tilespmem:s9+$0x0 ss:$0x1], $0xffff;
	_ =	sdelay $0x4  }
0x16: {  	v0 =	vmin.u32 v0, $0x80;
	_ =	sdelay $0x3  }
0x17: {  	vm0 =	vmmov $0xffff;
	s24 =	simm.s32 $0x118  }
0x18: {  	[spmem:s5] =	stream.indirect_vreg.scatter.add.s32 [tilespmem:s23], [sflag:$0x1], $0x1, v0, vm0, $0x4038;
	[tilespmem:$0x408] =	vst v63  }
0x19: {  	v0 =	vld.msk [tilespmem:s24+$0x0 ss:$0x1], $0xffff;
	_ =	sdelay $0x4  }
0x1a: {  	v0 =	vmin.u32 v0, $0x80;
	_ =	sdelay $0x3  }
0x1b: {  	s25 =	simm.s32 $0x318;
	s26 =	simm.s32 $0x128  }
0x1c: {  	[spmem:s5] =	stream.indirect_vreg.scatter.add.s32 [tilespmem:s25], [sflag:$0x1], $0x1, v0, vm0, $0x4038;
	[tilespmem:$0x408] =	vst v63  }
0x1d: {  	v0 =	vld.msk [tilespmem:s26+$0x0 ss:$0x1], $0xffff;
	_ =	sdelay $0x4  }
0x1e: {  	v0 =	vmin.u32 v0, $0x80;
	_ =	sdelay $0x3  }
0x1f: {  	s28 =	simm.s32 $0x328;
	s29 =	simm.s32 $0x138  }
0x20: {  	[spmem:s5] =	stream.indirect_vreg.scatter.add.s32 [tilespmem:s28], [sflag:$0x1], $0x1, v0, vm0, $0x4038;
	[tilespmem:$0x408] =	vst v63  }
0x21: {  	v0 =	vld.msk [tilespmem:s29+$0x0 ss:$0x1], $0xffff;
	_ =	sdelay $0x4  }
0x22: {  	v0 =	vmin.u32 v0, $0x80;
	_ =	sdelay $0x3  }
0x23: {  	s30 =	simm.s32 $0x338;
	s31 =	simm.s32 $0x148  }
0x24: {  	[spmem:s5] =	stream.indirect_vreg.scatter.add.s32 [tilespmem:s30], [sflag:$0x1], $0x1, v0, vm0, $0x4038;
	[tilespmem:$0x408] =	vst v63  }
0x25: {  	v0 =	vld.msk [tilespmem:s31+$0x0 ss:$0x1], $0xffff;
	_ =	sdelay $0x4  }
0x26: {  	v0 =	vmin.u32 v0, $0x80;
	_ =	sdelay $0x3  }
0x27: {  	s7 =	simm.s32 $0x348;
	s8 =	simm.s32 $0x158  }
0x28: {  	[spmem:s5] =	stream.indirect_vreg.scatter.add.s32 [tilespmem:s7], [sflag:$0x1], $0x1, v0, vm0, $0x4038;
	[tilespmem:$0x408] =	vst v63  }
0x29: {  	v0 =	vld.msk [tilespmem:s8+$0x0 ss:$0x1], $0xffff;
	_ =	sdelay $0x4  }
0x2a: {  	v0 =	vmin.u32 v0, $0x80;
	_ =	sdelay $0x3  }
0x2b: {  	s10 =	simm.s32 $0x168;
	s9 =	simm.s32 $0x358  }
0x2c: {  	[spmem:s5] =	stream.indirect_vreg.scatter.add.s32 [tilespmem:s9], [sflag:$0x1], $0x1, v0, vm0, $0x4038;
	[tilespmem:$0x408] =	vst v63  }
0x2d: {  	v0 =	vld.msk [tilespmem:s10+$0x0 ss:$0x1], $0xffff;
	_ =	sdelay $0x4  }
0x2e: {  	v0 =	vmin.u32 v0, $0x80;
	_ =	sdelay $0x3  }
0x2f: {  	s11 =	simm.s32 $0x368;
	s12 =	simm.s32 $0x178  }
0x30: {  	[spmem:s5] =	stream.indirect_vreg.scatter.add.s32 [tilespmem:s11], [sflag:$0x1], $0x1, v0, vm0, $0x4038;
	[tilespmem:$0x408] =	vst v63  }
0x31: {  	v0 =	vld.msk [tilespmem:s12+$0x0 ss:$0x1], $0xffff;
	_ =	sdelay $0x4  }
0x32: {  	v0 =	vmin.u32 v0, $0x80;
	_ =	sdelay $0x3  }
0x33: {  	s13 =	simm.s32 $0x378;
	s14 =	simm.s32 $0x188  }
0x34: {  	[spmem:s5] =	stream.indirect_vreg.scatter.add.s32 [tilespmem:s13], [sflag:$0x1], $0x1, v0, vm0, $0x4038;
	[tilespmem:$0x408] =	vst v63  }
0x35: {  	v0 =	vld.msk [tilespmem:s14+$0x0 ss:$0x1], $0xffff;
	_ =	sdelay $0x4  }
0x36: {  	v0 =	vmin.u32 v0, $0x80;
	_ =	sdelay $0x3  }
0x37: {  	s15 =	simm.s32 $0x388;
	s16 =	simm.s32 $0x198  }
0x38: {  	[spmem:s5] =	stream.indirect_vreg.scatter.add.s32 [tilespmem:s15], [sflag:$0x1], $0x1, v0, vm0, $0x4038;
	[tilespmem:$0x408] =	vst v63  }
0x39: {  	v0 =	vld.msk [tilespmem:s16+$0x0 ss:$0x1], $0xffff;
	_ =	sdelay $0x4  }
0x3a: {  	v0 =	vmin.u32 v0, $0x80;
	_ =	sdelay $0x3  }
0x3b: {  	s17 =	simm.s32 $0x398;
	s18 =	simm.s32 $0x1A8  }
0x3c: {  	[spmem:s5] =	stream.indirect_vreg.scatter.add.s32 [tilespmem:s17], [sflag:$0x1], $0x1, v0, vm0, $0x4038;
	[tilespmem:$0x408] =	vst v63  }
0x3d: {  	v0 =	vld.msk [tilespmem:s18+$0x0 ss:$0x1], $0xffff;
	_ =	sdelay $0x4  }
0x3e: {  	v0 =	vmin.u32 v0, $0x80;
	_ =	sdelay $0x3  }
0x3f: {  	s19 =	simm.s32 $0x3A8;
	s20 =	simm.s32 $0x1B8  }
0x40: {  	[spmem:s5] =	stream.indirect_vreg.scatter.add.s32 [tilespmem:s19], [sflag:$0x1], $0x1, v0, vm0, $0x4038;
	[tilespmem:$0x408] =	vst v63  }
0x41: {  	v0 =	vld.msk [tilespmem:s20+$0x0 ss:$0x1], $0xffff;
	_ =	sdelay $0x4  }
0x42: {  	v0 =	vmin.u32 v0, $0x80;
	_ =	sdelay $0x3  }
0x43: {  	s21 =	simm.s32 $0x3B8;
	s22 =	simm.s32 $0x1C8  }
0x44: {  	[spmem:s5] =	stream.indirect_vreg.scatter.add.s32 [tilespmem:s21], [sflag:$0x1], $0x1, v0, vm0, $0x4038;
	[tilespmem:$0x408] =	vst v63  }
0x45: {  	v0 =	vld.msk [tilespmem:s22+$0x0 ss:$0x1], $0xffff;
	_ =	sdelay $0x4  }
0x46: {  	v0 =	vmin.u32 v0, $0x80;
	_ =	sdelay $0x3  }
0x47: {  	s23 =	simm.s32 $0x3C8;
	s24 =	simm.s32 $0x1D8  }
0x48: {  	[spmem:s5] =	stream.indirect_vreg.scatter.add.s32 [tilespmem:s23], [sflag:$0x1], $0x1, v0, vm0, $0x4038;
	[tilespmem:$0x408] =	vst v63  }
0x49: {  	v0 =	vld.msk [tilespmem:s24+$0x0 ss:$0x1], $0xffff;
	_ =	sdelay $0x4  }
0x4a: {  	v0 =	vmin.u32 v0, $0x80;
	_ =	sdelay $0x3  }
0x4b: {  	s25 =	simm.s32 $0x3D8;
	s26 =	simm.s32 $0x1E8  }
0x4c: {  	[spmem:s5] =	stream.indirect_vreg.scatter.add.s32 [tilespmem:s25], [sflag:$0x1], $0x1, v0, vm0, $0x4038;
	[tilespmem:$0x408] =	vst v63  }
0x4d: {  	v0 =	vld.msk [tilespmem:s26+$0x0 ss:$0x1], $0xffff;
	_ =	sdelay $0x4  }
0x4e: {  	v0 =	vmin.u32 v0, $0x80;
	_ =	sdelay $0x3  }
0x4f: {  	s28 =	simm.s32 $0x3E8;
	s29 =	simm.s32 $0x1F8  }
0x50: {  	[spmem:s5] =	stream.indirect_vreg.scatter.add.s32 [tilespmem:s28], [sflag:$0x1], $0x1, v0, vm0, $0x4038;
	[tilespmem:$0x408] =	vst v63  }
0x51: {  	v0 =	vld.msk [tilespmem:s29+$0x0 ss:$0x1], $0xffff;
	_ =	sdelay $0x4  }
0x52: {  	v0 =	vmin.u32 v0, $0x80;
	_ =	sdelay $0x3  }
0x53: {  	s30 =	simm.s32 $0x3F8  }
0x54: {  	[spmem:s5] =	stream.indirect_vreg.scatter.add.s32 [tilespmem:s30], [sflag:$0x1], $0x1, v0, vm0, $0x4038;
	[tilespmem:$0x408] =	vst v63  }
0x55: {  	_ =	swait.ge [sflag:s3], $0x100  }
0x56: {  	[sflag:s3] =	ssyncset.done $0x0  }
0x57: {  	[sflag:s3] =	ssyncadd.s32 $0xFFFFFF00  }
0x58: {  	_ =	sfence.sel $0x180000  }
0x59: {  	[bflag:$0x0] =	sbarrier.arrive $0xFFFF  }
0x5a: {  	[sflag:s4] =	ssyncpa.u1 $0x1  }
0x5b: {  	[sflag:s3] =	ssyncpa.u1 $0x1  }
0x5c: {  	_ =	sfence.stream.spmem  }
0x5d: {  	s31 =	simm.s32 $0x3D;
	[bflag:$0x0] =	sbarrier.arrive $0xFFFF  }
0x5e: {  	s3 =	simm.s32 @p0 $0x3D;
	[sflag:s31] =	ssyncpa.u1 $0x0  }
0x5f: {  	[sflag:s3] =	ssyncpa.u1 @p0 $0x1  }
0x60: {  	[bflag:$0x0] =	sbarrier.arrive @p0 $0xFFFF  }
0x61: {  	_ =	strace @p0 $0x90000047  }
0x62: {  	s3 =	simm.s32 @!p0 $0x1C3D;
	[bflag:$0x2] =	sbarrier.arrive @p0 $0xFFFF  }
0x63: {  	[hbm:s1], [sflag:s3] =	dma.local @!p0 [spmem:s2], $0x10  }
0x64: {  	s1 =	simm.s32 @!p0 $0x3D  }
0x65: {  	_ =	swait.ge @!p0 [sflag:s1], $0x10  }
0x66: {  	[sflag:s1] =	ssyncset.done @!p0 $0x0  }
0x67: {  	[sflag:s1] =	ssyncadd.s32 @!p0 $0xFFFFFFF0  }
0x68: {  	[sflag:s1] =	ssyncpa.u1 @!p0 $0x1  }
0x69: {  	[bflag:$0x0] =	sbarrier.arrive @!p0 $0xFFFF  }
0x6a: {  	_ =	strace @!p0 $0x90000047  }
0x6b: {  	s0 =	sadd.s32 @!p0 $0x100000, s0;
	[bflag:$0x2] =	sbarrier.arrive @!p0 $0xFFFF  }
0x6c: {  	[sflag:s0] =	ssyncadd.tile.s32 @!p0 $0x1;
	_ =	shalt  }
.Lfunc_end2:
_tile_overlayer_lowered:
.L_overlay_start_2:
0x6d: {  	(tag) =	ssettag $0x2  }
0x6e: {  	s0 =	rddreg [dreg:$0x0];
	s2 =	stileid.u32  }
0x6f: {  	s1 =	rddreg [dreg:$0x1];
	p0 =	sne.s32 s2, $0x0  }
0x70: {  	s3 =	rddreg [dreg:$0x2];
	[bflag:$0x3] =	sbarrier.arrive $0xFFFF;
	s2 =	simm.s32 @!p0 $0x1C01  }
0x71: {  	[timem:s3], [sflag:s2] =	dma.local @!p0 [hbm:s0], s1  }
0x72: {  	s0 =	simm.s32 @!p0 $0x1  }
0x73: {  	_ =	swait.ge @!p0 [sflag:s0], s1  }
0x74: {  	s1 =	ssub.s32 @!p0 $0x0, s1;
	[sflag:s0] =	ssyncset.done @!p0 $0x0  }
0x75: {  	[sflag:s0] =	ssyncadd.s32 @!p0 s1  }
0x76: {  	[bflag:$0x3] =	sbarrier.arrive $0xFFFF  }
0x77: {  	_ =	shalt  }

</sc_bundles>
